<compile_context>
chip_gen: v7x
topology: tpu7x:2x2x1
jax: 0.10.2.dev20260603
libtpu: 0.0.44.dev20260713+nightly
codegen_flags: <defaults>
</compile_context>

<pallas_src>
import jax
import jax.numpy as jnp
from jax import lax
from jax.experimental import pallas as pl
from jax.experimental.pallas import tpu as pltpu
from jax.experimental.pallas import tpu_sc as plsc

_LAMB_COORD = 5.0
_LAMB_NOOBJ = 0.5
_B, _C, _S = 2048, 30, 7
_S2 = _S * _S
_BW = 512
_NBP = _B // _BW
_NTASK = _S2 * _NBP
_NW = 32
_SH = 2
_PAIRS = 3


def _sqrt16(x):
    x = jnp.maximum(x, 1e-12)
    i = plsc.bitcast(x, jnp.int32)
    i = jnp.int32(0x5F3759DF) - lax.shift_right_logical(i, 1)
    r = plsc.bitcast(i, jnp.float32)
    for _ in range(2):
        r = r * (1.5 - 0.5 * x * r * r)
    return x * r


def _tree_sum(vals):
    vals = list(vals)
    while len(vals) > 1:
        nxt = [a + b for a, b in zip(vals[::2], vals[1::2])]
        if len(vals) % 2:
            nxt.append(vals[-1])
        vals = nxt
    return vals[0]


_HI = 24
_LO = _C - _HI


def _sc_body(p_hbm, g_hbm, out_hbm,
             ph_a, pl_a, gh_a, gl_a, ph_b, pl_b, gh_b, gl_b, acc_ref,
             sem_a, sem_b):
    cid = lax.axis_index("c")
    sid = lax.axis_index("s")
    w = sid * 2 + cid

    def issue(t, p_hi, p_lo, g_hi, g_lo, sem):
        @pl.when(t < _NTASK)
        def _():
            cell = lax.shift_right_logical(t, _SH)
            b0 = lax.bitwise_and(t, _NBP - 1) * _BW
            pltpu.async_copy(p_hbm.at[cell, pl.ds(0, _HI), pl.ds(b0, _BW)],
                             p_hi, sem)
            pltpu.async_copy(p_hbm.at[cell, pl.ds(_HI, _LO), pl.ds(b0, _BW)],
                             p_lo, sem)
            pltpu.async_copy(g_hbm.at[cell, pl.ds(0, _HI), pl.ds(b0, _BW)],
                             g_hi, sem)
            pltpu.async_copy(g_hbm.at[cell, pl.ds(_HI, _LO), pl.ds(b0, _BW)],
                             g_lo, sem)

    def drain(t, p_hi, p_lo, g_hi, g_lo, sem):
        @pl.when(t < _NTASK)
        def _():
            dummy_hi = p_hbm.at[0, pl.ds(0, _HI), pl.ds(0, _BW)]
            dummy_lo = p_hbm.at[0, pl.ds(_HI, _LO), pl.ds(0, _BW)]
            pltpu.make_async_copy(dummy_hi, p_hi, sem).wait()
            pltpu.make_async_copy(dummy_lo, p_lo, sem).wait()
            pltpu.make_async_copy(dummy_hi, g_hi, sem).wait()
            pltpu.make_async_copy(dummy_lo, g_lo, sem).wait()

    def compute(t, p_hi, p_lo, g_hi, g_lo, acc):
        vf = jnp.float32(1.0)
        vh = vf * _LAMB_NOOBJ

        def ld(bufs, c, o):
            hi, lo = bufs
            if c < _HI:
                return hi[c, pl.ds(o, 16)]
            return lo[c - _HI, pl.ds(o, 16)]

        pb = (p_hi, p_lo)
        gb = (g_hi, g_lo)

        def chunk(k, acc):
            o = k * 16
            mg = ld(gb, 4, o)
            m = jnp.where(mg == 1.0, vf, 0.0)
            def sqdiff(c):
                d = ld(pb, c, o) - ld(gb, c, o)
                return d * d

            s_xy = _tree_sum([sqdiff(c) for c in (0, 1, 5, 6)])
            wh = []
            for c in (2, 3, 7, 8):
                pv = ld(pb, c, o)
                gv = ld(gb, c, o)
                wh.append(pv + gv - 2.0 * _sqrt16(pv * gv))
            s_wh = _tree_sum(wh)
            d4 = ld(pb, 4, o) - mg
            d9 = ld(pb, 9, o) - ld(gb, 9, o)
            s_conf = d4 * d4 + d9 * d9
            s_cls = _tree_sum([sqdiff(c) for c in range(10, 30)])
            return acc + (m * (_LAMB_COORD * (s_xy + s_wh) + s_cls
                               + (1.0 - _LAMB_NOOBJ) * s_conf)
                          + vh * s_conf)

        return lax.fori_loop(0, _BW // 16, chunk, acc, unroll=False)

    def compute_if(t, p_hi, p_lo, g_hi, g_lo, acc):
        return lax.cond(t < _NTASK,
                        lambda a: compute(t, p_hi, p_lo, g_hi, g_lo, a),
                        lambda a: a, acc)

    issue(w, ph_a, pl_a, gh_a, gl_a, sem_a)

    def pair_body(jj, acc):
        t0 = w + _NW * 2 * jj
        issue(t0 + _NW, ph_b, pl_b, gh_b, gl_b, sem_b)
        drain(t0, ph_a, pl_a, gh_a, gl_a, sem_a)
        acc = compute_if(t0, ph_a, pl_a, gh_a, gl_a, acc)
        issue(t0 + 2 * _NW, ph_a, pl_a, gh_a, gl_a, sem_a)
        drain(t0 + _NW, ph_b, pl_b, gh_b, gl_b, sem_b)
        acc = compute_if(t0 + _NW, ph_b, pl_b, gh_b, gl_b, acc)
        return acc

    acc = lax.fori_loop(0, _PAIRS, pair_body,
                        jnp.zeros((16,), jnp.float32), unroll=False)
    t_ep = w + 2 * _PAIRS * _NW
    drain(t_ep, ph_a, pl_a, gh_a, gl_a, sem_a)
    acc = compute_if(t_ep, ph_a, pl_a, gh_a, gl_a, acc)
    acc_ref[...] = acc
    pltpu.sync_copy(acc_ref, out_hbm.at[pl.ds(w * 16, 16)])


@jax.jit
def _sc_loss(pt, gtt):
    mesh = plsc.VectorSubcoreMesh(core_axis_name="c", subcore_axis_name="s")
    run = pl.kernel(
        _sc_body,
        out_type=jax.ShapeDtypeStruct((_NW * 16,), jnp.float32),
        mesh=mesh,
        scratch_types=[
            pltpu.VMEM((_HI, _BW), jnp.float32),
            pltpu.VMEM((_LO, _BW), jnp.float32),
            pltpu.VMEM((_HI, _BW), jnp.float32),
            pltpu.VMEM((_LO, _BW), jnp.float32),
            pltpu.VMEM((_HI, _BW), jnp.float32),
            pltpu.VMEM((_LO, _BW), jnp.float32),
            pltpu.VMEM((_HI, _BW), jnp.float32),
            pltpu.VMEM((_LO, _BW), jnp.float32),
            pltpu.VMEM((16,), jnp.float32),
            pltpu.SemaphoreType.DMA,
            pltpu.SemaphoreType.DMA,
        ],
        compiler_params=pltpu.CompilerParams(
            needs_layout_passes=False, use_tc_tiling_on_sc=True),
    )
    return run(pt, gtt)


def kernel(pred, gt):
    b = pred.shape[0]
    pt = jnp.transpose(pred, (2, 3, 1, 0)).reshape(_S2, _C, _B)
    gtt = jnp.transpose(gt, (2, 3, 1, 0)).reshape(_S2, _C, _B)
    partials = _sc_loss(pt, gtt)
    return jnp.sum(partials) / b

# --- scband reference (transcript-rebuilt; emitter-appended) ---
"""Pipeline reference for scband-yolov1-loss-64158221467742 (READ-ONLY COPY).

The authoritative reference and input builder live on the scoring server;
editing this copy changes nothing except your own understanding.
"""

import jax, jax.numpy as jnp
import numpy as np

LAMB_COORD = 5.0
LAMB_NOOBJ = 0.5

def setup_inputs(seed: int = 0) -> dict:
    key = jax.random.key(seed)
    k1, k2, k3 = jax.random.split(key, 3)
    B, C, S = 2048, 30, 7
    pred = jax.random.uniform(k1, (B, C, S, S), dtype=jnp.float32)
    gt = jax.random.uniform(k2, (B, C, S, S), dtype=jnp.float32)
    # Make the objectness channel (index 4) a realistic binary mask with exact 1.0s
    conf = (jax.random.uniform(k3, (B, S, S), dtype=jnp.float32) < 0.06).astype(jnp.float32)
    gt = gt.at[:, 4, :, :].set(conf)
    return {"pred": pred, "gt": gt}

def reference(pred, gt):
    b = pred.shape[0]
    p = jnp.transpose(pred, (0, 2, 3, 1))
    g = jnp.transpose(gt, (0, 2, 3, 1))
    obj = (g[..., 4] == 1.0)
    objf = obj.astype(p.dtype)[..., None]
    noobjf = (~obj).astype(p.dtype)[..., None]
    xy_idx = jnp.array([0, 1, 5, 6])
    wh_idx = jnp.array([2, 3, 7, 8])
    conf_idx = jnp.array([4, 9])
    cls_idx = jnp.arange(10, 30)
    # xy loss (only over obj cells; mask-weighted sum == gather + MSE(sum))
    p_xy = p[..., xy_idx]
    g_xy = g[..., xy_idx]
    xy_loss = LAMB_COORD * jnp.sum(objf * (p_xy - g_xy) ** 2)
    # wh loss with sqrt; guard non-obj entries so sqrt is only "seen" on obj cells
    p_wh = jnp.where(obj[..., None], p[..., wh_idx], 1.0)
    g_wh = jnp.where(obj[..., None], g[..., wh_idx], 1.0)
    wh_loss = LAMB_COORD * jnp.sum(objf * (jnp.sqrt(p_wh) - jnp.sqrt(g_wh)) ** 2)
    coord_loss = xy_loss + wh_loss
    # confidence loss
    p_c = p[..., conf_idx]
    g_c = g[..., conf_idx]
    conf_loss_obj = jnp.sum(objf * (p_c - g_c) ** 2)
    conf_loss_noobj = LAMB_NOOBJ * jnp.sum(noobjf * (p_c - g_c) ** 2)
    conf_loss = conf_loss_obj + conf_loss_noobj
    # class loss
    p_cls = p[..., cls_idx]
    g_cls = g[..., cls_idx]
    cls_loss = jnp.sum(objf * (p_cls - g_cls) ** 2)
    loss = (coord_loss + conf_loss + cls_loss) / b
    return loss

if __name__ == "__main__":
    import jax
    _d = setup_inputs()
    print(jax.jit(kernel)(*tuple(_d.values())))

</pallas_src>

<mosaic_0001>
#map = affine_map<(d0, d1) -> (0, 0, 0)>
#map1 = affine_map<(d0, d1) -> (0)>
module attributes {stable_mosaic.version = 14 : i64} {
  func.func @_sc_body(%arg0: i32, %arg1: i32, %arg2: memref<49x30x2048xf32, #tpu.memory_space<hbm>>, %arg3: memref<49x30x2048xf32, #tpu.memory_space<hbm>>, %arg4: memref<512xf32, #tpu.memory_space<hbm>>, %arg5: memref<24x512xf32, #tpu.memory_space<vmem>>, %arg6: memref<6x512xf32, #tpu.memory_space<vmem>>, %arg7: memref<24x512xf32, #tpu.memory_space<vmem>>, %arg8: memref<6x512xf32, #tpu.memory_space<vmem>>, %arg9: memref<24x512xf32, #tpu.memory_space<vmem>>, %arg10: memref<6x512xf32, #tpu.memory_space<vmem>>, %arg11: memref<24x512xf32, #tpu.memory_space<vmem>>, %arg12: memref<6x512xf32, #tpu.memory_space<vmem>>, %arg13: memref<16xf32, #tpu.memory_space<vmem>>, %arg14: memref<!tpu.dma_semaphore, #tpu.memory_space<semaphore_mem>>, %arg15: memref<!tpu.dma_semaphore, #tpu.memory_space<semaphore_mem>>) attributes {dimension_semantics = [#tpu.dimension_semantics<core_parallel>, #tpu.dimension_semantics<subcore_parallel>], iteration_bounds = array<i64: 2, 16>, scalar_prefetch = 0 : i64, scratch_operands = 11 : i64, tpu.core_type = #tpu.core_type<sc_vector_subcore>, window_params = [{transform_indices = #map}, {transform_indices = #map}, {transform_indices = #map1}]} {
    %mul3A = arith.constant 2 : i32
    %mul3A_0 = arith.muli %arg1, %mul3A : i32
    %add3A = arith.addi %mul3A_0, %arg0 : i32
    %lt3A = arith.constant 196 : i32
    %lt3A_1 = arith.cmpi slt, %add3A, %lt3A : i32
    %convert_element_type3A = arith.extui %lt3A_1 : i1 to i32
    %cond3A = arith.constant 0 : i32
    %cond3A_2 = arith.cmpi ne, %convert_element_type3A, %cond3A : i32
    scf.if %cond3A_2 {
      %shift_right_logical3A = arith.constant 2 : i32
      %shift_right_logical3A_25 = arith.shrui %add3A, %shift_right_logical3A : i32
      %and3A = arith.constant 3 : i32
      %and3A_26 = arith.andi %add3A, %and3A : i32
      %mul3A_27 = arith.constant 512 : i32
      %mul3A_28 = arith.muli %and3A_26, %mul3A_27 : i32
      %dma_start3A = arith.constant 0 : i32
      %dma_start3A_29 = tpu.memref_slice %arg2[%shift_right_logical3A_25, %dma_start3A, %mul3A_28] : memref<49x30x2048xf32, #tpu.memory_space<hbm>> -> memref<1x24x512xf32, #tpu.memory_space<hbm>>
      %dma_start3A_30 = tpu.memref_squeeze %dma_start3A_29 : memref<1x24x512xf32, #tpu.memory_space<hbm>> -> memref<24x512xf32, #tpu.memory_space<hbm>>
      %dma_start3A_31 = arith.constant 0 : i32
      %dma_start3A_32 = tpu.memref_slice %arg2[%shift_right_logical3A_25, %dma_start3A_31, %mul3A_28] : memref<49x30x2048xf32, #tpu.memory_space<hbm>> -> memref<1x24x512xf32, #tpu.memory_space<hbm>>
      %dma_start3A_33 = tpu.memref_squeeze %dma_start3A_32 : memref<1x24x512xf32, #tpu.memory_space<hbm>> -> memref<24x512xf32, #tpu.memory_space<hbm>>
      tpu.enqueue_dma source(%dma_start3A_33 : memref<24x512xf32, #tpu.memory_space<hbm>>) target(%arg5 : memref<24x512xf32, #tpu.memory_space<vmem>>) target_semaphore(%arg14 : memref<!tpu.dma_semaphore, #tpu.memory_space<semaphore_mem>>)
      %dma_start3A_34 = arith.constant 24 : i32
      %dma_start3A_35 = tpu.memref_slice %arg2[%shift_right_logical3A_25, %dma_start3A_34, %mul3A_28] : memref<49x30x2048xf32, #tpu.memory_space<hbm>> -> memref<1x6x512xf32, #tpu.memory_space<hbm>>
      %dma_start3A_36 = tpu.memref_squeeze %dma_start3A_35 : memref<1x6x512xf32, #tpu.memory_space<hbm>> -> memref<6x512xf32, #tpu.memory_space<hbm>>
      %dma_start3A_37 = arith.constant 24 : i32
      %dma_start3A_38 = tpu.memref_slice %arg2[%shift_right_logical3A_25, %dma_start3A_37, %mul3A_28] : memref<49x30x2048xf32, #tpu.memory_space<hbm>> -> memref<1x6x512xf32, #tpu.memory_space<hbm>>
      %dma_start3A_39 = tpu.memref_squeeze %dma_start3A_38 : memref<1x6x512xf32, #tpu.memory_space<hbm>> -> memref<6x512xf32, #tpu.memory_space<hbm>>
      tpu.enqueue_dma source(%dma_start3A_39 : memref<6x512xf32, #tpu.memory_space<hbm>>) target(%arg6 : memref<6x512xf32, #tpu.memory_space<vmem>>) target_semaphore(%arg14 : memref<!tpu.dma_semaphore, #tpu.memory_space<semaphore_mem>>)
      %dma_start3A_40 = arith.constant 0 : i32
      %dma_start3A_41 = tpu.memref_slice %arg3[%shift_right_logical3A_25, %dma_start3A_40, %mul3A_28] : memref<49x30x2048xf32, #tpu.memory_space<hbm>> -> memref<1x24x512xf32, #tpu.memory_space<hbm>>
      %dma_start3A_42 = tpu.memref_squeeze %dma_start3A_41 : memref<1x24x512xf32, #tpu.memory_space<hbm>> -> memref<24x512xf32, #tpu.memory_space<hbm>>
      %dma_start3A_43 = arith.constant 0 : i32
      %dma_start3A_44 = tpu.memref_slice %arg3[%shift_right_logical3A_25, %dma_start3A_43, %mul3A_28] : memref<49x30x2048xf32, #tpu.memory_space<hbm>> -> memref<1x24x512xf32, #tpu.memory_space<hbm>>
      %dma_start3A_45 = tpu.memref_squeeze %dma_start3A_44 : memref<1x24x512xf32, #tpu.memory_space<hbm>> -> memref<24x512xf32, #tpu.memory_space<hbm>>
      tpu.enqueue_dma source(%dma_start3A_45 : memref<24x512xf32, #tpu.memory_space<hbm>>) target(%arg7 : memref<24x512xf32, #tpu.memory_space<vmem>>) target_semaphore(%arg14 : memref<!tpu.dma_semaphore, #tpu.memory_space<semaphore_mem>>)
      %dma_start3A_46 = arith.constant 24 : i32
      %dma_start3A_47 = tpu.memref_slice %arg3[%shift_right_logical3A_25, %dma_start3A_46, %mul3A_28] : memref<49x30x2048xf32, #tpu.memory_space<hbm>> -> memref<1x6x512xf32, #tpu.memory_space<hbm>>
      %dma_start3A_48 = tpu.memref_squeeze %dma_start3A_47 : memref<1x6x512xf32, #tpu.memory_space<hbm>> -> memref<6x512xf32, #tpu.memory_space<hbm>>
      %dma_start3A_49 = arith.constant 24 : i32
      %dma_start3A_50 = tpu.memref_slice %arg3[%shift_right_logical3A_25, %dma_start3A_49, %mul3A_28] : memref<49x30x2048xf32, #tpu.memory_space<hbm>> -> memref<1x6x512xf32, #tpu.memory_space<hbm>>
      %dma_start3A_51 = tpu.memref_squeeze %dma_start3A_50 : memref<1x6x512xf32, #tpu.memory_space<hbm>> -> memref<6x512xf32, #tpu.memory_space<hbm>>
      tpu.enqueue_dma source(%dma_start3A_51 : memref<6x512xf32, #tpu.memory_space<hbm>>) target(%arg8 : memref<6x512xf32, #tpu.memory_space<vmem>>) target_semaphore(%arg14 : memref<!tpu.dma_semaphore, #tpu.memory_space<semaphore_mem>>)
    } else {
    }
    %broadcast_in_dim3A = arith.constant 0.000000e+00 : f32
    %broadcast_in_dim3A_3 = vector.broadcast %broadcast_in_dim3A : f32 to vector<16xf32>
    %scan3A = arith.constant 0 : i32
    %scan3A_4 = arith.constant 3 : i32
    %scan3A_5 = arith.addi %scan3A, %scan3A_4 : i32
    %scan3A_6 = arith.constant 1 : i32
    %scan3A_7 = scf.for %scan3A_25 = %scan3A to %scan3A_5 step %scan3A_6 iter_args(%scan3A_26 = %broadcast_in_dim3A_3) -> (vector<16xf32>)  : i32 {
      %mul3A_27 = arith.constant 64 : i32
      %mul3A_28 = arith.muli %mul3A_27, %scan3A_25 : i32
      %add3A_29 = arith.addi %add3A, %mul3A_28 : i32
      %add3A_30 = arith.constant 32 : i32
      %add3A_31 = arith.addi %add3A_29, %add3A_30 : i32
      %lt3A_32 = arith.constant 196 : i32
      %lt3A_33 = arith.cmpi slt, %add3A_31, %lt3A_32 : i32
      %convert_element_type3A_34 = arith.extui %lt3A_33 : i1 to i32
      %cond3A_35 = arith.constant 0 : i32
      %cond3A_36 = arith.cmpi ne, %convert_element_type3A_34, %cond3A_35 : i32
      scf.if %cond3A_36 {
        %shift_right_logical3A = arith.constant 2 : i32
        %shift_right_logical3A_70 = arith.shrui %add3A_31, %shift_right_logical3A : i32
        %and3A = arith.constant 3 : i32
        %and3A_71 = arith.andi %add3A_31, %and3A : i32
        %mul3A_72 = arith.constant 512 : i32
        %mul3A_73 = arith.muli %and3A_71, %mul3A_72 : i32
        %dma_start3A = arith.constant 0 : i32
        %dma_start3A_74 = tpu.memref_slice %arg2[%shift_right_logical3A_70, %dma_start3A, %mul3A_73] : memref<49x30x2048xf32, #tpu.memory_space<hbm>> -> memref<1x24x512xf32, #tpu.memory_space<hbm>>
        %dma_start3A_75 = tpu.memref_squeeze %dma_start3A_74 : memref<1x24x512xf32, #tpu.memory_space<hbm>> -> memref<24x512xf32, #tpu.memory_space<hbm>>
        %dma_start3A_76 = arith.constant 0 : i32
        %dma_start3A_77 = tpu.memref_slice %arg2[%shift_right_logical3A_70, %dma_start3A_76, %mul3A_73] : memref<49x30x2048xf32, #tpu.memory_space<hbm>> -> memref<1x24x512xf32, #tpu.memory_space<hbm>>
        %dma_start3A_78 = tpu.memref_squeeze %dma_start3A_77 : memref<1x24x512xf32, #tpu.memory_space<hbm>> -> memref<24x512xf32, #tpu.memory_space<hbm>>
        tpu.enqueue_dma source(%dma_start3A_78 : memref<24x512xf32, #tpu.memory_space<hbm>>) target(%arg9 : memref<24x512xf32, #tpu.memory_space<vmem>>) target_semaphore(%arg15 : memref<!tpu.dma_semaphore, #tpu.memory_space<semaphore_mem>>)
        %dma_start3A_79 = arith.constant 24 : i32
        %dma_start3A_80 = tpu.memref_slice %arg2[%shift_right_logical3A_70, %dma_start3A_79, %mul3A_73] : memref<49x30x2048xf32, #tpu.memory_space<hbm>> -> memref<1x6x512xf32, #tpu.memory_space<hbm>>
        %dma_start3A_81 = tpu.memref_squeeze %dma_start3A_80 : memref<1x6x512xf32, #tpu.memory_space<hbm>> -> memref<6x512xf32, #tpu.memory_space<hbm>>
        %dma_start3A_82 = arith.constant 24 : i32
        %dma_start3A_83 = tpu.memref_slice %arg2[%shift_right_logical3A_70, %dma_start3A_82, %mul3A_73] : memref<49x30x2048xf32, #tpu.memory_space<hbm>> -> memref<1x6x512xf32, #tpu.memory_space<hbm>>
        %dma_start3A_84 = tpu.memref_squeeze %dma_start3A_83 : memref<1x6x512xf32, #tpu.memory_space<hbm>> -> memref<6x512xf32, #tpu.memory_space<hbm>>
        tpu.enqueue_dma source(%dma_start3A_84 : memref<6x512xf32, #tpu.memory_space<hbm>>) target(%arg10 : memref<6x512xf32, #tpu.memory_space<vmem>>) target_semaphore(%arg15 : memref<!tpu.dma_semaphore, #tpu.memory_space<semaphore_mem>>)
        %dma_start3A_85 = arith.constant 0 : i32
        %dma_start3A_86 = tpu.memref_slice %arg3[%shift_right_logical3A_70, %dma_start3A_85, %mul3A_73] : memref<49x30x2048xf32, #tpu.memory_space<hbm>> -> memref<1x24x512xf32, #tpu.memory_space<hbm>>
        %dma_start3A_87 = tpu.memref_squeeze %dma_start3A_86 : memref<1x24x512xf32, #tpu.memory_space<hbm>> -> memref<24x512xf32, #tpu.memory_space<hbm>>
        %dma_start3A_88 = arith.constant 0 : i32
        %dma_start3A_89 = tpu.memref_slice %arg3[%shift_right_logical3A_70, %dma_start3A_88, %mul3A_73] : memref<49x30x2048xf32, #tpu.memory_space<hbm>> -> memref<1x24x512xf32, #tpu.memory_space<hbm>>
        %dma_start3A_90 = tpu.memref_squeeze %dma_start3A_89 : memref<1x24x512xf32, #tpu.memory_space<hbm>> -> memref<24x512xf32, #tpu.memory_space<hbm>>
        tpu.enqueue_dma source(%dma_start3A_90 : memref<24x512xf32, #tpu.memory_space<hbm>>) target(%arg11 : memref<24x512xf32, #tpu.memory_space<vmem>>) target_semaphore(%arg15 : memref<!tpu.dma_semaphore, #tpu.memory_space<semaphore_mem>>)
        %dma_start3A_91 = arith.constant 24 : i32
        %dma_start3A_92 = tpu.memref_slice %arg3[%shift_right_logical3A_70, %dma_start3A_91, %mul3A_73] : memref<49x30x2048xf32, #tpu.memory_space<hbm>> -> memref<1x6x512xf32, #tpu.memory_space<hbm>>
        %dma_start3A_93 = tpu.memref_squeeze %dma_start3A_92 : memref<1x6x512xf32, #tpu.memory_space<hbm>> -> memref<6x512xf32, #tpu.memory_space<hbm>>
        %dma_start3A_94 = arith.constant 24 : i32
        %dma_start3A_95 = tpu.memref_slice %arg3[%shift_right_logical3A_70, %dma_start3A_94, %mul3A_73] : memref<49x30x2048xf32, #tpu.memory_space<hbm>> -> memref<1x6x512xf32, #tpu.memory_space<hbm>>
        %dma_start3A_96 = tpu.memref_squeeze %dma_start3A_95 : memref<1x6x512xf32, #tpu.memory_space<hbm>> -> memref<6x512xf32, #tpu.memory_space<hbm>>
        tpu.enqueue_dma source(%dma_start3A_96 : memref<6x512xf32, #tpu.memory_space<hbm>>) target(%arg12 : memref<6x512xf32, #tpu.memory_space<vmem>>) target_semaphore(%arg15 : memref<!tpu.dma_semaphore, #tpu.memory_space<semaphore_mem>>)
      } else {
      }
      %lt3A_37 = arith.constant 196 : i32
      %lt3A_38 = arith.cmpi slt, %add3A_29, %lt3A_37 : i32
      %convert_element_type3A_39 = arith.extui %lt3A_38 : i1 to i32
      %cond3A_40 = arith.constant 0 : i32
      %cond3A_41 = arith.cmpi ne, %convert_element_type3A_39, %cond3A_40 : i32
      scf.if %cond3A_41 {
        %dma_wait3A = arith.constant 0 : i32
        %dma_wait3A_70 = arith.constant 0 : i32
        %dma_wait3A_71 = arith.constant 0 : i32
        %dma_wait3A_72 = tpu.memref_slice %arg2[%dma_wait3A, %dma_wait3A_70, %dma_wait3A_71] : memref<49x30x2048xf32, #tpu.memory_space<hbm>> -> memref<1x24x512xf32, #tpu.memory_space<hbm>>
        %dma_wait3A_73 = tpu.memref_squeeze %dma_wait3A_72 : memref<1x24x512xf32, #tpu.memory_space<hbm>> -> memref<24x512xf32, #tpu.memory_space<hbm>>
        %dma_wait3A_74 = arith.constant 0 : i32
        %dma_wait3A_75 = arith.constant 0 : i32
        %dma_wait3A_76 = tpu.memref_slice %arg2[%dma_wait3A, %dma_wait3A_74, %dma_wait3A_75] : memref<49x30x2048xf32, #tpu.memory_space<hbm>> -> memref<1x24x512xf32, #tpu.memory_space<hbm>>
        %dma_wait3A_77 = tpu.memref_squeeze %dma_wait3A_76 : memref<1x24x512xf32, #tpu.memory_space<hbm>> -> memref<24x512xf32, #tpu.memory_space<hbm>>
        tpu.wait_dma2 semaphore(%arg14 : memref<!tpu.dma_semaphore, #tpu.memory_space<semaphore_mem>>) src(%dma_wait3A_77 : memref<24x512xf32, #tpu.memory_space<hbm>>) dst(%arg5 : memref<24x512xf32, #tpu.memory_space<vmem>>)
        %dma_wait3A_78 = arith.constant 0 : i32
        %dma_wait3A_79 = arith.constant 24 : i32
        %dma_wait3A_80 = arith.constant 0 : i32
        %dma_wait3A_81 = tpu.memref_slice %arg2[%dma_wait3A_78, %dma_wait3A_79, %dma_wait3A_80] : memref<49x30x2048xf32, #tpu.memory_space<hbm>> -> memref<1x6x512xf32, #tpu.memory_space<hbm>>
        %dma_wait3A_82 = tpu.memref_squeeze %dma_wait3A_81 : memref<1x6x512xf32, #tpu.memory_space<hbm>> -> memref<6x512xf32, #tpu.memory_space<hbm>>
        %dma_wait3A_83 = arith.constant 24 : i32
        %dma_wait3A_84 = arith.constant 0 : i32
        %dma_wait3A_85 = tpu.memref_slice %arg2[%dma_wait3A_78, %dma_wait3A_83, %dma_wait3A_84] : memref<49x30x2048xf32, #tpu.memory_space<hbm>> -> memref<1x6x512xf32, #tpu.memory_space<hbm>>
        %dma_wait3A_86 = tpu.memref_squeeze %dma_wait3A_85 : memref<1x6x512xf32, #tpu.memory_space<hbm>> -> memref<6x512xf32, #tpu.memory_space<hbm>>
        tpu.wait_dma2 semaphore(%arg14 : memref<!tpu.dma_semaphore, #tpu.memory_space<semaphore_mem>>) src(%dma_wait3A_86 : memref<6x512xf32, #tpu.memory_space<hbm>>) dst(%arg6 : memref<6x512xf32, #tpu.memory_space<vmem>>)
        %dma_wait3A_87 = arith.constant 0 : i32
        %dma_wait3A_88 = arith.constant 0 : i32
        %dma_wait3A_89 = arith.constant 0 : i32
        %dma_wait3A_90 = tpu.memref_slice %arg2[%dma_wait3A_87, %dma_wait3A_88, %dma_wait3A_89] : memref<49x30x2048xf32, #tpu.memory_space<hbm>> -> memref<1x24x512xf32, #tpu.memory_space<hbm>>
        %dma_wait3A_91 = tpu.memref_squeeze %dma_wait3A_90 : memref<1x24x512xf32, #tpu.memory_space<hbm>> -> memref<24x512xf32, #tpu.memory_space<hbm>>
        %dma_wait3A_92 = arith.constant 0 : i32
        %dma_wait3A_93 = arith.constant 0 : i32
        %dma_wait3A_94 = tpu.memref_slice %arg2[%dma_wait3A_87, %dma_wait3A_92, %dma_wait3A_93] : memref<49x30x2048xf32, #tpu.memory_space<hbm>> -> memref<1x24x512xf32, #tpu.memory_space<hbm>>
        %dma_wait3A_95 = tpu.memref_squeeze %dma_wait3A_94 : memref<1x24x512xf32, #tpu.memory_space<hbm>> -> memref<24x512xf32, #tpu.memory_space<hbm>>
        tpu.wait_dma2 semaphore(%arg14 : memref<!tpu.dma_semaphore, #tpu.memory_space<semaphore_mem>>) src(%dma_wait3A_95 : memref<24x512xf32, #tpu.memory_space<hbm>>) dst(%arg7 : memref<24x512xf32, #tpu.memory_space<vmem>>)
        %dma_wait3A_96 = arith.constant 0 : i32
        %dma_wait3A_97 = arith.constant 24 : i32
        %dma_wait3A_98 = arith.constant 0 : i32
        %dma_wait3A_99 = tpu.memref_slice %arg2[%dma_wait3A_96, %dma_wait3A_97, %dma_wait3A_98] : memref<49x30x2048xf32, #tpu.memory_space<hbm>> -> memref<1x6x512xf32, #tpu.memory_space<hbm>>
        %dma_wait3A_100 = tpu.memref_squeeze %dma_wait3A_99 : memref<1x6x512xf32, #tpu.memory_space<hbm>> -> memref<6x512xf32, #tpu.memory_space<hbm>>
        %dma_wait3A_101 = arith.constant 24 : i32
        %dma_wait3A_102 = arith.constant 0 : i32
        %dma_wait3A_103 = tpu.memref_slice %arg2[%dma_wait3A_96, %dma_wait3A_101, %dma_wait3A_102] : memref<49x30x2048xf32, #tpu.memory_space<hbm>> -> memref<1x6x512xf32, #tpu.memory_space<hbm>>
        %dma_wait3A_104 = tpu.memref_squeeze %dma_wait3A_103 : memref<1x6x512xf32, #tpu.memory_space<hbm>> -> memref<6x512xf32, #tpu.memory_space<hbm>>
        tpu.wait_dma2 semaphore(%arg14 : memref<!tpu.dma_semaphore, #tpu.memory_space<semaphore_mem>>) src(%dma_wait3A_104 : memref<6x512xf32, #tpu.memory_space<hbm>>) dst(%arg8 : memref<6x512xf32, #tpu.memory_space<vmem>>)
      } else {
      }
      %lt3A_42 = arith.constant 196 : i32
      %lt3A_43 = arith.cmpi slt, %add3A_29, %lt3A_42 : i32
      %convert_element_type3A_44 = arith.extui %lt3A_43 : i1 to i32
      %cond3A_45 = arith.constant 0 : i32
      %cond3A_46 = arith.cmpi ne, %convert_element_type3A_44, %cond3A_45 : i32
      %cond3A_47 = scf.if %cond3A_46 -> (vector<16xf32>) {
        %mul3A_70 = arith.constant 1.000000e+00 : f32
        %mul3A_71 = arith.constant 5.000000e-01 : f32
        %mul3A_72 = arith.mulf %mul3A_70, %mul3A_71 : f32
        %scan3A_73 = arith.constant 1.000000e+00 : f32
        %scan3A_74 = arith.constant 0 : i32
        %scan3A_75 = arith.constant 32 : i32
        %scan3A_76 = arith.addi %scan3A_74, %scan3A_75 : i32
        %scan3A_77 = arith.constant 1 : i32
        %scan3A_78 = scf.for %scan3A_80 = %scan3A_74 to %scan3A_76 step %scan3A_77 iter_args(%scan3A_81 = %scan3A_26) -> (vector<16xf32>)  : i32 {
          %mul3A_82 = arith.constant 16 : i32
          %mul3A_83 = arith.muli %scan3A_80, %mul3A_82 : i32
          %get3A = arith.constant 4 : i32
          %get3A_84 = arith.index_cast %get3A : i32 to index
          %get3A_85 = arith.index_cast %mul3A_83 : i32 to index
          %get3A_86 = tpu.vector_load %arg7[%get3A_84, %get3A_85] {strides = array<i32>} : memref<24x512xf32, #tpu.memory_space<vmem>>, vector<16xf32>,
          %eq3A = arith.constant 1.000000e+00 : f32
          %eq3A_87 = vector.broadcast %eq3A : f32 to vector<16xf32>
          %eq3A_88 = arith.cmpf oeq, %get3A_86, %eq3A_87 : vector<16xf32>
          %jit3A = arith.constant 0.000000e+00 : f32
          %broadcast_in_dim3A_89 = vector.broadcast %scan3A_73 : f32 to vector<16xf32>
          %broadcast_in_dim3A_90 = vector.broadcast %jit3A : f32 to vector<16xf32>
          %select_n3A = arith.select %eq3A_88, %broadcast_in_dim3A_89, %broadcast_in_dim3A_90 : vector<16xi1>, vector<16xf32>
          %get3A_91 = arith.constant 0 : i32
          %get3A_92 = arith.index_cast %get3A_91 : i32 to index
          %get3A_93 = arith.index_cast %mul3A_83 : i32 to index
          %get3A_94 = tpu.vector_load %arg5[%get3A_92, %get3A_93] {strides = array<i32>} : memref<24x512xf32, #tpu.memory_space<vmem>>, vector<16xf32>,
          %get3A_95 = arith.constant 0 : i32
          %get3A_96 = arith.index_cast %get3A_95 : i32 to index
          %get3A_97 = arith.index_cast %mul3A_83 : i32 to index
          %get3A_98 = tpu.vector_load %arg7[%get3A_96, %get3A_97] {strides = array<i32>} : memref<24x512xf32, #tpu.memory_space<vmem>>, vector<16xf32>,
          %sub3A = arith.subf %get3A_94, %get3A_98 : vector<16xf32>
          %mul3A_99 = arith.mulf %sub3A, %sub3A : vector<16xf32>
          %get3A_100 = arith.constant 1 : i32
          %get3A_101 = arith.index_cast %get3A_100 : i32 to index
          %get3A_102 = arith.index_cast %mul3A_83 : i32 to index
          %get3A_103 = tpu.vector_load %arg5[%get3A_101, %get3A_102] {strides = array<i32>} : memref<24x512xf32, #tpu.memory_space<vmem>>, vector<16xf32>,
          %get3A_104 = arith.constant 1 : i32
          %get3A_105 = arith.index_cast %get3A_104 : i32 to index
          %get3A_106 = arith.index_cast %mul3A_83 : i32 to index
          %get3A_107 = tpu.vector_load %arg7[%get3A_105, %get3A_106] {strides = array<i32>} : memref<24x512xf32, #tpu.memory_space<vmem>>, vector<16xf32>,
          %sub3A_108 = arith.subf %get3A_103, %get3A_107 : vector<16xf32>
          %mul3A_109 = arith.mulf %sub3A_108, %sub3A_108 : vector<16xf32>
          %get3A_110 = arith.constant 5 : i32
          %get3A_111 = arith.index_cast %get3A_110 : i32 to index
          %get3A_112 = arith.index_cast %mul3A_83 : i32 to index
          %get3A_113 = tpu.vector_load %arg5[%get3A_111, %get3A_112] {strides = array<i32>} : memref<24x512xf32, #tpu.memory_space<vmem>>, vector<16xf32>,
          %get3A_114 = arith.constant 5 : i32
          %get3A_115 = arith.index_cast %get3A_114 : i32 to index
          %get3A_116 = arith.index_cast %mul3A_83 : i32 to index
          %get3A_117 = tpu.vector_load %arg7[%get3A_115, %get3A_116] {strides = array<i32>} : memref<24x512xf32, #tpu.memory_space<vmem>>, vector<16xf32>,
          %sub3A_118 = arith.subf %get3A_113, %get3A_117 : vector<16xf32>
          %mul3A_119 = arith.mulf %sub3A_118, %sub3A_118 : vector<16xf32>
          %get3A_120 = arith.constant 6 : i32
          %get3A_121 = arith.index_cast %get3A_120 : i32 to index
          %get3A_122 = arith.index_cast %mul3A_83 : i32 to index
          %get3A_123 = tpu.vector_load %arg5[%get3A_121, %get3A_122] {strides = array<i32>} : memref<24x512xf32, #tpu.memory_space<vmem>>, vector<16xf32>,
          %get3A_124 = arith.constant 6 : i32
          %get3A_125 = arith.index_cast %get3A_124 : i32 to index
          %get3A_126 = arith.index_cast %mul3A_83 : i32 to index
          %get3A_127 = tpu.vector_load %arg7[%get3A_125, %get3A_126] {strides = array<i32>} : memref<24x512xf32, #tpu.memory_space<vmem>>, vector<16xf32>,
          %sub3A_128 = arith.subf %get3A_123, %get3A_127 : vector<16xf32>
          %mul3A_129 = arith.mulf %sub3A_128, %sub3A_128 : vector<16xf32>
          %add3A_130 = arith.addf %mul3A_99, %mul3A_109 : vector<16xf32>
          %add3A_131 = arith.addf %mul3A_119, %mul3A_129 : vector<16xf32>
          %add3A_132 = arith.addf %add3A_130, %add3A_131 : vector<16xf32>
          %get3A_133 = arith.constant 2 : i32
          %get3A_134 = arith.index_cast %get3A_133 : i32 to index
          %get3A_135 = arith.index_cast %mul3A_83 : i32 to index
          %get3A_136 = tpu.vector_load %arg5[%get3A_134, %get3A_135] {strides = array<i32>} : memref<24x512xf32, #tpu.memory_space<vmem>>, vector<16xf32>,
          %get3A_137 = arith.constant 2 : i32
          %get3A_138 = arith.index_cast %get3A_137 : i32 to index
          %get3A_139 = arith.index_cast %mul3A_83 : i32 to index
          %get3A_140 = tpu.vector_load %arg7[%get3A_138, %get3A_139] {strides = array<i32>} : memref<24x512xf32, #tpu.memory_space<vmem>>, vector<16xf32>,
          %add3A_141 = arith.addf %get3A_136, %get3A_140 : vector<16xf32>
          %mul3A_142 = arith.mulf %get3A_136, %get3A_140 : vector<16xf32>
          %max3A = arith.constant 9.99999996E-13 : f32
          %max3A_143 = vector.broadcast %max3A : f32 to vector<16xf32>
          %max3A_144 = arith.maximumf %mul3A_142, %max3A_143 : vector<16xf32>
          %bitcast3A = vector.bitcast %max3A_144 : vector<16xf32> to vector<16xi32>
          %shift_right_logical3A = arith.constant 1 : i32
          %shift_right_logical3A_145 = vector.broadcast %shift_right_logical3A : i32 to vector<16xi32>
          %shift_right_logical3A_146 = arith.shrui %bitcast3A, %shift_right_logical3A_145 : vector<16xi32>
          %sub3A_147 = arith.constant 1597463007 : i32
          %sub3A_148 = vector.broadcast %sub3A_147 : i32 to vector<16xi32>
          %sub3A_149 = arith.subi %sub3A_148, %shift_right_logical3A_146 : vector<16xi32>
          %bitcast3A_150 = vector.bitcast %sub3A_149 : vector<16xi32> to vector<16xf32>
          %mul3A_151 = arith.constant 5.000000e-01 : f32
          %mul3A_152 = vector.broadcast %mul3A_151 : f32 to vector<16xf32>
          %mul3A_153 = arith.mulf %mul3A_152, %max3A_144 : vector<16xf32>
          %mul3A_154 = arith.mulf %mul3A_153, %bitcast3A_150 : vector<16xf32>
          %mul3A_155 = arith.mulf %mul3A_154, %bitcast3A_150 : vector<16xf32>
          %sub3A_156 = arith.constant 1.500000e+00 : f32
          %sub3A_157 = vector.broadcast %sub3A_156 : f32 to vector<16xf32>
          %sub3A_158 = arith.subf %sub3A_157, %mul3A_155 : vector<16xf32>
          %mul3A_159 = arith.mulf %bitcast3A_150, %sub3A_158 : vector<16xf32>
          %mul3A_160 = arith.constant 5.000000e-01 : f32
          %mul3A_161 = vector.broadcast %mul3A_160 : f32 to vector<16xf32>
          %mul3A_162 = arith.mulf %mul3A_161, %max3A_144 : vector<16xf32>
          %mul3A_163 = arith.mulf %mul3A_162, %mul3A_159 : vector<16xf32>
          %mul3A_164 = arith.mulf %mul3A_163, %mul3A_159 : vector<16xf32>
          %sub3A_165 = arith.constant 1.500000e+00 : f32
          %sub3A_166 = vector.broadcast %sub3A_165 : f32 to vector<16xf32>
          %sub3A_167 = arith.subf %sub3A_166, %mul3A_164 : vector<16xf32>
          %mul3A_168 = arith.mulf %mul3A_159, %sub3A_167 : vector<16xf32>
          %mul3A_169 = arith.mulf %max3A_144, %mul3A_168 : vector<16xf32>
          %mul3A_170 = arith.constant 2.000000e+00 : f32
          %mul3A_171 = vector.broadcast %mul3A_170 : f32 to vector<16xf32>
          %mul3A_172 = arith.mulf %mul3A_171, %mul3A_169 : vector<16xf32>
          %sub3A_173 = arith.subf %add3A_141, %mul3A_172 : vector<16xf32>
          %get3A_174 = arith.constant 3 : i32
          %get3A_175 = arith.index_cast %get3A_174 : i32 to index
          %get3A_176 = arith.index_cast %mul3A_83 : i32 to index
          %get3A_177 = tpu.vector_load %arg5[%get3A_175, %get3A_176] {strides = array<i32>} : memref<24x512xf32, #tpu.memory_space<vmem>>, vector<16xf32>,
          %get3A_178 = arith.constant 3 : i32
          %get3A_179 = arith.index_cast %get3A_178 : i32 to index
          %get3A_180 = arith.index_cast %mul3A_83 : i32 to index
          %get3A_181 = tpu.vector_load %arg7[%get3A_179, %get3A_180] {strides = array<i32>} : memref<24x512xf32, #tpu.memory_space<vmem>>, vector<16xf32>,
          %add3A_182 = arith.addf %get3A_177, %get3A_181 : vector<16xf32>
          %mul3A_183 = arith.mulf %get3A_177, %get3A_181 : vector<16xf32>
          %max3A_184 = arith.constant 9.99999996E-13 : f32
          %max3A_185 = vector.broadcast %max3A_184 : f32 to vector<16xf32>
          %max3A_186 = arith.maximumf %mul3A_183, %max3A_185 : vector<16xf32>
          %bitcast3A_187 = vector.bitcast %max3A_186 : vector<16xf32> to vector<16xi32>
          %shift_right_logical3A_188 = arith.constant 1 : i32
          %shift_right_logical3A_189 = vector.broadcast %shift_right_logical3A_188 : i32 to vector<16xi32>
          %shift_right_logical3A_190 = arith.shrui %bitcast3A_187, %shift_right_logical3A_189 : vector<16xi32>
          %sub3A_191 = arith.constant 1597463007 : i32
          %sub3A_192 = vector.broadcast %sub3A_191 : i32 to vector<16xi32>
          %sub3A_193 = arith.subi %sub3A_192, %shift_right_logical3A_190 : vector<16xi32>
          %bitcast3A_194 = vector.bitcast %sub3A_193 : vector<16xi32> to vector<16xf32>
          %mul3A_195 = arith.constant 5.000000e-01 : f32
          %mul3A_196 = vector.broadcast %mul3A_195 : f32 to vector<16xf32>
          %mul3A_197 = arith.mulf %mul3A_196, %max3A_186 : vector<16xf32>
          %mul3A_198 = arith.mulf %mul3A_197, %bitcast3A_194 : vector<16xf32>
          %mul3A_199 = arith.mulf %mul3A_198, %bitcast3A_194 : vector<16xf32>
          %sub3A_200 = arith.constant 1.500000e+00 : f32
          %sub3A_201 = vector.broadcast %sub3A_200 : f32 to vector<16xf32>
          %sub3A_202 = arith.subf %sub3A_201, %mul3A_199 : vector<16xf32>
          %mul3A_203 = arith.mulf %bitcast3A_194, %sub3A_202 : vector<16xf32>
          %mul3A_204 = arith.constant 5.000000e-01 : f32
          %mul3A_205 = vector.broadcast %mul3A_204 : f32 to vector<16xf32>
          %mul3A_206 = arith.mulf %mul3A_205, %max3A_186 : vector<16xf32>
          %mul3A_207 = arith.mulf %mul3A_206, %mul3A_203 : vector<16xf32>
          %mul3A_208 = arith.mulf %mul3A_207, %mul3A_203 : vector<16xf32>
          %sub3A_209 = arith.constant 1.500000e+00 : f32
          %sub3A_210 = vector.broadcast %sub3A_209 : f32 to vector<16xf32>
          %sub3A_211 = arith.subf %sub3A_210, %mul3A_208 : vector<16xf32>
          %mul3A_212 = arith.mulf %mul3A_203, %sub3A_211 : vector<16xf32>
          %mul3A_213 = arith.mulf %max3A_186, %mul3A_212 : vector<16xf32>
          %mul3A_214 = arith.constant 2.000000e+00 : f32
          %mul3A_215 = vector.broadcast %mul3A_214 : f32 to vector<16xf32>
          %mul3A_216 = arith.mulf %mul3A_215, %mul3A_213 : vector<16xf32>
          %sub3A_217 = arith.subf %add3A_182, %mul3A_216 : vector<16xf32>
          %get3A_218 = arith.constant 7 : i32
          %get3A_219 = arith.index_cast %get3A_218 : i32 to index
          %get3A_220 = arith.index_cast %mul3A_83 : i32 to index
          %get3A_221 = tpu.vector_load %arg5[%get3A_219, %get3A_220] {strides = array<i32>} : memref<24x512xf32, #tpu.memory_space<vmem>>, vector<16xf32>,
          %get3A_222 = arith.constant 7 : i32
          %get3A_223 = arith.index_cast %get3A_222 : i32 to index
          %get3A_224 = arith.index_cast %mul3A_83 : i32 to index
          %get3A_225 = tpu.vector_load %arg7[%get3A_223, %get3A_224] {strides = array<i32>} : memref<24x512xf32, #tpu.memory_space<vmem>>, vector<16xf32>,
          %add3A_226 = arith.addf %get3A_221, %get3A_225 : vector<16xf32>
          %mul3A_227 = arith.mulf %get3A_221, %get3A_225 : vector<16xf32>
          %max3A_228 = arith.constant 9.99999996E-13 : f32
          %max3A_229 = vector.broadcast %max3A_228 : f32 to vector<16xf32>
          %max3A_230 = arith.maximumf %mul3A_227, %max3A_229 : vector<16xf32>
          %bitcast3A_231 = vector.bitcast %max3A_230 : vector<16xf32> to vector<16xi32>
          %shift_right_logical3A_232 = arith.constant 1 : i32
          %shift_right_logical3A_233 = vector.broadcast %shift_right_logical3A_232 : i32 to vector<16xi32>
          %shift_right_logical3A_234 = arith.shrui %bitcast3A_231, %shift_right_logical3A_233 : vector<16xi32>
          %sub3A_235 = arith.constant 1597463007 : i32
          %sub3A_236 = vector.broadcast %sub3A_235 : i32 to vector<16xi32>
          %sub3A_237 = arith.subi %sub3A_236, %shift_right_logical3A_234 : vector<16xi32>
          %bitcast3A_238 = vector.bitcast %sub3A_237 : vector<16xi32> to vector<16xf32>
          %mul3A_239 = arith.constant 5.000000e-01 : f32
          %mul3A_240 = vector.broadcast %mul3A_239 : f32 to vector<16xf32>
          %mul3A_241 = arith.mulf %mul3A_240, %max3A_230 : vector<16xf32>
          %mul3A_242 = arith.mulf %mul3A_241, %bitcast3A_238 : vector<16xf32>
          %mul3A_243 = arith.mulf %mul3A_242, %bitcast3A_238 : vector<16xf32>
          %sub3A_244 = arith.constant 1.500000e+00 : f32
          %sub3A_245 = vector.broadcast %sub3A_244 : f32 to vector<16xf32>
          %sub3A_246 = arith.subf %sub3A_245, %mul3A_243 : vector<16xf32>
          %mul3A_247 = arith.mulf %bitcast3A_238, %sub3A_246 : vector<16xf32>
          %mul3A_248 = arith.constant 5.000000e-01 : f32
          %mul3A_249 = vector.broadcast %mul3A_248 : f32 to vector<16xf32>
          %mul3A_250 = arith.mulf %mul3A_249, %max3A_230 : vector<16xf32>
          %mul3A_251 = arith.mulf %mul3A_250, %mul3A_247 : vector<16xf32>
          %mul3A_252 = arith.mulf %mul3A_251, %mul3A_247 : vector<16xf32>
          %sub3A_253 = arith.constant 1.500000e+00 : f32
          %sub3A_254 = vector.broadcast %sub3A_253 : f32 to vector<16xf32>
          %sub3A_255 = arith.subf %sub3A_254, %mul3A_252 : vector<16xf32>
          %mul3A_256 = arith.mulf %mul3A_247, %sub3A_255 : vector<16xf32>
          %mul3A_257 = arith.mulf %max3A_230, %mul3A_256 : vector<16xf32>
          %mul3A_258 = arith.constant 2.000000e+00 : f32
          %mul3A_259 = vector.broadcast %mul3A_258 : f32 to vector<16xf32>
          %mul3A_260 = arith.mulf %mul3A_259, %mul3A_257 : vector<16xf32>
          %sub3A_261 = arith.subf %add3A_226, %mul3A_260 : vector<16xf32>
          %get3A_262 = arith.constant 8 : i32
          %get3A_263 = arith.index_cast %get3A_262 : i32 to index
          %get3A_264 = arith.index_cast %mul3A_83 : i32 to index
          %get3A_265 = tpu.vector_load %arg5[%get3A_263, %get3A_264] {strides = array<i32>} : memref<24x512xf32, #tpu.memory_space<vmem>>, vector<16xf32>,
          %get3A_266 = arith.constant 8 : i32
          %get3A_267 = arith.index_cast %get3A_266 : i32 to index
          %get3A_268 = arith.index_cast %mul3A_83 : i32 to index
          %get3A_269 = tpu.vector_load %arg7[%get3A_267, %get3A_268] {strides = array<i32>} : memref<24x512xf32, #tpu.memory_space<vmem>>, vector<16xf32>,
          %add3A_270 = arith.addf %get3A_265, %get3A_269 : vector<16xf32>
          %mul3A_271 = arith.mulf %get3A_265, %get3A_269 : vector<16xf32>
          %max3A_272 = arith.constant 9.99999996E-13 : f32
          %max3A_273 = vector.broadcast %max3A_272 : f32 to vector<16xf32>
          %max3A_274 = arith.maximumf %mul3A_271, %max3A_273 : vector<16xf32>
          %bitcast3A_275 = vector.bitcast %max3A_274 : vector<16xf32> to vector<16xi32>
          %shift_right_logical3A_276 = arith.constant 1 : i32
          %shift_right_logical3A_277 = vector.broadcast %shift_right_logical3A_276 : i32 to vector<16xi32>
          %shift_right_logical3A_278 = arith.shrui %bitcast3A_275, %shift_right_logical3A_277 : vector<16xi32>
          %sub3A_279 = arith.constant 1597463007 : i32
          %sub3A_280 = vector.broadcast %sub3A_279 : i32 to vector<16xi32>
          %sub3A_281 = arith.subi %sub3A_280, %shift_right_logical3A_278 : vector<16xi32>
          %bitcast3A_282 = vector.bitcast %sub3A_281 : vector<16xi32> to vector<16xf32>
          %mul3A_283 = arith.constant 5.000000e-01 : f32
          %mul3A_284 = vector.broadcast %mul3A_283 : f32 to vector<16xf32>
          %mul3A_285 = arith.mulf %mul3A_284, %max3A_274 : vector<16xf32>
          %mul3A_286 = arith.mulf %mul3A_285, %bitcast3A_282 : vector<16xf32>
          %mul3A_287 = arith.mulf %mul3A_286, %bitcast3A_282 : vector<16xf32>
          %sub3A_288 = arith.constant 1.500000e+00 : f32
          %sub3A_289 = vector.broadcast %sub3A_288 : f32 to vector<16xf32>
          %sub3A_290 = arith.subf %sub3A_289, %mul3A_287 : vector<16xf32>
          %mul3A_291 = arith.mulf %bitcast3A_282, %sub3A_290 : vector<16xf32>
          %mul3A_292 = arith.constant 5.000000e-01 : f32
          %mul3A_293 = vector.broadcast %mul3A_292 : f32 to vector<16xf32>
          %mul3A_294 = arith.mulf %mul3A_293, %max3A_274 : vector<16xf32>
          %mul3A_295 = arith.mulf %mul3A_294, %mul3A_291 : vector<16xf32>
          %mul3A_296 = arith.mulf %mul3A_295, %mul3A_291 : vector<16xf32>
          %sub3A_297 = arith.constant 1.500000e+00 : f32
          %sub3A_298 = vector.broadcast %sub3A_297 : f32 to vector<16xf32>
          %sub3A_299 = arith.subf %sub3A_298, %mul3A_296 : vector<16xf32>
          %mul3A_300 = arith.mulf %mul3A_291, %sub3A_299 : vector<16xf32>
          %mul3A_301 = arith.mulf %max3A_274, %mul3A_300 : vector<16xf32>
          %mul3A_302 = arith.constant 2.000000e+00 : f32
          %mul3A_303 = vector.broadcast %mul3A_302 : f32 to vector<16xf32>
          %mul3A_304 = arith.mulf %mul3A_303, %mul3A_301 : vector<16xf32>
          %sub3A_305 = arith.subf %add3A_270, %mul3A_304 : vector<16xf32>
          %add3A_306 = arith.addf %sub3A_173, %sub3A_217 : vector<16xf32>
          %add3A_307 = arith.addf %sub3A_261, %sub3A_305 : vector<16xf32>
          %add3A_308 = arith.addf %add3A_306, %add3A_307 : vector<16xf32>
          %get3A_309 = arith.constant 4 : i32
          %get3A_310 = arith.index_cast %get3A_309 : i32 to index
          %get3A_311 = arith.index_cast %mul3A_83 : i32 to index
          %get3A_312 = tpu.vector_load %arg5[%get3A_310, %get3A_311] {strides = array<i32>} : memref<24x512xf32, #tpu.memory_space<vmem>>, vector<16xf32>,
          %sub3A_313 = arith.subf %get3A_312, %get3A_86 : vector<16xf32>
          %get3A_314 = arith.constant 9 : i32
          %get3A_315 = arith.index_cast %get3A_314 : i32 to index
          %get3A_316 = arith.index_cast %mul3A_83 : i32 to index
          %get3A_317 = tpu.vector_load %arg5[%get3A_315, %get3A_316] {strides = array<i32>} : memref<24x512xf32, #tpu.memory_space<vmem>>, vector<16xf32>,
          %get3A_318 = arith.constant 9 : i32
          %get3A_319 = arith.index_cast %get3A_318 : i32 to index
          %get3A_320 = arith.index_cast %mul3A_83 : i32 to index
          %get3A_321 = tpu.vector_load %arg7[%get3A_319, %get3A_320] {strides = array<i32>} : memref<24x512xf32, #tpu.memory_space<vmem>>, vector<16xf32>,
          %sub3A_322 = arith.subf %get3A_317, %get3A_321 : vector<16xf32>
          %mul3A_323 = arith.mulf %sub3A_313, %sub3A_313 : vector<16xf32>
          %mul3A_324 = arith.mulf %sub3A_322, %sub3A_322 : vector<16xf32>
          %add3A_325 = arith.addf %mul3A_323, %mul3A_324 : vector<16xf32>
          %get3A_326 = arith.constant 10 : i32
          %get3A_327 = arith.index_cast %get3A_326 : i32 to index
          %get3A_328 = arith.index_cast %mul3A_83 : i32 to index
          %get3A_329 = tpu.vector_load %arg5[%get3A_327, %get3A_328] {strides = array<i32>} : memref<24x512xf32, #tpu.memory_space<vmem>>, vector<16xf32>,
          %get3A_330 = arith.constant 10 : i32
          %get3A_331 = arith.index_cast %get3A_330 : i32 to index
          %get3A_332 = arith.index_cast %mul3A_83 : i32 to index
          %get3A_333 = tpu.vector_load %arg7[%get3A_331, %get3A_332] {strides = array<i32>} : memref<24x512xf32, #tpu.memory_space<vmem>>, vector<16xf32>,
          %sub3A_334 = arith.subf %get3A_329, %get3A_333 : vector<16xf32>
          %mul3A_335 = arith.mulf %sub3A_334, %sub3A_334 : vector<16xf32>
          %get3A_336 = arith.constant 11 : i32
          %get3A_337 = arith.index_cast %get3A_336 : i32 to index
          %get3A_338 = arith.index_cast %mul3A_83 : i32 to index
          %get3A_339 = tpu.vector_load %arg5[%get3A_337, %get3A_338] {strides = array<i32>} : memref<24x512xf32, #tpu.memory_space<vmem>>, vector<16xf32>,
          %get3A_340 = arith.constant 11 : i32
          %get3A_341 = arith.index_cast %get3A_340 : i32 to index
          %get3A_342 = arith.index_cast %mul3A_83 : i32 to index
          %get3A_343 = tpu.vector_load %arg7[%get3A_341, %get3A_342] {strides = array<i32>} : memref<24x512xf32, #tpu.memory_space<vmem>>, vector<16xf32>,
          %sub3A_344 = arith.subf %get3A_339, %get3A_343 : vector<16xf32>
          %mul3A_345 = arith.mulf %sub3A_344, %sub3A_344 : vector<16xf32>
          %get3A_346 = arith.constant 12 : i32
          %get3A_347 = arith.index_cast %get3A_346 : i32 to index
          %get3A_348 = arith.index_cast %mul3A_83 : i32 to index
          %get3A_349 = tpu.vector_load %arg5[%get3A_347, %get3A_348] {strides = array<i32>} : memref<24x512xf32, #tpu.memory_space<vmem>>, vector<16xf32>,
          %get3A_350 = arith.constant 12 : i32
          %get3A_351 = arith.index_cast %get3A_350 : i32 to index
          %get3A_352 = arith.index_cast %mul3A_83 : i32 to index
          %get3A_353 = tpu.vector_load %arg7[%get3A_351, %get3A_352] {strides = array<i32>} : memref<24x512xf32, #tpu.memory_space<vmem>>, vector<16xf32>,
          %sub3A_354 = arith.subf %get3A_349, %get3A_353 : vector<16xf32>
          %mul3A_355 = arith.mulf %sub3A_354, %sub3A_354 : vector<16xf32>
          %get3A_356 = arith.constant 13 : i32
          %get3A_357 = arith.index_cast %get3A_356 : i32 to index
          %get3A_358 = arith.index_cast %mul3A_83 : i32 to index
          %get3A_359 = tpu.vector_load %arg5[%get3A_357, %get3A_358] {strides = array<i32>} : memref<24x512xf32, #tpu.memory_space<vmem>>, vector<16xf32>,
          %get3A_360 = arith.constant 13 : i32
          %get3A_361 = arith.index_cast %get3A_360 : i32 to index
          %get3A_362 = arith.index_cast %mul3A_83 : i32 to index
          %get3A_363 = tpu.vector_load %arg7[%get3A_361, %get3A_362] {strides = array<i32>} : memref<24x512xf32, #tpu.memory_space<vmem>>, vector<16xf32>,
          %sub3A_364 = arith.subf %get3A_359, %get3A_363 : vector<16xf32>
          %mul3A_365 = arith.mulf %sub3A_364, %sub3A_364 : vector<16xf32>
          %get3A_366 = arith.constant 14 : i32
          %get3A_367 = arith.index_cast %get3A_366 : i32 to index
          %get3A_368 = arith.index_cast %mul3A_83 : i32 to index
          %get3A_369 = tpu.vector_load %arg5[%get3A_367, %get3A_368] {strides = array<i32>} : memref<24x512xf32, #tpu.memory_space<vmem>>, vector<16xf32>,
          %get3A_370 = arith.constant 14 : i32
          %get3A_371 = arith.index_cast %get3A_370 : i32 to index
          %get3A_372 = arith.index_cast %mul3A_83 : i32 to index
          %get3A_373 = tpu.vector_load %arg7[%get3A_371, %get3A_372] {strides = array<i32>} : memref<24x512xf32, #tpu.memory_space<vmem>>, vector<16xf32>,
          %sub3A_374 = arith.subf %get3A_369, %get3A_373 : vector<16xf32>
          %mul3A_375 = arith.mulf %sub3A_374, %sub3A_374 : vector<16xf32>
          %get3A_376 = arith.constant 15 : i32
          %get3A_377 = arith.index_cast %get3A_376 : i32 to index
          %get3A_378 = arith.index_cast %mul3A_83 : i32 to index
          %get3A_379 = tpu.vector_load %arg5[%get3A_377, %get3A_378] {strides = array<i32>} : memref<24x512xf32, #tpu.memory_space<vmem>>, vector<16xf32>,
          %get3A_380 = arith.constant 15 : i32
          %get3A_381 = arith.index_cast %get3A_380 : i32 to index
          %get3A_382 = arith.index_cast %mul3A_83 : i32 to index
          %get3A_383 = tpu.vector_load %arg7[%get3A_381, %get3A_382] {strides = array<i32>} : memref<24x512xf32, #tpu.memory_space<vmem>>, vector<16xf32>,
          %sub3A_384 = arith.subf %get3A_379, %get3A_383 : vector<16xf32>
          %mul3A_385 = arith.mulf %sub3A_384, %sub3A_384 : vector<16xf32>
          %get3A_386 = arith.constant 16 : i32
          %get3A_387 = arith.index_cast %get3A_386 : i32 to index
          %get3A_388 = arith.index_cast %mul3A_83 : i32 to index
          %get3A_389 = tpu.vector_load %arg5[%get3A_387, %get3A_388] {strides = array<i32>} : memref<24x512xf32, #tpu.memory_space<vmem>>, vector<16xf32>,
          %get3A_390 = arith.constant 16 : i32
          %get3A_391 = arith.index_cast %get3A_390 : i32 to index
          %get3A_392 = arith.index_cast %mul3A_83 : i32 to index
          %get3A_393 = tpu.vector_load %arg7[%get3A_391, %get3A_392] {strides = array<i32>} : memref<24x512xf32, #tpu.memory_space<vmem>>, vector<16xf32>,
          %sub3A_394 = arith.subf %get3A_389, %get3A_393 : vector<16xf32>
          %mul3A_395 = arith.mulf %sub3A_394, %sub3A_394 : vector<16xf32>
          %get3A_396 = arith.constant 17 : i32
          %get3A_397 = arith.index_cast %get3A_396 : i32 to index
          %get3A_398 = arith.index_cast %mul3A_83 : i32 to index
          %get3A_399 = tpu.vector_load %arg5[%get3A_397, %get3A_398] {strides = array<i32>} : memref<24x512xf32, #tpu.memory_space<vmem>>, vector<16xf32>,
          %get3A_400 = arith.constant 17 : i32
          %get3A_401 = arith.index_cast %get3A_400 : i32 to index
          %get3A_402 = arith.index_cast %mul3A_83 : i32 to index
          %get3A_403 = tpu.vector_load %arg7[%get3A_401, %get3A_402] {strides = array<i32>} : memref<24x512xf32, #tpu.memory_space<vmem>>, vector<16xf32>,
          %sub3A_404 = arith.subf %get3A_399, %get3A_403 : vector<16xf32>
          %mul3A_405 = arith.mulf %sub3A_404, %sub3A_404 : vector<16xf32>
          %get3A_406 = arith.constant 18 : i32
          %get3A_407 = arith.index_cast %get3A_406 : i32 to index
          %get3A_408 = arith.index_cast %mul3A_83 : i32 to index
          %get3A_409 = tpu.vector_load %arg5[%get3A_407, %get3A_408] {strides = array<i32>} : memref<24x512xf32, #tpu.memory_space<vmem>>, vector<16xf32>,
          %get3A_410 = arith.constant 18 : i32
          %get3A_411 = arith.index_cast %get3A_410 : i32 to index
          %get3A_412 = arith.index_cast %mul3A_83 : i32 to index
          %get3A_413 = tpu.vector_load %arg7[%get3A_411, %get3A_412] {strides = array<i32>} : memref<24x512xf32, #tpu.memory_space<vmem>>, vector<16xf32>,
          %sub3A_414 = arith.subf %get3A_409, %get3A_413 : vector<16xf32>
          %mul3A_415 = arith.mulf %sub3A_414, %sub3A_414 : vector<16xf32>
          %get3A_416 = arith.constant 19 : i32
          %get3A_417 = arith.index_cast %get3A_416 : i32 to index
          %get3A_418 = arith.index_cast %mul3A_83 : i32 to index
          %get3A_419 = tpu.vector_load %arg5[%get3A_417, %get3A_418] {strides = array<i32>} : memref<24x512xf32, #tpu.memory_space<vmem>>, vector<16xf32>,
          %get3A_420 = arith.constant 19 : i32
          %get3A_421 = arith.index_cast %get3A_420 : i32 to index
          %get3A_422 = arith.index_cast %mul3A_83 : i32 to index
          %get3A_423 = tpu.vector_load %arg7[%get3A_421, %get3A_422] {strides = array<i32>} : memref<24x512xf32, #tpu.memory_space<vmem>>, vector<16xf32>,
          %sub3A_424 = arith.subf %get3A_419, %get3A_423 : vector<16xf32>
          %mul3A_425 = arith.mulf %sub3A_424, %sub3A_424 : vector<16xf32>
          %get3A_426 = arith.constant 20 : i32
          %get3A_427 = arith.index_cast %get3A_426 : i32 to index
          %get3A_428 = arith.index_cast %mul3A_83 : i32 to index
          %get3A_429 = tpu.vector_load %arg5[%get3A_427, %get3A_428] {strides = array<i32>} : memref<24x512xf32, #tpu.memory_space<vmem>>, vector<16xf32>,
          %get3A_430 = arith.constant 20 : i32
          %get3A_431 = arith.index_cast %get3A_430 : i32 to index
          %get3A_432 = arith.index_cast %mul3A_83 : i32 to index
          %get3A_433 = tpu.vector_load %arg7[%get3A_431, %get3A_432] {strides = array<i32>} : memref<24x512xf32, #tpu.memory_space<vmem>>, vector<16xf32>,
          %sub3A_434 = arith.subf %get3A_429, %get3A_433 : vector<16xf32>
          %mul3A_435 = arith.mulf %sub3A_434, %sub3A_434 : vector<16xf32>
          %get3A_436 = arith.constant 21 : i32
          %get3A_437 = arith.index_cast %get3A_436 : i32 to index
          %get3A_438 = arith.index_cast %mul3A_83 : i32 to index
          %get3A_439 = tpu.vector_load %arg5[%get3A_437, %get3A_438] {strides = array<i32>} : memref<24x512xf32, #tpu.memory_space<vmem>>, vector<16xf32>,
          %get3A_440 = arith.constant 21 : i32
          %get3A_441 = arith.index_cast %get3A_440 : i32 to index
          %get3A_442 = arith.index_cast %mul3A_83 : i32 to index
          %get3A_443 = tpu.vector_load %arg7[%get3A_441, %get3A_442] {strides = array<i32>} : memref<24x512xf32, #tpu.memory_space<vmem>>, vector<16xf32>,
          %sub3A_444 = arith.subf %get3A_439, %get3A_443 : vector<16xf32>
          %mul3A_445 = arith.mulf %sub3A_444, %sub3A_444 : vector<16xf32>
          %get3A_446 = arith.constant 22 : i32
          %get3A_447 = arith.index_cast %get3A_446 : i32 to index
          %get3A_448 = arith.index_cast %mul3A_83 : i32 to index
          %get3A_449 = tpu.vector_load %arg5[%get3A_447, %get3A_448] {strides = array<i32>} : memref<24x512xf32, #tpu.memory_space<vmem>>, vector<16xf32>,
          %get3A_450 = arith.constant 22 : i32
          %get3A_451 = arith.index_cast %get3A_450 : i32 to index
          %get3A_452 = arith.index_cast %mul3A_83 : i32 to index
          %get3A_453 = tpu.vector_load %arg7[%get3A_451, %get3A_452] {strides = array<i32>} : memref<24x512xf32, #tpu.memory_space<vmem>>, vector<16xf32>,
          %sub3A_454 = arith.subf %get3A_449, %get3A_453 : vector<16xf32>
          %mul3A_455 = arith.mulf %sub3A_454, %sub3A_454 : vector<16xf32>
          %get3A_456 = arith.constant 23 : i32
          %get3A_457 = arith.index_cast %get3A_456 : i32 to index
          %get3A_458 = arith.index_cast %mul3A_83 : i32 to index
          %get3A_459 = tpu.vector_load %arg5[%get3A_457, %get3A_458] {strides = array<i32>} : memref<24x512xf32, #tpu.memory_space<vmem>>, vector<16xf32>,
          %get3A_460 = arith.constant 23 : i32
          %get3A_461 = arith.index_cast %get3A_460 : i32 to index
          %get3A_462 = arith.index_cast %mul3A_83 : i32 to index
          %get3A_463 = tpu.vector_load %arg7[%get3A_461, %get3A_462] {strides = array<i32>} : memref<24x512xf32, #tpu.memory_space<vmem>>, vector<16xf32>,
          %sub3A_464 = arith.subf %get3A_459, %get3A_463 : vector<16xf32>
          %mul3A_465 = arith.mulf %sub3A_464, %sub3A_464 : vector<16xf32>
          %get3A_466 = arith.constant 0 : i32
          %get3A_467 = arith.index_cast %get3A_466 : i32 to index
          %get3A_468 = arith.index_cast %mul3A_83 : i32 to index
          %get3A_469 = tpu.vector_load %arg6[%get3A_467, %get3A_468] {strides = array<i32>} : memref<6x512xf32, #tpu.memory_space<vmem>>, vector<16xf32>,
          %get3A_470 = arith.constant 0 : i32
          %get3A_471 = arith.index_cast %get3A_470 : i32 to index
          %get3A_472 = arith.index_cast %mul3A_83 : i32 to index
          %get3A_473 = tpu.vector_load %arg8[%get3A_471, %get3A_472] {strides = array<i32>} : memref<6x512xf32, #tpu.memory_space<vmem>>, vector<16xf32>,
          %sub3A_474 = arith.subf %get3A_469, %get3A_473 : vector<16xf32>
          %mul3A_475 = arith.mulf %sub3A_474, %sub3A_474 : vector<16xf32>
          %get3A_476 = arith.constant 1 : i32
          %get3A_477 = arith.index_cast %get3A_476 : i32 to index
          %get3A_478 = arith.index_cast %mul3A_83 : i32 to index
          %get3A_479 = tpu.vector_load %arg6[%get3A_477, %get3A_478] {strides = array<i32>} : memref<6x512xf32, #tpu.memory_space<vmem>>, vector<16xf32>,
          %get3A_480 = arith.constant 1 : i32
          %get3A_481 = arith.index_cast %get3A_480 : i32 to index
          %get3A_482 = arith.index_cast %mul3A_83 : i32 to index
          %get3A_483 = tpu.vector_load %arg8[%get3A_481, %get3A_482] {strides = array<i32>} : memref<6x512xf32, #tpu.memory_space<vmem>>, vector<16xf32>,
          %sub3A_484 = arith.subf %get3A_479, %get3A_483 : vector<16xf32>
          %mul3A_485 = arith.mulf %sub3A_484, %sub3A_484 : vector<16xf32>
          %get3A_486 = arith.constant 2 : i32
          %get3A_487 = arith.index_cast %get3A_486 : i32 to index
          %get3A_488 = arith.index_cast %mul3A_83 : i32 to index
          %get3A_489 = tpu.vector_load %arg6[%get3A_487, %get3A_488] {strides = array<i32>} : memref<6x512xf32, #tpu.memory_space<vmem>>, vector<16xf32>,
          %get3A_490 = arith.constant 2 : i32
          %get3A_491 = arith.index_cast %get3A_490 : i32 to index
          %get3A_492 = arith.index_cast %mul3A_83 : i32 to index
          %get3A_493 = tpu.vector_load %arg8[%get3A_491, %get3A_492] {strides = array<i32>} : memref<6x512xf32, #tpu.memory_space<vmem>>, vector<16xf32>,
          %sub3A_494 = arith.subf %get3A_489, %get3A_493 : vector<16xf32>
          %mul3A_495 = arith.mulf %sub3A_494, %sub3A_494 : vector<16xf32>
          %get3A_496 = arith.constant 3 : i32
          %get3A_497 = arith.index_cast %get3A_496 : i32 to index
          %get3A_498 = arith.index_cast %mul3A_83 : i32 to index
          %get3A_499 = tpu.vector_load %arg6[%get3A_497, %get3A_498] {strides = array<i32>} : memref<6x512xf32, #tpu.memory_space<vmem>>, vector<16xf32>,
          %get3A_500 = arith.constant 3 : i32
          %get3A_501 = arith.index_cast %get3A_500 : i32 to index
          %get3A_502 = arith.index_cast %mul3A_83 : i32 to index
          %get3A_503 = tpu.vector_load %arg8[%get3A_501, %get3A_502] {strides = array<i32>} : memref<6x512xf32, #tpu.memory_space<vmem>>, vector<16xf32>,
          %sub3A_504 = arith.subf %get3A_499, %get3A_503 : vector<16xf32>
          %mul3A_505 = arith.mulf %sub3A_504, %sub3A_504 : vector<16xf32>
          %get3A_506 = arith.constant 4 : i32
          %get3A_507 = arith.index_cast %get3A_506 : i32 to index
          %get3A_508 = arith.index_cast %mul3A_83 : i32 to index
          %get3A_509 = tpu.vector_load %arg6[%get3A_507, %get3A_508] {strides = array<i32>} : memref<6x512xf32, #tpu.memory_space<vmem>>, vector<16xf32>,
          %get3A_510 = arith.constant 4 : i32
          %get3A_511 = arith.index_cast %get3A_510 : i32 to index
          %get3A_512 = arith.index_cast %mul3A_83 : i32 to index
          %get3A_513 = tpu.vector_load %arg8[%get3A_511, %get3A_512] {strides = array<i32>} : memref<6x512xf32, #tpu.memory_space<vmem>>, vector<16xf32>,
          %sub3A_514 = arith.subf %get3A_509, %get3A_513 : vector<16xf32>
          %mul3A_515 = arith.mulf %sub3A_514, %sub3A_514 : vector<16xf32>
          %get3A_516 = arith.constant 5 : i32
          %get3A_517 = arith.index_cast %get3A_516 : i32 to index
          %get3A_518 = arith.index_cast %mul3A_83 : i32 to index
          %get3A_519 = tpu.vector_load %arg6[%get3A_517, %get3A_518] {strides = array<i32>} : memref<6x512xf32, #tpu.memory_space<vmem>>, vector<16xf32>,
          %get3A_520 = arith.constant 5 : i32
          %get3A_521 = arith.index_cast %get3A_520 : i32 to index
          %get3A_522 = arith.index_cast %mul3A_83 : i32 to index
          %get3A_523 = tpu.vector_load %arg8[%get3A_521, %get3A_522] {strides = array<i32>} : memref<6x512xf32, #tpu.memory_space<vmem>>, vector<16xf32>,
          %sub3A_524 = arith.subf %get3A_519, %get3A_523 : vector<16xf32>
          %mul3A_525 = arith.mulf %sub3A_524, %sub3A_524 : vector<16xf32>
          %add3A_526 = arith.addf %mul3A_335, %mul3A_345 : vector<16xf32>
          %add3A_527 = arith.addf %mul3A_355, %mul3A_365 : vector<16xf32>
          %add3A_528 = arith.addf %mul3A_375, %mul3A_385 : vector<16xf32>
          %add3A_529 = arith.addf %mul3A_395, %mul3A_405 : vector<16xf32>
          %add3A_530 = arith.addf %mul3A_415, %mul3A_425 : vector<16xf32>
          %add3A_531 = arith.addf %mul3A_435, %mul3A_445 : vector<16xf32>
          %add3A_532 = arith.addf %mul3A_455, %mul3A_465 : vector<16xf32>
          %add3A_533 = arith.addf %mul3A_475, %mul3A_485 : vector<16xf32>
          %add3A_534 = arith.addf %mul3A_495, %mul3A_505 : vector<16xf32>
          %add3A_535 = arith.addf %mul3A_515, %mul3A_525 : vector<16xf32>
          %add3A_536 = arith.addf %add3A_526, %add3A_527 : vector<16xf32>
          %add3A_537 = arith.addf %add3A_528, %add3A_529 : vector<16xf32>
          %add3A_538 = arith.addf %add3A_530, %add3A_531 : vector<16xf32>
          %add3A_539 = arith.addf %add3A_532, %add3A_533 : vector<16xf32>
          %add3A_540 = arith.addf %add3A_534, %add3A_535 : vector<16xf32>
          %add3A_541 = arith.addf %add3A_536, %add3A_537 : vector<16xf32>
          %add3A_542 = arith.addf %add3A_538, %add3A_539 : vector<16xf32>
          %add3A_543 = arith.addf %add3A_541, %add3A_542 : vector<16xf32>
          %add3A_544 = arith.addf %add3A_543, %add3A_540 : vector<16xf32>
          %add3A_545 = arith.addf %add3A_132, %add3A_308 : vector<16xf32>
          %mul3A_546 = arith.constant 5.000000e+00 : f32
          %mul3A_547 = vector.broadcast %mul3A_546 : f32 to vector<16xf32>
          %mul3A_548 = arith.mulf %mul3A_547, %add3A_545 : vector<16xf32>
          %add3A_549 = arith.addf %mul3A_548, %add3A_544 : vector<16xf32>
          %mul3A_550 = arith.constant 5.000000e-01 : f32
          %mul3A_551 = vector.broadcast %mul3A_550 : f32 to vector<16xf32>
          %mul3A_552 = arith.mulf %mul3A_551, %add3A_325 : vector<16xf32>
          %add3A_553 = arith.addf %add3A_549, %mul3A_552 : vector<16xf32>
          %mul3A_554 = arith.mulf %select_n3A, %add3A_553 : vector<16xf32>
          %mul3A_555 = vector.broadcast %mul3A_72 : f32 to vector<16xf32>
          %mul3A_556 = arith.mulf %mul3A_555, %add3A_325 : vector<16xf32>
          %add3A_557 = arith.addf %mul3A_554, %mul3A_556 : vector<16xf32>
          %add3A_558 = arith.addf %scan3A_81, %add3A_557 : vector<16xf32>
          scf.yield %add3A_558 : vector<16xf32>
        }
        %scan3A_79 = arith.constant 32 : i32
        scf.yield %scan3A_78 : vector<16xf32>
      } else {
        scf.yield %scan3A_26 : vector<16xf32>
      }
      %add3A_48 = arith.constant 64 : i32
      %add3A_49 = arith.addi %add3A_29, %add3A_48 : i32
      %lt3A_50 = arith.constant 196 : i32
      %lt3A_51 = arith.cmpi slt, %add3A_49, %lt3A_50 : i32
      %convert_element_type3A_52 = arith.extui %lt3A_51 : i1 to i32
      %cond3A_53 = arith.constant 0 : i32
      %cond3A_54 = arith.cmpi ne, %convert_element_type3A_52, %cond3A_53 : i32
      scf.if %cond3A_54 {
        %shift_right_logical3A = arith.constant 2 : i32
        %shift_right_logical3A_70 = arith.shrui %add3A_49, %shift_right_logical3A : i32
        %and3A = arith.constant 3 : i32
        %and3A_71 = arith.andi %add3A_49, %and3A : i32
        %mul3A_72 = arith.constant 512 : i32
        %mul3A_73 = arith.muli %and3A_71, %mul3A_72 : i32
        %dma_start3A = arith.constant 0 : i32
        %dma_start3A_74 = tpu.memref_slice %arg2[%shift_right_logical3A_70, %dma_start3A, %mul3A_73] : memref<49x30x2048xf32, #tpu.memory_space<hbm>> -> memref<1x24x512xf32, #tpu.memory_space<hbm>>
        %dma_start3A_75 = tpu.memref_squeeze %dma_start3A_74 : memref<1x24x512xf32, #tpu.memory_space<hbm>> -> memref<24x512xf32, #tpu.memory_space<hbm>>
        %dma_start3A_76 = arith.constant 0 : i32
        %dma_start3A_77 = tpu.memref_slice %arg2[%shift_right_logical3A_70, %dma_start3A_76, %mul3A_73] : memref<49x30x2048xf32, #tpu.memory_space<hbm>> -> memref<1x24x512xf32, #tpu.memory_space<hbm>>
        %dma_start3A_78 = tpu.memref_squeeze %dma_start3A_77 : memref<1x24x512xf32, #tpu.memory_space<hbm>> -> memref<24x512xf32, #tpu.memory_space<hbm>>
        tpu.enqueue_dma source(%dma_start3A_78 : memref<24x512xf32, #tpu.memory_space<hbm>>) target(%arg5 : memref<24x512xf32, #tpu.memory_space<vmem>>) target_semaphore(%arg14 : memref<!tpu.dma_semaphore, #tpu.memory_space<semaphore_mem>>)
        %dma_start3A_79 = arith.constant 24 : i32
        %dma_start3A_80 = tpu.memref_slice %arg2[%shift_right_logical3A_70, %dma_start3A_79, %mul3A_73] : memref<49x30x2048xf32, #tpu.memory_space<hbm>> -> memref<1x6x512xf32, #tpu.memory_space<hbm>>
        %dma_start3A_81 = tpu.memref_squeeze %dma_start3A_80 : memref<1x6x512xf32, #tpu.memory_space<hbm>> -> memref<6x512xf32, #tpu.memory_space<hbm>>
        %dma_start3A_82 = arith.constant 24 : i32
        %dma_start3A_83 = tpu.memref_slice %arg2[%shift_right_logical3A_70, %dma_start3A_82, %mul3A_73] : memref<49x30x2048xf32, #tpu.memory_space<hbm>> -> memref<1x6x512xf32, #tpu.memory_space<hbm>>
        %dma_start3A_84 = tpu.memref_squeeze %dma_start3A_83 : memref<1x6x512xf32, #tpu.memory_space<hbm>> -> memref<6x512xf32, #tpu.memory_space<hbm>>
        tpu.enqueue_dma source(%dma_start3A_84 : memref<6x512xf32, #tpu.memory_space<hbm>>) target(%arg6 : memref<6x512xf32, #tpu.memory_space<vmem>>) target_semaphore(%arg14 : memref<!tpu.dma_semaphore, #tpu.memory_space<semaphore_mem>>)
        %dma_start3A_85 = arith.constant 0 : i32
        %dma_start3A_86 = tpu.memref_slice %arg3[%shift_right_logical3A_70, %dma_start3A_85, %mul3A_73] : memref<49x30x2048xf32, #tpu.memory_space<hbm>> -> memref<1x24x512xf32, #tpu.memory_space<hbm>>
        %dma_start3A_87 = tpu.memref_squeeze %dma_start3A_86 : memref<1x24x512xf32, #tpu.memory_space<hbm>> -> memref<24x512xf32, #tpu.memory_space<hbm>>
        %dma_start3A_88 = arith.constant 0 : i32
        %dma_start3A_89 = tpu.memref_slice %arg3[%shift_right_logical3A_70, %dma_start3A_88, %mul3A_73] : memref<49x30x2048xf32, #tpu.memory_space<hbm>> -> memref<1x24x512xf32, #tpu.memory_space<hbm>>
        %dma_start3A_90 = tpu.memref_squeeze %dma_start3A_89 : memref<1x24x512xf32, #tpu.memory_space<hbm>> -> memref<24x512xf32, #tpu.memory_space<hbm>>
        tpu.enqueue_dma source(%dma_start3A_90 : memref<24x512xf32, #tpu.memory_space<hbm>>) target(%arg7 : memref<24x512xf32, #tpu.memory_space<vmem>>) target_semaphore(%arg14 : memref<!tpu.dma_semaphore, #tpu.memory_space<semaphore_mem>>)
        %dma_start3A_91 = arith.constant 24 : i32
        %dma_start3A_92 = tpu.memref_slice %arg3[%shift_right_logical3A_70, %dma_start3A_91, %mul3A_73] : memref<49x30x2048xf32, #tpu.memory_space<hbm>> -> memref<1x6x512xf32, #tpu.memory_space<hbm>>
        %dma_start3A_93 = tpu.memref_squeeze %dma_start3A_92 : memref<1x6x512xf32, #tpu.memory_space<hbm>> -> memref<6x512xf32, #tpu.memory_space<hbm>>
        %dma_start3A_94 = arith.constant 24 : i32
        %dma_start3A_95 = tpu.memref_slice %arg3[%shift_right_logical3A_70, %dma_start3A_94, %mul3A_73] : memref<49x30x2048xf32, #tpu.memory_space<hbm>> -> memref<1x6x512xf32, #tpu.memory_space<hbm>>
        %dma_start3A_96 = tpu.memref_squeeze %dma_start3A_95 : memref<1x6x512xf32, #tpu.memory_space<hbm>> -> memref<6x512xf32, #tpu.memory_space<hbm>>
        tpu.enqueue_dma source(%dma_start3A_96 : memref<6x512xf32, #tpu.memory_space<hbm>>) target(%arg8 : memref<6x512xf32, #tpu.memory_space<vmem>>) target_semaphore(%arg14 : memref<!tpu.dma_semaphore, #tpu.memory_space<semaphore_mem>>)
      } else {
      }
      %add3A_55 = arith.constant 32 : i32
      %add3A_56 = arith.addi %add3A_29, %add3A_55 : i32
      %lt3A_57 = arith.constant 196 : i32
      %lt3A_58 = arith.cmpi slt, %add3A_56, %lt3A_57 : i32
      %convert_element_type3A_59 = arith.extui %lt3A_58 : i1 to i32
      %cond3A_60 = arith.constant 0 : i32
      %cond3A_61 = arith.cmpi ne, %convert_element_type3A_59, %cond3A_60 : i32
      scf.if %cond3A_61 {
        %dma_wait3A = arith.constant 0 : i32
        %dma_wait3A_70 = arith.constant 0 : i32
        %dma_wait3A_71 = arith.constant 0 : i32
        %dma_wait3A_72 = tpu.memref_slice %arg2[%dma_wait3A, %dma_wait3A_70, %dma_wait3A_71] : memref<49x30x2048xf32, #tpu.memory_space<hbm>> -> memref<1x24x512xf32, #tpu.memory_space<hbm>>
        %dma_wait3A_73 = tpu.memref_squeeze %dma_wait3A_72 : memref<1x24x512xf32, #tpu.memory_space<hbm>> -> memref<24x512xf32, #tpu.memory_space<hbm>>
        %dma_wait3A_74 = arith.constant 0 : i32
        %dma_wait3A_75 = arith.constant 0 : i32
        %dma_wait3A_76 = tpu.memref_slice %arg2[%dma_wait3A, %dma_wait3A_74, %dma_wait3A_75] : memref<49x30x2048xf32, #tpu.memory_space<hbm>> -> memref<1x24x512xf32, #tpu.memory_space<hbm>>
        %dma_wait3A_77 = tpu.memref_squeeze %dma_wait3A_76 : memref<1x24x512xf32, #tpu.memory_space<hbm>> -> memref<24x512xf32, #tpu.memory_space<hbm>>
        tpu.wait_dma2 semaphore(%arg15 : memref<!tpu.dma_semaphore, #tpu.memory_space<semaphore_mem>>) src(%dma_wait3A_77 : memref<24x512xf32, #tpu.memory_space<hbm>>) dst(%arg9 : memref<24x512xf32, #tpu.memory_space<vmem>>)
        %dma_wait3A_78 = arith.constant 0 : i32
        %dma_wait3A_79 = arith.constant 24 : i32
        %dma_wait3A_80 = arith.constant 0 : i32
        %dma_wait3A_81 = tpu.memref_slice %arg2[%dma_wait3A_78, %dma_wait3A_79, %dma_wait3A_80] : memref<49x30x2048xf32, #tpu.memory_space<hbm>> -> memref<1x6x512xf32, #tpu.memory_space<hbm>>
        %dma_wait3A_82 = tpu.memref_squeeze %dma_wait3A_81 : memref<1x6x512xf32, #tpu.memory_space<hbm>> -> memref<6x512xf32, #tpu.memory_space<hbm>>
        %dma_wait3A_83 = arith.constant 24 : i32
        %dma_wait3A_84 = arith.constant 0 : i32
        %dma_wait3A_85 = tpu.memref_slice %arg2[%dma_wait3A_78, %dma_wait3A_83, %dma_wait3A_84] : memref<49x30x2048xf32, #tpu.memory_space<hbm>> -> memref<1x6x512xf32, #tpu.memory_space<hbm>>
        %dma_wait3A_86 = tpu.memref_squeeze %dma_wait3A_85 : memref<1x6x512xf32, #tpu.memory_space<hbm>> -> memref<6x512xf32, #tpu.memory_space<hbm>>
        tpu.wait_dma2 semaphore(%arg15 : memref<!tpu.dma_semaphore, #tpu.memory_space<semaphore_mem>>) src(%dma_wait3A_86 : memref<6x512xf32, #tpu.memory_space<hbm>>) dst(%arg10 : memref<6x512xf32, #tpu.memory_space<vmem>>)
        %dma_wait3A_87 = arith.constant 0 : i32
        %dma_wait3A_88 = arith.constant 0 : i32
        %dma_wait3A_89 = arith.constant 0 : i32
        %dma_wait3A_90 = tpu.memref_slice %arg2[%dma_wait3A_87, %dma_wait3A_88, %dma_wait3A_89] : memref<49x30x2048xf32, #tpu.memory_space<hbm>> -> memref<1x24x512xf32, #tpu.memory_space<hbm>>
        %dma_wait3A_91 = tpu.memref_squeeze %dma_wait3A_90 : memref<1x24x512xf32, #tpu.memory_space<hbm>> -> memref<24x512xf32, #tpu.memory_space<hbm>>
        %dma_wait3A_92 = arith.constant 0 : i32
        %dma_wait3A_93 = arith.constant 0 : i32
        %dma_wait3A_94 = tpu.memref_slice %arg2[%dma_wait3A_87, %dma_wait3A_92, %dma_wait3A_93] : memref<49x30x2048xf32, #tpu.memory_space<hbm>> -> memref<1x24x512xf32, #tpu.memory_space<hbm>>
        %dma_wait3A_95 = tpu.memref_squeeze %dma_wait3A_94 : memref<1x24x512xf32, #tpu.memory_space<hbm>> -> memref<24x512xf32, #tpu.memory_space<hbm>>
        tpu.wait_dma2 semaphore(%arg15 : memref<!tpu.dma_semaphore, #tpu.memory_space<semaphore_mem>>) src(%dma_wait3A_95 : memref<24x512xf32, #tpu.memory_space<hbm>>) dst(%arg11 : memref<24x512xf32, #tpu.memory_space<vmem>>)
        %dma_wait3A_96 = arith.constant 0 : i32
        %dma_wait3A_97 = arith.constant 24 : i32
        %dma_wait3A_98 = arith.constant 0 : i32
        %dma_wait3A_99 = tpu.memref_slice %arg2[%dma_wait3A_96, %dma_wait3A_97, %dma_wait3A_98] : memref<49x30x2048xf32, #tpu.memory_space<hbm>> -> memref<1x6x512xf32, #tpu.memory_space<hbm>>
        %dma_wait3A_100 = tpu.memref_squeeze %dma_wait3A_99 : memref<1x6x512xf32, #tpu.memory_space<hbm>> -> memref<6x512xf32, #tpu.memory_space<hbm>>
        %dma_wait3A_101 = arith.constant 24 : i32
        %dma_wait3A_102 = arith.constant 0 : i32
        %dma_wait3A_103 = tpu.memref_slice %arg2[%dma_wait3A_96, %dma_wait3A_101, %dma_wait3A_102] : memref<49x30x2048xf32, #tpu.memory_space<hbm>> -> memref<1x6x512xf32, #tpu.memory_space<hbm>>
        %dma_wait3A_104 = tpu.memref_squeeze %dma_wait3A_103 : memref<1x6x512xf32, #tpu.memory_space<hbm>> -> memref<6x512xf32, #tpu.memory_space<hbm>>
        tpu.wait_dma2 semaphore(%arg15 : memref<!tpu.dma_semaphore, #tpu.memory_space<semaphore_mem>>) src(%dma_wait3A_104 : memref<6x512xf32, #tpu.memory_space<hbm>>) dst(%arg12 : memref<6x512xf32, #tpu.memory_space<vmem>>)
      } else {
      }
      %add3A_62 = arith.constant 32 : i32
      %add3A_63 = arith.addi %add3A_29, %add3A_62 : i32
      %lt3A_64 = arith.constant 196 : i32
      %lt3A_65 = arith.cmpi slt, %add3A_63, %lt3A_64 : i32
      %convert_element_type3A_66 = arith.extui %lt3A_65 : i1 to i32
      %cond3A_67 = arith.constant 0 : i32
      %cond3A_68 = arith.cmpi ne, %convert_element_type3A_66, %cond3A_67 : i32
      %cond3A_69 = scf.if %cond3A_68 -> (vector<16xf32>) {
        %mul3A_70 = arith.constant 1.000000e+00 : f32
        %mul3A_71 = arith.constant 5.000000e-01 : f32
        %mul3A_72 = arith.mulf %mul3A_70, %mul3A_71 : f32
        %scan3A_73 = arith.constant 1.000000e+00 : f32
        %scan3A_74 = arith.constant 0 : i32
        %scan3A_75 = arith.constant 32 : i32
        %scan3A_76 = arith.addi %scan3A_74, %scan3A_75 : i32
        %scan3A_77 = arith.constant 1 : i32
        %scan3A_78 = scf.for %scan3A_80 = %scan3A_74 to %scan3A_76 step %scan3A_77 iter_args(%scan3A_81 = %cond3A_47) -> (vector<16xf32>)  : i32 {
          %mul3A_82 = arith.constant 16 : i32
          %mul3A_83 = arith.muli %scan3A_80, %mul3A_82 : i32
          %get3A = arith.constant 4 : i32
          %get3A_84 = arith.index_cast %get3A : i32 to index
          %get3A_85 = arith.index_cast %mul3A_83 : i32 to index
          %get3A_86 = tpu.vector_load %arg11[%get3A_84, %get3A_85] {strides = array<i32>} : memref<24x512xf32, #tpu.memory_space<vmem>>, vector<16xf32>,
          %eq3A = arith.constant 1.000000e+00 : f32
          %eq3A_87 = vector.broadcast %eq3A : f32 to vector<16xf32>
          %eq3A_88 = arith.cmpf oeq, %get3A_86, %eq3A_87 : vector<16xf32>
          %jit3A = arith.constant 0.000000e+00 : f32
          %broadcast_in_dim3A_89 = vector.broadcast %scan3A_73 : f32 to vector<16xf32>
          %broadcast_in_dim3A_90 = vector.broadcast %jit3A : f32 to vector<16xf32>
          %select_n3A = arith.select %eq3A_88, %broadcast_in_dim3A_89, %broadcast_in_dim3A_90 : vector<16xi1>, vector<16xf32>
          %get3A_91 = arith.constant 0 : i32
          %get3A_92 = arith.index_cast %get3A_91 : i32 to index
          %get3A_93 = arith.index_cast %mul3A_83 : i32 to index
          %get3A_94 = tpu.vector_load %arg9[%get3A_92, %get3A_93] {strides = array<i32>} : memref<24x512xf32, #tpu.memory_space<vmem>>, vector<16xf32>,
          %get3A_95 = arith.constant 0 : i32
          %get3A_96 = arith.index_cast %get3A_95 : i32 to index
          %get3A_97 = arith.index_cast %mul3A_83 : i32 to index
          %get3A_98 = tpu.vector_load %arg11[%get3A_96, %get3A_97] {strides = array<i32>} : memref<24x512xf32, #tpu.memory_space<vmem>>, vector<16xf32>,
          %sub3A = arith.subf %get3A_94, %get3A_98 : vector<16xf32>
          %mul3A_99 = arith.mulf %sub3A, %sub3A : vector<16xf32>
          %get3A_100 = arith.constant 1 : i32
          %get3A_101 = arith.index_cast %get3A_100 : i32 to index
          %get3A_102 = arith.index_cast %mul3A_83 : i32 to index
          %get3A_103 = tpu.vector_load %arg9[%get3A_101, %get3A_102] {strides = array<i32>} : memref<24x512xf32, #tpu.memory_space<vmem>>, vector<16xf32>,
          %get3A_104 = arith.constant 1 : i32
          %get3A_105 = arith.index_cast %get3A_104 : i32 to index
          %get3A_106 = arith.index_cast %mul3A_83 : i32 to index
          %get3A_107 = tpu.vector_load %arg11[%get3A_105, %get3A_106] {strides = array<i32>} : memref<24x512xf32, #tpu.memory_space<vmem>>, vector<16xf32>,
          %sub3A_108 = arith.subf %get3A_103, %get3A_107 : vector<16xf32>
          %mul3A_109 = arith.mulf %sub3A_108, %sub3A_108 : vector<16xf32>
          %get3A_110 = arith.constant 5 : i32
          %get3A_111 = arith.index_cast %get3A_110 : i32 to index
          %get3A_112 = arith.index_cast %mul3A_83 : i32 to index
          %get3A_113 = tpu.vector_load %arg9[%get3A_111, %get3A_112] {strides = array<i32>} : memref<24x512xf32, #tpu.memory_space<vmem>>, vector<16xf32>,
          %get3A_114 = arith.constant 5 : i32
          %get3A_115 = arith.index_cast %get3A_114 : i32 to index
          %get3A_116 = arith.index_cast %mul3A_83 : i32 to index
          %get3A_117 = tpu.vector_load %arg11[%get3A_115, %get3A_116] {strides = array<i32>} : memref<24x512xf32, #tpu.memory_space<vmem>>, vector<16xf32>,
          %sub3A_118 = arith.subf %get3A_113, %get3A_117 : vector<16xf32>
          %mul3A_119 = arith.mulf %sub3A_118, %sub3A_118 : vector<16xf32>
          %get3A_120 = arith.constant 6 : i32
          %get3A_121 = arith.index_cast %get3A_120 : i32 to index
          %get3A_122 = arith.index_cast %mul3A_83 : i32 to index
          %get3A_123 = tpu.vector_load %arg9[%get3A_121, %get3A_122] {strides = array<i32>} : memref<24x512xf32, #tpu.memory_space<vmem>>, vector<16xf32>,
          %get3A_124 = arith.constant 6 : i32
          %get3A_125 = arith.index_cast %get3A_124 : i32 to index
          %get3A_126 = arith.index_cast %mul3A_83 : i32 to index
          %get3A_127 = tpu.vector_load %arg11[%get3A_125, %get3A_126] {strides = array<i32>} : memref<24x512xf32, #tpu.memory_space<vmem>>, vector<16xf32>,
          %sub3A_128 = arith.subf %get3A_123, %get3A_127 : vector<16xf32>
          %mul3A_129 = arith.mulf %sub3A_128, %sub3A_128 : vector<16xf32>
          %add3A_130 = arith.addf %mul3A_99, %mul3A_109 : vector<16xf32>
          %add3A_131 = arith.addf %mul3A_119, %mul3A_129 : vector<16xf32>
          %add3A_132 = arith.addf %add3A_130, %add3A_131 : vector<16xf32>
          %get3A_133 = arith.constant 2 : i32
          %get3A_134 = arith.index_cast %get3A_133 : i32 to index
          %get3A_135 = arith.index_cast %mul3A_83 : i32 to index
          %get3A_136 = tpu.vector_load %arg9[%get3A_134, %get3A_135] {strides = array<i32>} : memref<24x512xf32, #tpu.memory_space<vmem>>, vector<16xf32>,
          %get3A_137 = arith.constant 2 : i32
          %get3A_138 = arith.index_cast %get3A_137 : i32 to index
          %get3A_139 = arith.index_cast %mul3A_83 : i32 to index
          %get3A_140 = tpu.vector_load %arg11[%get3A_138, %get3A_139] {strides = array<i32>} : memref<24x512xf32, #tpu.memory_space<vmem>>, vector<16xf32>,
          %add3A_141 = arith.addf %get3A_136, %get3A_140 : vector<16xf32>
          %mul3A_142 = arith.mulf %get3A_136, %get3A_140 : vector<16xf32>
          %max3A = arith.constant 9.99999996E-13 : f32
          %max3A_143 = vector.broadcast %max3A : f32 to vector<16xf32>
          %max3A_144 = arith.maximumf %mul3A_142, %max3A_143 : vector<16xf32>
          %bitcast3A = vector.bitcast %max3A_144 : vector<16xf32> to vector<16xi32>
          %shift_right_logical3A = arith.constant 1 : i32
          %shift_right_logical3A_145 = vector.broadcast %shift_right_logical3A : i32 to vector<16xi32>
          %shift_right_logical3A_146 = arith.shrui %bitcast3A, %shift_right_logical3A_145 : vector<16xi32>
          %sub3A_147 = arith.constant 1597463007 : i32
          %sub3A_148 = vector.broadcast %sub3A_147 : i32 to vector<16xi32>
          %sub3A_149 = arith.subi %sub3A_148, %shift_right_logical3A_146 : vector<16xi32>
          %bitcast3A_150 = vector.bitcast %sub3A_149 : vector<16xi32> to vector<16xf32>
          %mul3A_151 = arith.constant 5.000000e-01 : f32
          %mul3A_152 = vector.broadcast %mul3A_151 : f32 to vector<16xf32>
          %mul3A_153 = arith.mulf %mul3A_152, %max3A_144 : vector<16xf32>
          %mul3A_154 = arith.mulf %mul3A_153, %bitcast3A_150 : vector<16xf32>
          %mul3A_155 = arith.mulf %mul3A_154, %bitcast3A_150 : vector<16xf32>
          %sub3A_156 = arith.constant 1.500000e+00 : f32
          %sub3A_157 = vector.broadcast %sub3A_156 : f32 to vector<16xf32>
          %sub3A_158 = arith.subf %sub3A_157, %mul3A_155 : vector<16xf32>
          %mul3A_159 = arith.mulf %bitcast3A_150, %sub3A_158 : vector<16xf32>
          %mul3A_160 = arith.constant 5.000000e-01 : f32
          %mul3A_161 = vector.broadcast %mul3A_160 : f32 to vector<16xf32>
          %mul3A_162 = arith.mulf %mul3A_161, %max3A_144 : vector<16xf32>
          %mul3A_163 = arith.mulf %mul3A_162, %mul3A_159 : vector<16xf32>
          %mul3A_164 = arith.mulf %mul3A_163, %mul3A_159 : vector<16xf32>
          %sub3A_165 = arith.constant 1.500000e+00 : f32
          %sub3A_166 = vector.broadcast %sub3A_165 : f32 to vector<16xf32>
          %sub3A_167 = arith.subf %sub3A_166, %mul3A_164 : vector<16xf32>
          %mul3A_168 = arith.mulf %mul3A_159, %sub3A_167 : vector<16xf32>
          %mul3A_169 = arith.mulf %max3A_144, %mul3A_168 : vector<16xf32>
          %mul3A_170 = arith.constant 2.000000e+00 : f32
          %mul3A_171 = vector.broadcast %mul3A_170 : f32 to vector<16xf32>
          %mul3A_172 = arith.mulf %mul3A_171, %mul3A_169 : vector<16xf32>
          %sub3A_173 = arith.subf %add3A_141, %mul3A_172 : vector<16xf32>
          %get3A_174 = arith.constant 3 : i32
          %get3A_175 = arith.index_cast %get3A_174 : i32 to index
          %get3A_176 = arith.index_cast %mul3A_83 : i32 to index
          %get3A_177 = tpu.vector_load %arg9[%get3A_175, %get3A_176] {strides = array<i32>} : memref<24x512xf32, #tpu.memory_space<vmem>>, vector<16xf32>,
          %get3A_178 = arith.constant 3 : i32
          %get3A_179 = arith.index_cast %get3A_178 : i32 to index
          %get3A_180 = arith.index_cast %mul3A_83 : i32 to index
          %get3A_181 = tpu.vector_load %arg11[%get3A_179, %get3A_180] {strides = array<i32>} : memref<24x512xf32, #tpu.memory_space<vmem>>, vector<16xf32>,
          %add3A_182 = arith.addf %get3A_177, %get3A_181 : vector<16xf32>
          %mul3A_183 = arith.mulf %get3A_177, %get3A_181 : vector<16xf32>
          %max3A_184 = arith.constant 9.99999996E-13 : f32
          %max3A_185 = vector.broadcast %max3A_184 : f32 to vector<16xf32>
          %max3A_186 = arith.maximumf %mul3A_183, %max3A_185 : vector<16xf32>
          %bitcast3A_187 = vector.bitcast %max3A_186 : vector<16xf32> to vector<16xi32>
          %shift_right_logical3A_188 = arith.constant 1 : i32
          %shift_right_logical3A_189 = vector.broadcast %shift_right_logical3A_188 : i32 to vector<16xi32>
          %shift_right_logical3A_190 = arith.shrui %bitcast3A_187, %shift_right_logical3A_189 : vector<16xi32>
          %sub3A_191 = arith.constant 1597463007 : i32
          %sub3A_192 = vector.broadcast %sub3A_191 : i32 to vector<16xi32>
          %sub3A_193 = arith.subi %sub3A_192, %shift_right_logical3A_190 : vector<16xi32>
          %bitcast3A_194 = vector.bitcast %sub3A_193 : vector<16xi32> to vector<16xf32>
          %mul3A_195 = arith.constant 5.000000e-01 : f32
          %mul3A_196 = vector.broadcast %mul3A_195 : f32 to vector<16xf32>
          %mul3A_197 = arith.mulf %mul3A_196, %max3A_186 : vector<16xf32>
          %mul3A_198 = arith.mulf %mul3A_197, %bitcast3A_194 : vector<16xf32>
          %mul3A_199 = arith.mulf %mul3A_198, %bitcast3A_194 : vector<16xf32>
          %sub3A_200 = arith.constant 1.500000e+00 : f32
          %sub3A_201 = vector.broadcast %sub3A_200 : f32 to vector<16xf32>
          %sub3A_202 = arith.subf %sub3A_201, %mul3A_199 : vector<16xf32>
          %mul3A_203 = arith.mulf %bitcast3A_194, %sub3A_202 : vector<16xf32>
          %mul3A_204 = arith.constant 5.000000e-01 : f32
          %mul3A_205 = vector.broadcast %mul3A_204 : f32 to vector<16xf32>
          %mul3A_206 = arith.mulf %mul3A_205, %max3A_186 : vector<16xf32>
          %mul3A_207 = arith.mulf %mul3A_206, %mul3A_203 : vector<16xf32>
          %mul3A_208 = arith.mulf %mul3A_207, %mul3A_203 : vector<16xf32>
          %sub3A_209 = arith.constant 1.500000e+00 : f32
          %sub3A_210 = vector.broadcast %sub3A_209 : f32 to vector<16xf32>
          %sub3A_211 = arith.subf %sub3A_210, %mul3A_208 : vector<16xf32>
          %mul3A_212 = arith.mulf %mul3A_203, %sub3A_211 : vector<16xf32>
          %mul3A_213 = arith.mulf %max3A_186, %mul3A_212 : vector<16xf32>
          %mul3A_214 = arith.constant 2.000000e+00 : f32
          %mul3A_215 = vector.broadcast %mul3A_214 : f32 to vector<16xf32>
          %mul3A_216 = arith.mulf %mul3A_215, %mul3A_213 : vector<16xf32>
          %sub3A_217 = arith.subf %add3A_182, %mul3A_216 : vector<16xf32>
          %get3A_218 = arith.constant 7 : i32
          %get3A_219 = arith.index_cast %get3A_218 : i32 to index
          %get3A_220 = arith.index_cast %mul3A_83 : i32 to index
          %get3A_221 = tpu.vector_load %arg9[%get3A_219, %get3A_220] {strides = array<i32>} : memref<24x512xf32, #tpu.memory_space<vmem>>, vector<16xf32>,
          %get3A_222 = arith.constant 7 : i32
          %get3A_223 = arith.index_cast %get3A_222 : i32 to index
          %get3A_224 = arith.index_cast %mul3A_83 : i32 to index
          %get3A_225 = tpu.vector_load %arg11[%get3A_223, %get3A_224] {strides = array<i32>} : memref<24x512xf32, #tpu.memory_space<vmem>>, vector<16xf32>,
          %add3A_226 = arith.addf %get3A_221, %get3A_225 : vector<16xf32>
          %mul3A_227 = arith.mulf %get3A_221, %get3A_225 : vector<16xf32>
          %max3A_228 = arith.constant 9.99999996E-13 : f32
          %max3A_229 = vector.broadcast %max3A_228 : f32 to vector<16xf32>
          %max3A_230 = arith.maximumf %mul3A_227, %max3A_229 : vector<16xf32>
          %bitcast3A_231 = vector.bitcast %max3A_230 : vector<16xf32> to vector<16xi32>
          %shift_right_logical3A_232 = arith.constant 1 : i32
          %shift_right_logical3A_233 = vector.broadcast %shift_right_logical3A_232 : i32 to vector<16xi32>
          %shift_right_logical3A_234 = arith.shrui %bitcast3A_231, %shift_right_logical3A_233 : vector<16xi32>
          %sub3A_235 = arith.constant 1597463007 : i32
          %sub3A_236 = vector.broadcast %sub3A_235 : i32 to vector<16xi32>
          %sub3A_237 = arith.subi %sub3A_236, %shift_right_logical3A_234 : vector<16xi32>
          %bitcast3A_238 = vector.bitcast %sub3A_237 : vector<16xi32> to vector<16xf32>
          %mul3A_239 = arith.constant 5.000000e-01 : f32
          %mul3A_240 = vector.broadcast %mul3A_239 : f32 to vector<16xf32>
          %mul3A_241 = arith.mulf %mul3A_240, %max3A_230 : vector<16xf32>
          %mul3A_242 = arith.mulf %mul3A_241, %bitcast3A_238 : vector<16xf32>
          %mul3A_243 = arith.mulf %mul3A_242, %bitcast3A_238 : vector<16xf32>
          %sub3A_244 = arith.constant 1.500000e+00 : f32
          %sub3A_245 = vector.broadcast %sub3A_244 : f32 to vector<16xf32>
          %sub3A_246 = arith.subf %sub3A_245, %mul3A_243 : vector<16xf32>
          %mul3A_247 = arith.mulf %bitcast3A_238, %sub3A_246 : vector<16xf32>
          %mul3A_248 = arith.constant 5.000000e-01 : f32
          %mul3A_249 = vector.broadcast %mul3A_248 : f32 to vector<16xf32>
          %mul3A_250 = arith.mulf %mul3A_249, %max3A_230 : vector<16xf32>
          %mul3A_251 = arith.mulf %mul3A_250, %mul3A_247 : vector<16xf32>
          %mul3A_252 = arith.mulf %mul3A_251, %mul3A_247 : vector<16xf32>
          %sub3A_253 = arith.constant 1.500000e+00 : f32
          %sub3A_254 = vector.broadcast %sub3A_253 : f32 to vector<16xf32>
          %sub3A_255 = arith.subf %sub3A_254, %mul3A_252 : vector<16xf32>
          %mul3A_256 = arith.mulf %mul3A_247, %sub3A_255 : vector<16xf32>
          %mul3A_257 = arith.mulf %max3A_230, %mul3A_256 : vector<16xf32>
          %mul3A_258 = arith.constant 2.000000e+00 : f32
          %mul3A_259 = vector.broadcast %mul3A_258 : f32 to vector<16xf32>
          %mul3A_260 = arith.mulf %mul3A_259, %mul3A_257 : vector<16xf32>
          %sub3A_261 = arith.subf %add3A_226, %mul3A_260 : vector<16xf32>
          %get3A_262 = arith.constant 8 : i32
          %get3A_263 = arith.index_cast %get3A_262 : i32 to index
          %get3A_264 = arith.index_cast %mul3A_83 : i32 to index
          %get3A_265 = tpu.vector_load %arg9[%get3A_263, %get3A_264] {strides = array<i32>} : memref<24x512xf32, #tpu.memory_space<vmem>>, vector<16xf32>,
          %get3A_266 = arith.constant 8 : i32
          %get3A_267 = arith.index_cast %get3A_266 : i32 to index
          %get3A_268 = arith.index_cast %mul3A_83 : i32 to index
          %get3A_269 = tpu.vector_load %arg11[%get3A_267, %get3A_268] {strides = array<i32>} : memref<24x512xf32, #tpu.memory_space<vmem>>, vector<16xf32>,
          %add3A_270 = arith.addf %get3A_265, %get3A_269 : vector<16xf32>
          %mul3A_271 = arith.mulf %get3A_265, %get3A_269 : vector<16xf32>
          %max3A_272 = arith.constant 9.99999996E-13 : f32
          %max3A_273 = vector.broadcast %max3A_272 : f32 to vector<16xf32>
          %max3A_274 = arith.maximumf %mul3A_271, %max3A_273 : vector<16xf32>
          %bitcast3A_275 = vector.bitcast %max3A_274 : vector<16xf32> to vector<16xi32>
          %shift_right_logical3A_276 = arith.constant 1 : i32
          %shift_right_logical3A_277 = vector.broadcast %shift_right_logical3A_276 : i32 to vector<16xi32>
          %shift_right_logical3A_278 = arith.shrui %bitcast3A_275, %shift_right_logical3A_277 : vector<16xi32>
          %sub3A_279 = arith.constant 1597463007 : i32
          %sub3A_280 = vector.broadcast %sub3A_279 : i32 to vector<16xi32>
          %sub3A_281 = arith.subi %sub3A_280, %shift_right_logical3A_278 : vector<16xi32>
          %bitcast3A_282 = vector.bitcast %sub3A_281 : vector<16xi32> to vector<16xf32>
          %mul3A_283 = arith.constant 5.000000e-01 : f32
          %mul3A_284 = vector.broadcast %mul3A_283 : f32 to vector<16xf32>
          %mul3A_285 = arith.mulf %mul3A_284, %max3A_274 : vector<16xf32>
          %mul3A_286 = arith.mulf %mul3A_285, %bitcast3A_282 : vector<16xf32>
          %mul3A_287 = arith.mulf %mul3A_286, %bitcast3A_282 : vector<16xf32>
          %sub3A_288 = arith.constant 1.500000e+00 : f32
          %sub3A_289 = vector.broadcast %sub3A_288 : f32 to vector<16xf32>
          %sub3A_290 = arith.subf %sub3A_289, %mul3A_287 : vector<16xf32>
          %mul3A_291 = arith.mulf %bitcast3A_282, %sub3A_290 : vector<16xf32>
          %mul3A_292 = arith.constant 5.000000e-01 : f32
          %mul3A_293 = vector.broadcast %mul3A_292 : f32 to vector<16xf32>
          %mul3A_294 = arith.mulf %mul3A_293, %max3A_274 : vector<16xf32>
          %mul3A_295 = arith.mulf %mul3A_294, %mul3A_291 : vector<16xf32>
          %mul3A_296 = arith.mulf %mul3A_295, %mul3A_291 : vector<16xf32>
          %sub3A_297 = arith.constant 1.500000e+00 : f32
          %sub3A_298 = vector.broadcast %sub3A_297 : f32 to vector<16xf32>
          %sub3A_299 = arith.subf %sub3A_298, %mul3A_296 : vector<16xf32>
          %mul3A_300 = arith.mulf %mul3A_291, %sub3A_299 : vector<16xf32>
          %mul3A_301 = arith.mulf %max3A_274, %mul3A_300 : vector<16xf32>
          %mul3A_302 = arith.constant 2.000000e+00 : f32
          %mul3A_303 = vector.broadcast %mul3A_302 : f32 to vector<16xf32>
          %mul3A_304 = arith.mulf %mul3A_303, %mul3A_301 : vector<16xf32>
          %sub3A_305 = arith.subf %add3A_270, %mul3A_304 : vector<16xf32>
          %add3A_306 = arith.addf %sub3A_173, %sub3A_217 : vector<16xf32>
          %add3A_307 = arith.addf %sub3A_261, %sub3A_305 : vector<16xf32>
          %add3A_308 = arith.addf %add3A_306, %add3A_307 : vector<16xf32>
          %get3A_309 = arith.constant 4 : i32
          %get3A_310 = arith.index_cast %get3A_309 : i32 to index
          %get3A_311 = arith.index_cast %mul3A_83 : i32 to index
          %get3A_312 = tpu.vector_load %arg9[%get3A_310, %get3A_311] {strides = array<i32>} : memref<24x512xf32, #tpu.memory_space<vmem>>, vector<16xf32>,
          %sub3A_313 = arith.subf %get3A_312, %get3A_86 : vector<16xf32>
          %get3A_314 = arith.constant 9 : i32
          %get3A_315 = arith.index_cast %get3A_314 : i32 to index
          %get3A_316 = arith.index_cast %mul3A_83 : i32 to index
          %get3A_317 = tpu.vector_load %arg9[%get3A_315, %get3A_316] {strides = array<i32>} : memref<24x512xf32, #tpu.memory_space<vmem>>, vector<16xf32>,
          %get3A_318 = arith.constant 9 : i32
          %get3A_319 = arith.index_cast %get3A_318 : i32 to index
          %get3A_320 = arith.index_cast %mul3A_83 : i32 to index
          %get3A_321 = tpu.vector_load %arg11[%get3A_319, %get3A_320] {strides = array<i32>} : memref<24x512xf32, #tpu.memory_space<vmem>>, vector<16xf32>,
          %sub3A_322 = arith.subf %get3A_317, %get3A_321 : vector<16xf32>
          %mul3A_323 = arith.mulf %sub3A_313, %sub3A_313 : vector<16xf32>
          %mul3A_324 = arith.mulf %sub3A_322, %sub3A_322 : vector<16xf32>
          %add3A_325 = arith.addf %mul3A_323, %mul3A_324 : vector<16xf32>
          %get3A_326 = arith.constant 10 : i32
          %get3A_327 = arith.index_cast %get3A_326 : i32 to index
          %get3A_328 = arith.index_cast %mul3A_83 : i32 to index
          %get3A_329 = tpu.vector_load %arg9[%get3A_327, %get3A_328] {strides = array<i32>} : memref<24x512xf32, #tpu.memory_space<vmem>>, vector<16xf32>,
          %get3A_330 = arith.constant 10 : i32
          %get3A_331 = arith.index_cast %get3A_330 : i32 to index
          %get3A_332 = arith.index_cast %mul3A_83 : i32 to index
          %get3A_333 = tpu.vector_load %arg11[%get3A_331, %get3A_332] {strides = array<i32>} : memref<24x512xf32, #tpu.memory_space<vmem>>, vector<16xf32>,
          %sub3A_334 = arith.subf %get3A_329, %get3A_333 : vector<16xf32>
          %mul3A_335 = arith.mulf %sub3A_334, %sub3A_334 : vector<16xf32>
          %get3A_336 = arith.constant 11 : i32
          %get3A_337 = arith.index_cast %get3A_336 : i32 to index
          %get3A_338 = arith.index_cast %mul3A_83 : i32 to index
          %get3A_339 = tpu.vector_load %arg9[%get3A_337, %get3A_338] {strides = array<i32>} : memref<24x512xf32, #tpu.memory_space<vmem>>, vector<16xf32>,
          %get3A_340 = arith.constant 11 : i32
          %get3A_341 = arith.index_cast %get3A_340 : i32 to index
          %get3A_342 = arith.index_cast %mul3A_83 : i32 to index
          %get3A_343 = tpu.vector_load %arg11[%get3A_341, %get3A_342] {strides = array<i32>} : memref<24x512xf32, #tpu.memory_space<vmem>>, vector<16xf32>,
          %sub3A_344 = arith.subf %get3A_339, %get3A_343 : vector<16xf32>
          %mul3A_345 = arith.mulf %sub3A_344, %sub3A_344 : vector<16xf32>
          %get3A_346 = arith.constant 12 : i32
          %get3A_347 = arith.index_cast %get3A_346 : i32 to index
          %get3A_348 = arith.index_cast %mul3A_83 : i32 to index
          %get3A_349 = tpu.vector_load %arg9[%get3A_347, %get3A_348] {strides = array<i32>} : memref<24x512xf32, #tpu.memory_space<vmem>>, vector<16xf32>,
          %get3A_350 = arith.constant 12 : i32
          %get3A_351 = arith.index_cast %get3A_350 : i32 to index
          %get3A_352 = arith.index_cast %mul3A_83 : i32 to index
          %get3A_353 = tpu.vector_load %arg11[%get3A_351, %get3A_352] {strides = array<i32>} : memref<24x512xf32, #tpu.memory_space<vmem>>, vector<16xf32>,
          %sub3A_354 = arith.subf %get3A_349, %get3A_353 : vector<16xf32>
          %mul3A_355 = arith.mulf %sub3A_354, %sub3A_354 : vector<16xf32>
          %get3A_356 = arith.constant 13 : i32
          %get3A_357 = arith.index_cast %get3A_356 : i32 to index
          %get3A_358 = arith.index_cast %mul3A_83 : i32 to index
          %get3A_359 = tpu.vector_load %arg9[%get3A_357, %get3A_358] {strides = array<i32>} : memref<24x512xf32, #tpu.memory_space<vmem>>, vector<16xf32>,
          %get3A_360 = arith.constant 13 : i32
          %get3A_361 = arith.index_cast %get3A_360 : i32 to index
          %get3A_362 = arith.index_cast %mul3A_83 : i32 to index
          %get3A_363 = tpu.vector_load %arg11[%get3A_361, %get3A_362] {strides = array<i32>} : memref<24x512xf32, #tpu.memory_space<vmem>>, vector<16xf32>,
          %sub3A_364 = arith.subf %get3A_359, %get3A_363 : vector<16xf32>
          %mul3A_365 = arith.mulf %sub3A_364, %sub3A_364 : vector<16xf32>
          %get3A_366 = arith.constant 14 : i32
          %get3A_367 = arith.index_cast %get3A_366 : i32 to index
          %get3A_368 = arith.index_cast %mul3A_83 : i32 to index
          %get3A_369 = tpu.vector_load %arg9[%get3A_367, %get3A_368] {strides = array<i32>} : memref<24x512xf32, #tpu.memory_space<vmem>>, vector<16xf32>,
          %get3A_370 = arith.constant 14 : i32
          %get3A_371 = arith.index_cast %get3A_370 : i32 to index
          %get3A_372 = arith.index_cast %mul3A_83 : i32 to index
          %get3A_373 = tpu.vector_load %arg11[%get3A_371, %get3A_372] {strides = array<i32>} : memref<24x512xf32, #tpu.memory_space<vmem>>, vector<16xf32>,
          %sub3A_374 = arith.subf %get3A_369, %get3A_373 : vector<16xf32>
          %mul3A_375 = arith.mulf %sub3A_374, %sub3A_374 : vector<16xf32>
          %get3A_376 = arith.constant 15 : i32
          %get3A_377 = arith.index_cast %get3A_376 : i32 to index
          %get3A_378 = arith.index_cast %mul3A_83 : i32 to index
          %get3A_379 = tpu.vector_load %arg9[%get3A_377, %get3A_378] {strides = array<i32>} : memref<24x512xf32, #tpu.memory_space<vmem>>, vector<16xf32>,
          %get3A_380 = arith.constant 15 : i32
          %get3A_381 = arith.index_cast %get3A_380 : i32 to index
          %get3A_382 = arith.index_cast %mul3A_83 : i32 to index
          %get3A_383 = tpu.vector_load %arg11[%get3A_381, %get3A_382] {strides = array<i32>} : memref<24x512xf32, #tpu.memory_space<vmem>>, vector<16xf32>,
          %sub3A_384 = arith.subf %get3A_379, %get3A_383 : vector<16xf32>
          %mul3A_385 = arith.mulf %sub3A_384, %sub3A_384 : vector<16xf32>
          %get3A_386 = arith.constant 16 : i32
          %get3A_387 = arith.index_cast %get3A_386 : i32 to index
          %get3A_388 = arith.index_cast %mul3A_83 : i32 to index
          %get3A_389 = tpu.vector_load %arg9[%get3A_387, %get3A_388] {strides = array<i32>} : memref<24x512xf32, #tpu.memory_space<vmem>>, vector<16xf32>,
          %get3A_390 = arith.constant 16 : i32
          %get3A_391 = arith.index_cast %get3A_390 : i32 to index
          %get3A_392 = arith.index_cast %mul3A_83 : i32 to index
          %get3A_393 = tpu.vector_load %arg11[%get3A_391, %get3A_392] {strides = array<i32>} : memref<24x512xf32, #tpu.memory_space<vmem>>, vector<16xf32>,
          %sub3A_394 = arith.subf %get3A_389, %get3A_393 : vector<16xf32>
          %mul3A_395 = arith.mulf %sub3A_394, %sub3A_394 : vector<16xf32>
          %get3A_396 = arith.constant 17 : i32
          %get3A_397 = arith.index_cast %get3A_396 : i32 to index
          %get3A_398 = arith.index_cast %mul3A_83 : i32 to index
          %get3A_399 = tpu.vector_load %arg9[%get3A_397, %get3A_398] {strides = array<i32>} : memref<24x512xf32, #tpu.memory_space<vmem>>, vector<16xf32>,
          %get3A_400 = arith.constant 17 : i32
          %get3A_401 = arith.index_cast %get3A_400 : i32 to index
          %get3A_402 = arith.index_cast %mul3A_83 : i32 to index
          %get3A_403 = tpu.vector_load %arg11[%get3A_401, %get3A_402] {strides = array<i32>} : memref<24x512xf32, #tpu.memory_space<vmem>>, vector<16xf32>,
          %sub3A_404 = arith.subf %get3A_399, %get3A_403 : vector<16xf32>
          %mul3A_405 = arith.mulf %sub3A_404, %sub3A_404 : vector<16xf32>
          %get3A_406 = arith.constant 18 : i32
          %get3A_407 = arith.index_cast %get3A_406 : i32 to index
          %get3A_408 = arith.index_cast %mul3A_83 : i32 to index
          %get3A_409 = tpu.vector_load %arg9[%get3A_407, %get3A_408] {strides = array<i32>} : memref<24x512xf32, #tpu.memory_space<vmem>>, vector<16xf32>,
          %get3A_410 = arith.constant 18 : i32
          %get3A_411 = arith.index_cast %get3A_410 : i32 to index
          %get3A_412 = arith.index_cast %mul3A_83 : i32 to index
          %get3A_413 = tpu.vector_load %arg11[%get3A_411, %get3A_412] {strides = array<i32>} : memref<24x512xf32, #tpu.memory_space<vmem>>, vector<16xf32>,
          %sub3A_414 = arith.subf %get3A_409, %get3A_413 : vector<16xf32>
          %mul3A_415 = arith.mulf %sub3A_414, %sub3A_414 : vector<16xf32>
          %get3A_416 = arith.constant 19 : i32
          %get3A_417 = arith.index_cast %get3A_416 : i32 to index
          %get3A_418 = arith.index_cast %mul3A_83 : i32 to index
          %get3A_419 = tpu.vector_load %arg9[%get3A_417, %get3A_418] {strides = array<i32>} : memref<24x512xf32, #tpu.memory_space<vmem>>, vector<16xf32>,
          %get3A_420 = arith.constant 19 : i32
          %get3A_421 = arith.index_cast %get3A_420 : i32 to index
          %get3A_422 = arith.index_cast %mul3A_83 : i32 to index
          %get3A_423 = tpu.vector_load %arg11[%get3A_421, %get3A_422] {strides = array<i32>} : memref<24x512xf32, #tpu.memory_space<vmem>>, vector<16xf32>,
          %sub3A_424 = arith.subf %get3A_419, %get3A_423 : vector<16xf32>
          %mul3A_425 = arith.mulf %sub3A_424, %sub3A_424 : vector<16xf32>
          %get3A_426 = arith.constant 20 : i32
          %get3A_427 = arith.index_cast %get3A_426 : i32 to index
          %get3A_428 = arith.index_cast %mul3A_83 : i32 to index
          %get3A_429 = tpu.vector_load %arg9[%get3A_427, %get3A_428] {strides = array<i32>} : memref<24x512xf32, #tpu.memory_space<vmem>>, vector<16xf32>,
          %get3A_430 = arith.constant 20 : i32
          %get3A_431 = arith.index_cast %get3A_430 : i32 to index
          %get3A_432 = arith.index_cast %mul3A_83 : i32 to index
          %get3A_433 = tpu.vector_load %arg11[%get3A_431, %get3A_432] {strides = array<i32>} : memref<24x512xf32, #tpu.memory_space<vmem>>, vector<16xf32>,
          %sub3A_434 = arith.subf %get3A_429, %get3A_433 : vector<16xf32>
          %mul3A_435 = arith.mulf %sub3A_434, %sub3A_434 : vector<16xf32>
          %get3A_436 = arith.constant 21 : i32
          %get3A_437 = arith.index_cast %get3A_436 : i32 to index
          %get3A_438 = arith.index_cast %mul3A_83 : i32 to index
          %get3A_439 = tpu.vector_load %arg9[%get3A_437, %get3A_438] {strides = array<i32>} : memref<24x512xf32, #tpu.memory_space<vmem>>, vector<16xf32>,
          %get3A_440 = arith.constant 21 : i32
          %get3A_441 = arith.index_cast %get3A_440 : i32 to index
          %get3A_442 = arith.index_cast %mul3A_83 : i32 to index
          %get3A_443 = tpu.vector_load %arg11[%get3A_441, %get3A_442] {strides = array<i32>} : memref<24x512xf32, #tpu.memory_space<vmem>>, vector<16xf32>,
          %sub3A_444 = arith.subf %get3A_439, %get3A_443 : vector<16xf32>
          %mul3A_445 = arith.mulf %sub3A_444, %sub3A_444 : vector<16xf32>
          %get3A_446 = arith.constant 22 : i32
          %get3A_447 = arith.index_cast %get3A_446 : i32 to index
          %get3A_448 = arith.index_cast %mul3A_83 : i32 to index
          %get3A_449 = tpu.vector_load %arg9[%get3A_447, %get3A_448] {strides = array<i32>} : memref<24x512xf32, #tpu.memory_space<vmem>>, vector<16xf32>,
          %get3A_450 = arith.constant 22 : i32
          %get3A_451 = arith.index_cast %get3A_450 : i32 to index
          %get3A_452 = arith.index_cast %mul3A_83 : i32 to index
          %get3A_453 = tpu.vector_load %arg11[%get3A_451, %get3A_452] {strides = array<i32>} : memref<24x512xf32, #tpu.memory_space<vmem>>, vector<16xf32>,
          %sub3A_454 = arith.subf %get3A_449, %get3A_453 : vector<16xf32>
          %mul3A_455 = arith.mulf %sub3A_454, %sub3A_454 : vector<16xf32>
          %get3A_456 = arith.constant 23 : i32
          %get3A_457 = arith.index_cast %get3A_456 : i32 to index
          %get3A_458 = arith.index_cast %mul3A_83 : i32 to index
          %get3A_459 = tpu.vector_load %arg9[%get3A_457, %get3A_458] {strides = array<i32>} : memref<24x512xf32, #tpu.memory_space<vmem>>, vector<16xf32>,
          %get3A_460 = arith.constant 23 : i32
          %get3A_461 = arith.index_cast %get3A_460 : i32 to index
          %get3A_462 = arith.index_cast %mul3A_83 : i32 to index
          %get3A_463 = tpu.vector_load %arg11[%get3A_461, %get3A_462] {strides = array<i32>} : memref<24x512xf32, #tpu.memory_space<vmem>>, vector<16xf32>,
          %sub3A_464 = arith.subf %get3A_459, %get3A_463 : vector<16xf32>
          %mul3A_465 = arith.mulf %sub3A_464, %sub3A_464 : vector<16xf32>
          %get3A_466 = arith.constant 0 : i32
          %get3A_467 = arith.index_cast %get3A_466 : i32 to index
          %get3A_468 = arith.index_cast %mul3A_83 : i32 to index
          %get3A_469 = tpu.vector_load %arg10[%get3A_467, %get3A_468] {strides = array<i32>} : memref<6x512xf32, #tpu.memory_space<vmem>>, vector<16xf32>,
          %get3A_470 = arith.constant 0 : i32
          %get3A_471 = arith.index_cast %get3A_470 : i32 to index
          %get3A_472 = arith.index_cast %mul3A_83 : i32 to index
          %get3A_473 = tpu.vector_load %arg12[%get3A_471, %get3A_472] {strides = array<i32>} : memref<6x512xf32, #tpu.memory_space<vmem>>, vector<16xf32>,
          %sub3A_474 = arith.subf %get3A_469, %get3A_473 : vector<16xf32>
          %mul3A_475 = arith.mulf %sub3A_474, %sub3A_474 : vector<16xf32>
          %get3A_476 = arith.constant 1 : i32
          %get3A_477 = arith.index_cast %get3A_476 : i32 to index
          %get3A_478 = arith.index_cast %mul3A_83 : i32 to index
          %get3A_479 = tpu.vector_load %arg10[%get3A_477, %get3A_478] {strides = array<i32>} : memref<6x512xf32, #tpu.memory_space<vmem>>, vector<16xf32>,
          %get3A_480 = arith.constant 1 : i32
          %get3A_481 = arith.index_cast %get3A_480 : i32 to index
          %get3A_482 = arith.index_cast %mul3A_83 : i32 to index
          %get3A_483 = tpu.vector_load %arg12[%get3A_481, %get3A_482] {strides = array<i32>} : memref<6x512xf32, #tpu.memory_space<vmem>>, vector<16xf32>,
          %sub3A_484 = arith.subf %get3A_479, %get3A_483 : vector<16xf32>
          %mul3A_485 = arith.mulf %sub3A_484, %sub3A_484 : vector<16xf32>
          %get3A_486 = arith.constant 2 : i32
          %get3A_487 = arith.index_cast %get3A_486 : i32 to index
          %get3A_488 = arith.index_cast %mul3A_83 : i32 to index
          %get3A_489 = tpu.vector_load %arg10[%get3A_487, %get3A_488] {strides = array<i32>} : memref<6x512xf32, #tpu.memory_space<vmem>>, vector<16xf32>,
          %get3A_490 = arith.constant 2 : i32
          %get3A_491 = arith.index_cast %get3A_490 : i32 to index
          %get3A_492 = arith.index_cast %mul3A_83 : i32 to index
          %get3A_493 = tpu.vector_load %arg12[%get3A_491, %get3A_492] {strides = array<i32>} : memref<6x512xf32, #tpu.memory_space<vmem>>, vector<16xf32>,
          %sub3A_494 = arith.subf %get3A_489, %get3A_493 : vector<16xf32>
          %mul3A_495 = arith.mulf %sub3A_494, %sub3A_494 : vector<16xf32>
          %get3A_496 = arith.constant 3 : i32
          %get3A_497 = arith.index_cast %get3A_496 : i32 to index
          %get3A_498 = arith.index_cast %mul3A_83 : i32 to index
          %get3A_499 = tpu.vector_load %arg10[%get3A_497, %get3A_498] {strides = array<i32>} : memref<6x512xf32, #tpu.memory_space<vmem>>, vector<16xf32>,
          %get3A_500 = arith.constant 3 : i32
          %get3A_501 = arith.index_cast %get3A_500 : i32 to index
          %get3A_502 = arith.index_cast %mul3A_83 : i32 to index
          %get3A_503 = tpu.vector_load %arg12[%get3A_501, %get3A_502] {strides = array<i32>} : memref<6x512xf32, #tpu.memory_space<vmem>>, vector<16xf32>,
          %sub3A_504 = arith.subf %get3A_499, %get3A_503 : vector<16xf32>
          %mul3A_505 = arith.mulf %sub3A_504, %sub3A_504 : vector<16xf32>
          %get3A_506 = arith.constant 4 : i32
          %get3A_507 = arith.index_cast %get3A_506 : i32 to index
          %get3A_508 = arith.index_cast %mul3A_83 : i32 to index
          %get3A_509 = tpu.vector_load %arg10[%get3A_507, %get3A_508] {strides = array<i32>} : memref<6x512xf32, #tpu.memory_space<vmem>>, vector<16xf32>,
          %get3A_510 = arith.constant 4 : i32
          %get3A_511 = arith.index_cast %get3A_510 : i32 to index
          %get3A_512 = arith.index_cast %mul3A_83 : i32 to index
          %get3A_513 = tpu.vector_load %arg12[%get3A_511, %get3A_512] {strides = array<i32>} : memref<6x512xf32, #tpu.memory_space<vmem>>, vector<16xf32>,
          %sub3A_514 = arith.subf %get3A_509, %get3A_513 : vector<16xf32>
          %mul3A_515 = arith.mulf %sub3A_514, %sub3A_514 : vector<16xf32>
          %get3A_516 = arith.constant 5 : i32
          %get3A_517 = arith.index_cast %get3A_516 : i32 to index
          %get3A_518 = arith.index_cast %mul3A_83 : i32 to index
          %get3A_519 = tpu.vector_load %arg10[%get3A_517, %get3A_518] {strides = array<i32>} : memref<6x512xf32, #tpu.memory_space<vmem>>, vector<16xf32>,
          %get3A_520 = arith.constant 5 : i32
          %get3A_521 = arith.index_cast %get3A_520 : i32 to index
          %get3A_522 = arith.index_cast %mul3A_83 : i32 to index
          %get3A_523 = tpu.vector_load %arg12[%get3A_521, %get3A_522] {strides = array<i32>} : memref<6x512xf32, #tpu.memory_space<vmem>>, vector<16xf32>,
          %sub3A_524 = arith.subf %get3A_519, %get3A_523 : vector<16xf32>
          %mul3A_525 = arith.mulf %sub3A_524, %sub3A_524 : vector<16xf32>
          %add3A_526 = arith.addf %mul3A_335, %mul3A_345 : vector<16xf32>
          %add3A_527 = arith.addf %mul3A_355, %mul3A_365 : vector<16xf32>
          %add3A_528 = arith.addf %mul3A_375, %mul3A_385 : vector<16xf32>
          %add3A_529 = arith.addf %mul3A_395, %mul3A_405 : vector<16xf32>
          %add3A_530 = arith.addf %mul3A_415, %mul3A_425 : vector<16xf32>
          %add3A_531 = arith.addf %mul3A_435, %mul3A_445 : vector<16xf32>
          %add3A_532 = arith.addf %mul3A_455, %mul3A_465 : vector<16xf32>
          %add3A_533 = arith.addf %mul3A_475, %mul3A_485 : vector<16xf32>
          %add3A_534 = arith.addf %mul3A_495, %mul3A_505 : vector<16xf32>
          %add3A_535 = arith.addf %mul3A_515, %mul3A_525 : vector<16xf32>
          %add3A_536 = arith.addf %add3A_526, %add3A_527 : vector<16xf32>
          %add3A_537 = arith.addf %add3A_528, %add3A_529 : vector<16xf32>
          %add3A_538 = arith.addf %add3A_530, %add3A_531 : vector<16xf32>
          %add3A_539 = arith.addf %add3A_532, %add3A_533 : vector<16xf32>
          %add3A_540 = arith.addf %add3A_534, %add3A_535 : vector<16xf32>
          %add3A_541 = arith.addf %add3A_536, %add3A_537 : vector<16xf32>
          %add3A_542 = arith.addf %add3A_538, %add3A_539 : vector<16xf32>
          %add3A_543 = arith.addf %add3A_541, %add3A_542 : vector<16xf32>
          %add3A_544 = arith.addf %add3A_543, %add3A_540 : vector<16xf32>
          %add3A_545 = arith.addf %add3A_132, %add3A_308 : vector<16xf32>
          %mul3A_546 = arith.constant 5.000000e+00 : f32
          %mul3A_547 = vector.broadcast %mul3A_546 : f32 to vector<16xf32>
          %mul3A_548 = arith.mulf %mul3A_547, %add3A_545 : vector<16xf32>
          %add3A_549 = arith.addf %mul3A_548, %add3A_544 : vector<16xf32>
          %mul3A_550 = arith.constant 5.000000e-01 : f32
          %mul3A_551 = vector.broadcast %mul3A_550 : f32 to vector<16xf32>
          %mul3A_552 = arith.mulf %mul3A_551, %add3A_325 : vector<16xf32>
          %add3A_553 = arith.addf %add3A_549, %mul3A_552 : vector<16xf32>
          %mul3A_554 = arith.mulf %select_n3A, %add3A_553 : vector<16xf32>
          %mul3A_555 = vector.broadcast %mul3A_72 : f32 to vector<16xf32>
          %mul3A_556 = arith.mulf %mul3A_555, %add3A_325 : vector<16xf32>
          %add3A_557 = arith.addf %mul3A_554, %mul3A_556 : vector<16xf32>
          %add3A_558 = arith.addf %scan3A_81, %add3A_557 : vector<16xf32>
          scf.yield %add3A_558 : vector<16xf32>
        }
        %scan3A_79 = arith.constant 32 : i32
        scf.yield %scan3A_78 : vector<16xf32>
      } else {
        scf.yield %cond3A_47 : vector<16xf32>
      }
      scf.yield %cond3A_69 : vector<16xf32>
    }
    %scan3A_8 = arith.constant 3 : i32
    %add3A_9 = arith.constant 192 : i32
    %add3A_10 = arith.addi %add3A, %add3A_9 : i32
    %lt3A_11 = arith.constant 196 : i32
    %lt3A_12 = arith.cmpi slt, %add3A_10, %lt3A_11 : i32
    %convert_element_type3A_13 = arith.extui %lt3A_12 : i1 to i32
    %cond3A_14 = arith.constant 0 : i32
    %cond3A_15 = arith.cmpi ne, %convert_element_type3A_13, %cond3A_14 : i32
    scf.if %cond3A_15 {
      %dma_wait3A = arith.constant 0 : i32
      %dma_wait3A_25 = arith.constant 0 : i32
      %dma_wait3A_26 = arith.constant 0 : i32
      %dma_wait3A_27 = tpu.memref_slice %arg2[%dma_wait3A, %dma_wait3A_25, %dma_wait3A_26] : memref<49x30x2048xf32, #tpu.memory_space<hbm>> -> memref<1x24x512xf32, #tpu.memory_space<hbm>>
      %dma_wait3A_28 = tpu.memref_squeeze %dma_wait3A_27 : memref<1x24x512xf32, #tpu.memory_space<hbm>> -> memref<24x512xf32, #tpu.memory_space<hbm>>
      %dma_wait3A_29 = arith.constant 0 : i32
      %dma_wait3A_30 = arith.constant 0 : i32
      %dma_wait3A_31 = tpu.memref_slice %arg2[%dma_wait3A, %dma_wait3A_29, %dma_wait3A_30] : memref<49x30x2048xf32, #tpu.memory_space<hbm>> -> memref<1x24x512xf32, #tpu.memory_space<hbm>>
      %dma_wait3A_32 = tpu.memref_squeeze %dma_wait3A_31 : memref<1x24x512xf32, #tpu.memory_space<hbm>> -> memref<24x512xf32, #tpu.memory_space<hbm>>
      tpu.wait_dma2 semaphore(%arg14 : memref<!tpu.dma_semaphore, #tpu.memory_space<semaphore_mem>>) src(%dma_wait3A_32 : memref<24x512xf32, #tpu.memory_space<hbm>>) dst(%arg5 : memref<24x512xf32, #tpu.memory_space<vmem>>)
      %dma_wait3A_33 = arith.constant 0 : i32
      %dma_wait3A_34 = arith.constant 24 : i32
      %dma_wait3A_35 = arith.constant 0 : i32
      %dma_wait3A_36 = tpu.memref_slice %arg2[%dma_wait3A_33, %dma_wait3A_34, %dma_wait3A_35] : memref<49x30x2048xf32, #tpu.memory_space<hbm>> -> memref<1x6x512xf32, #tpu.memory_space<hbm>>
      %dma_wait3A_37 = tpu.memref_squeeze %dma_wait3A_36 : memref<1x6x512xf32, #tpu.memory_space<hbm>> -> memref<6x512xf32, #tpu.memory_space<hbm>>
      %dma_wait3A_38 = arith.constant 24 : i32
      %dma_wait3A_39 = arith.constant 0 : i32
      %dma_wait3A_40 = tpu.memref_slice %arg2[%dma_wait3A_33, %dma_wait3A_38, %dma_wait3A_39] : memref<49x30x2048xf32, #tpu.memory_space<hbm>> -> memref<1x6x512xf32, #tpu.memory_space<hbm>>
      %dma_wait3A_41 = tpu.memref_squeeze %dma_wait3A_40 : memref<1x6x512xf32, #tpu.memory_space<hbm>> -> memref<6x512xf32, #tpu.memory_space<hbm>>
      tpu.wait_dma2 semaphore(%arg14 : memref<!tpu.dma_semaphore, #tpu.memory_space<semaphore_mem>>) src(%dma_wait3A_41 : memref<6x512xf32, #tpu.memory_space<hbm>>) dst(%arg6 : memref<6x512xf32, #tpu.memory_space<vmem>>)
      %dma_wait3A_42 = arith.constant 0 : i32
      %dma_wait3A_43 = arith.constant 0 : i32
      %dma_wait3A_44 = arith.constant 0 : i32
      %dma_wait3A_45 = tpu.memref_slice %arg2[%dma_wait3A_42, %dma_wait3A_43, %dma_wait3A_44] : memref<49x30x2048xf32, #tpu.memory_space<hbm>> -> memref<1x24x512xf32, #tpu.memory_space<hbm>>
      %dma_wait3A_46 = tpu.memref_squeeze %dma_wait3A_45 : memref<1x24x512xf32, #tpu.memory_space<hbm>> -> memref<24x512xf32, #tpu.memory_space<hbm>>
      %dma_wait3A_47 = arith.constant 0 : i32
      %dma_wait3A_48 = arith.constant 0 : i32
      %dma_wait3A_49 = tpu.memref_slice %arg2[%dma_wait3A_42, %dma_wait3A_47, %dma_wait3A_48] : memref<49x30x2048xf32, #tpu.memory_space<hbm>> -> memref<1x24x512xf32, #tpu.memory_space<hbm>>
      %dma_wait3A_50 = tpu.memref_squeeze %dma_wait3A_49 : memref<1x24x512xf32, #tpu.memory_space<hbm>> -> memref<24x512xf32, #tpu.memory_space<hbm>>
      tpu.wait_dma2 semaphore(%arg14 : memref<!tpu.dma_semaphore, #tpu.memory_space<semaphore_mem>>) src(%dma_wait3A_50 : memref<24x512xf32, #tpu.memory_space<hbm>>) dst(%arg7 : memref<24x512xf32, #tpu.memory_space<vmem>>)
      %dma_wait3A_51 = arith.constant 0 : i32
      %dma_wait3A_52 = arith.constant 24 : i32
      %dma_wait3A_53 = arith.constant 0 : i32
      %dma_wait3A_54 = tpu.memref_slice %arg2[%dma_wait3A_51, %dma_wait3A_52, %dma_wait3A_53] : memref<49x30x2048xf32, #tpu.memory_space<hbm>> -> memref<1x6x512xf32, #tpu.memory_space<hbm>>
      %dma_wait3A_55 = tpu.memref_squeeze %dma_wait3A_54 : memref<1x6x512xf32, #tpu.memory_space<hbm>> -> memref<6x512xf32, #tpu.memory_space<hbm>>
      %dma_wait3A_56 = arith.constant 24 : i32
      %dma_wait3A_57 = arith.constant 0 : i32
      %dma_wait3A_58 = tpu.memref_slice %arg2[%dma_wait3A_51, %dma_wait3A_56, %dma_wait3A_57] : memref<49x30x2048xf32, #tpu.memory_space<hbm>> -> memref<1x6x512xf32, #tpu.memory_space<hbm>>
      %dma_wait3A_59 = tpu.memref_squeeze %dma_wait3A_58 : memref<1x6x512xf32, #tpu.memory_space<hbm>> -> memref<6x512xf32, #tpu.memory_space<hbm>>
      tpu.wait_dma2 semaphore(%arg14 : memref<!tpu.dma_semaphore, #tpu.memory_space<semaphore_mem>>) src(%dma_wait3A_59 : memref<6x512xf32, #tpu.memory_space<hbm>>) dst(%arg8 : memref<6x512xf32, #tpu.memory_space<vmem>>)
    } else {
    }
    %lt3A_16 = arith.constant 196 : i32
    %lt3A_17 = arith.cmpi slt, %add3A_10, %lt3A_16 : i32
    %convert_element_type3A_18 = arith.extui %lt3A_17 : i1 to i32
    %cond3A_19 = arith.constant 0 : i32
    %cond3A_20 = arith.cmpi ne, %convert_element_type3A_18, %cond3A_19 : i32
    %cond3A_21 = scf.if %cond3A_20 -> (vector<16xf32>) {
      %mul3A_25 = arith.constant 1.000000e+00 : f32
      %mul3A_26 = arith.constant 5.000000e-01 : f32
      %mul3A_27 = arith.mulf %mul3A_25, %mul3A_26 : f32
      %scan3A_28 = arith.constant 1.000000e+00 : f32
      %scan3A_29 = arith.constant 0 : i32
      %scan3A_30 = arith.constant 32 : i32
      %scan3A_31 = arith.addi %scan3A_29, %scan3A_30 : i32
      %scan3A_32 = arith.constant 1 : i32
      %scan3A_33 = scf.for %scan3A_35 = %scan3A_29 to %scan3A_31 step %scan3A_32 iter_args(%scan3A_36 = %scan3A_7) -> (vector<16xf32>)  : i32 {
        %mul3A_37 = arith.constant 16 : i32
        %mul3A_38 = arith.muli %scan3A_35, %mul3A_37 : i32
        %get3A = arith.constant 4 : i32
        %get3A_39 = arith.index_cast %get3A : i32 to index
        %get3A_40 = arith.index_cast %mul3A_38 : i32 to index
        %get3A_41 = tpu.vector_load %arg7[%get3A_39, %get3A_40] {strides = array<i32>} : memref<24x512xf32, #tpu.memory_space<vmem>>, vector<16xf32>,
        %eq3A = arith.constant 1.000000e+00 : f32
        %eq3A_42 = vector.broadcast %eq3A : f32 to vector<16xf32>
        %eq3A_43 = arith.cmpf oeq, %get3A_41, %eq3A_42 : vector<16xf32>
        %jit3A = arith.constant 0.000000e+00 : f32
        %broadcast_in_dim3A_44 = vector.broadcast %scan3A_28 : f32 to vector<16xf32>
        %broadcast_in_dim3A_45 = vector.broadcast %jit3A : f32 to vector<16xf32>
        %select_n3A = arith.select %eq3A_43, %broadcast_in_dim3A_44, %broadcast_in_dim3A_45 : vector<16xi1>, vector<16xf32>
        %get3A_46 = arith.constant 0 : i32
        %get3A_47 = arith.index_cast %get3A_46 : i32 to index
        %get3A_48 = arith.index_cast %mul3A_38 : i32 to index
        %get3A_49 = tpu.vector_load %arg5[%get3A_47, %get3A_48] {strides = array<i32>} : memref<24x512xf32, #tpu.memory_space<vmem>>, vector<16xf32>,
        %get3A_50 = arith.constant 0 : i32
        %get3A_51 = arith.index_cast %get3A_50 : i32 to index
        %get3A_52 = arith.index_cast %mul3A_38 : i32 to index
        %get3A_53 = tpu.vector_load %arg7[%get3A_51, %get3A_52] {strides = array<i32>} : memref<24x512xf32, #tpu.memory_space<vmem>>, vector<16xf32>,
        %sub3A = arith.subf %get3A_49, %get3A_53 : vector<16xf32>
        %mul3A_54 = arith.mulf %sub3A, %sub3A : vector<16xf32>
        %get3A_55 = arith.constant 1 : i32
        %get3A_56 = arith.index_cast %get3A_55 : i32 to index
        %get3A_57 = arith.index_cast %mul3A_38 : i32 to index
        %get3A_58 = tpu.vector_load %arg5[%get3A_56, %get3A_57] {strides = array<i32>} : memref<24x512xf32, #tpu.memory_space<vmem>>, vector<16xf32>,
        %get3A_59 = arith.constant 1 : i32
        %get3A_60 = arith.index_cast %get3A_59 : i32 to index
        %get3A_61 = arith.index_cast %mul3A_38 : i32 to index
        %get3A_62 = tpu.vector_load %arg7[%get3A_60, %get3A_61] {strides = array<i32>} : memref<24x512xf32, #tpu.memory_space<vmem>>, vector<16xf32>,
        %sub3A_63 = arith.subf %get3A_58, %get3A_62 : vector<16xf32>
        %mul3A_64 = arith.mulf %sub3A_63, %sub3A_63 : vector<16xf32>
        %get3A_65 = arith.constant 5 : i32
        %get3A_66 = arith.index_cast %get3A_65 : i32 to index
        %get3A_67 = arith.index_cast %mul3A_38 : i32 to index
        %get3A_68 = tpu.vector_load %arg5[%get3A_66, %get3A_67] {strides = array<i32>} : memref<24x512xf32, #tpu.memory_space<vmem>>, vector<16xf32>,
        %get3A_69 = arith.constant 5 : i32
        %get3A_70 = arith.index_cast %get3A_69 : i32 to index
        %get3A_71 = arith.index_cast %mul3A_38 : i32 to index
        %get3A_72 = tpu.vector_load %arg7[%get3A_70, %get3A_71] {strides = array<i32>} : memref<24x512xf32, #tpu.memory_space<vmem>>, vector<16xf32>,
        %sub3A_73 = arith.subf %get3A_68, %get3A_72 : vector<16xf32>
        %mul3A_74 = arith.mulf %sub3A_73, %sub3A_73 : vector<16xf32>
        %get3A_75 = arith.constant 6 : i32
        %get3A_76 = arith.index_cast %get3A_75 : i32 to index
        %get3A_77 = arith.index_cast %mul3A_38 : i32 to index
        %get3A_78 = tpu.vector_load %arg5[%get3A_76, %get3A_77] {strides = array<i32>} : memref<24x512xf32, #tpu.memory_space<vmem>>, vector<16xf32>,
        %get3A_79 = arith.constant 6 : i32
        %get3A_80 = arith.index_cast %get3A_79 : i32 to index
        %get3A_81 = arith.index_cast %mul3A_38 : i32 to index
        %get3A_82 = tpu.vector_load %arg7[%get3A_80, %get3A_81] {strides = array<i32>} : memref<24x512xf32, #tpu.memory_space<vmem>>, vector<16xf32>,
        %sub3A_83 = arith.subf %get3A_78, %get3A_82 : vector<16xf32>
        %mul3A_84 = arith.mulf %sub3A_83, %sub3A_83 : vector<16xf32>
        %add3A_85 = arith.addf %mul3A_54, %mul3A_64 : vector<16xf32>
        %add3A_86 = arith.addf %mul3A_74, %mul3A_84 : vector<16xf32>
        %add3A_87 = arith.addf %add3A_85, %add3A_86 : vector<16xf32>
        %get3A_88 = arith.constant 2 : i32
        %get3A_89 = arith.index_cast %get3A_88 : i32 to index
        %get3A_90 = arith.index_cast %mul3A_38 : i32 to index
        %get3A_91 = tpu.vector_load %arg5[%get3A_89, %get3A_90] {strides = array<i32>} : memref<24x512xf32, #tpu.memory_space<vmem>>, vector<16xf32>,
        %get3A_92 = arith.constant 2 : i32
        %get3A_93 = arith.index_cast %get3A_92 : i32 to index
        %get3A_94 = arith.index_cast %mul3A_38 : i32 to index
        %get3A_95 = tpu.vector_load %arg7[%get3A_93, %get3A_94] {strides = array<i32>} : memref<24x512xf32, #tpu.memory_space<vmem>>, vector<16xf32>,
        %add3A_96 = arith.addf %get3A_91, %get3A_95 : vector<16xf32>
        %mul3A_97 = arith.mulf %get3A_91, %get3A_95 : vector<16xf32>
        %max3A = arith.constant 9.99999996E-13 : f32
        %max3A_98 = vector.broadcast %max3A : f32 to vector<16xf32>
        %max3A_99 = arith.maximumf %mul3A_97, %max3A_98 : vector<16xf32>
        %bitcast3A = vector.bitcast %max3A_99 : vector<16xf32> to vector<16xi32>
        %shift_right_logical3A = arith.constant 1 : i32
        %shift_right_logical3A_100 = vector.broadcast %shift_right_logical3A : i32 to vector<16xi32>
        %shift_right_logical3A_101 = arith.shrui %bitcast3A, %shift_right_logical3A_100 : vector<16xi32>
        %sub3A_102 = arith.constant 1597463007 : i32
        %sub3A_103 = vector.broadcast %sub3A_102 : i32 to vector<16xi32>
        %sub3A_104 = arith.subi %sub3A_103, %shift_right_logical3A_101 : vector<16xi32>
        %bitcast3A_105 = vector.bitcast %sub3A_104 : vector<16xi32> to vector<16xf32>
        %mul3A_106 = arith.constant 5.000000e-01 : f32
        %mul3A_107 = vector.broadcast %mul3A_106 : f32 to vector<16xf32>
        %mul3A_108 = arith.mulf %mul3A_107, %max3A_99 : vector<16xf32>
        %mul3A_109 = arith.mulf %mul3A_108, %bitcast3A_105 : vector<16xf32>
        %mul3A_110 = arith.mulf %mul3A_109, %bitcast3A_105 : vector<16xf32>
        %sub3A_111 = arith.constant 1.500000e+00 : f32
        %sub3A_112 = vector.broadcast %sub3A_111 : f32 to vector<16xf32>
        %sub3A_113 = arith.subf %sub3A_112, %mul3A_110 : vector<16xf32>
        %mul3A_114 = arith.mulf %bitcast3A_105, %sub3A_113 : vector<16xf32>
        %mul3A_115 = arith.constant 5.000000e-01 : f32
        %mul3A_116 = vector.broadcast %mul3A_115 : f32 to vector<16xf32>
        %mul3A_117 = arith.mulf %mul3A_116, %max3A_99 : vector<16xf32>
        %mul3A_118 = arith.mulf %mul3A_117, %mul3A_114 : vector<16xf32>
        %mul3A_119 = arith.mulf %mul3A_118, %mul3A_114 : vector<16xf32>
        %sub3A_120 = arith.constant 1.500000e+00 : f32
        %sub3A_121 = vector.broadcast %sub3A_120 : f32 to vector<16xf32>
        %sub3A_122 = arith.subf %sub3A_121, %mul3A_119 : vector<16xf32>
        %mul3A_123 = arith.mulf %mul3A_114, %sub3A_122 : vector<16xf32>
        %mul3A_124 = arith.mulf %max3A_99, %mul3A_123 : vector<16xf32>
        %mul3A_125 = arith.constant 2.000000e+00 : f32
        %mul3A_126 = vector.broadcast %mul3A_125 : f32 to vector<16xf32>
        %mul3A_127 = arith.mulf %mul3A_126, %mul3A_124 : vector<16xf32>
        %sub3A_128 = arith.subf %add3A_96, %mul3A_127 : vector<16xf32>
        %get3A_129 = arith.constant 3 : i32
        %get3A_130 = arith.index_cast %get3A_129 : i32 to index
        %get3A_131 = arith.index_cast %mul3A_38 : i32 to index
        %get3A_132 = tpu.vector_load %arg5[%get3A_130, %get3A_131] {strides = array<i32>} : memref<24x512xf32, #tpu.memory_space<vmem>>, vector<16xf32>,
        %get3A_133 = arith.constant 3 : i32
        %get3A_134 = arith.index_cast %get3A_133 : i32 to index
        %get3A_135 = arith.index_cast %mul3A_38 : i32 to index
        %get3A_136 = tpu.vector_load %arg7[%get3A_134, %get3A_135] {strides = array<i32>} : memref<24x512xf32, #tpu.memory_space<vmem>>, vector<16xf32>,
        %add3A_137 = arith.addf %get3A_132, %get3A_136 : vector<16xf32>
        %mul3A_138 = arith.mulf %get3A_132, %get3A_136 : vector<16xf32>
        %max3A_139 = arith.constant 9.99999996E-13 : f32
        %max3A_140 = vector.broadcast %max3A_139 : f32 to vector<16xf32>
        %max3A_141 = arith.maximumf %mul3A_138, %max3A_140 : vector<16xf32>
        %bitcast3A_142 = vector.bitcast %max3A_141 : vector<16xf32> to vector<16xi32>
        %shift_right_logical3A_143 = arith.constant 1 : i32
        %shift_right_logical3A_144 = vector.broadcast %shift_right_logical3A_143 : i32 to vector<16xi32>
        %shift_right_logical3A_145 = arith.shrui %bitcast3A_142, %shift_right_logical3A_144 : vector<16xi32>
        %sub3A_146 = arith.constant 1597463007 : i32
        %sub3A_147 = vector.broadcast %sub3A_146 : i32 to vector<16xi32>
        %sub3A_148 = arith.subi %sub3A_147, %shift_right_logical3A_145 : vector<16xi32>
        %bitcast3A_149 = vector.bitcast %sub3A_148 : vector<16xi32> to vector<16xf32>
        %mul3A_150 = arith.constant 5.000000e-01 : f32
        %mul3A_151 = vector.broadcast %mul3A_150 : f32 to vector<16xf32>
        %mul3A_152 = arith.mulf %mul3A_151, %max3A_141 : vector<16xf32>
        %mul3A_153 = arith.mulf %mul3A_152, %bitcast3A_149 : vector<16xf32>
        %mul3A_154 = arith.mulf %mul3A_153, %bitcast3A_149 : vector<16xf32>
        %sub3A_155 = arith.constant 1.500000e+00 : f32
        %sub3A_156 = vector.broadcast %sub3A_155 : f32 to vector<16xf32>
        %sub3A_157 = arith.subf %sub3A_156, %mul3A_154 : vector<16xf32>
        %mul3A_158 = arith.mulf %bitcast3A_149, %sub3A_157 : vector<16xf32>
        %mul3A_159 = arith.constant 5.000000e-01 : f32
        %mul3A_160 = vector.broadcast %mul3A_159 : f32 to vector<16xf32>
        %mul3A_161 = arith.mulf %mul3A_160, %max3A_141 : vector<16xf32>
        %mul3A_162 = arith.mulf %mul3A_161, %mul3A_158 : vector<16xf32>
        %mul3A_163 = arith.mulf %mul3A_162, %mul3A_158 : vector<16xf32>
        %sub3A_164 = arith.constant 1.500000e+00 : f32
        %sub3A_165 = vector.broadcast %sub3A_164 : f32 to vector<16xf32>
        %sub3A_166 = arith.subf %sub3A_165, %mul3A_163 : vector<16xf32>
        %mul3A_167 = arith.mulf %mul3A_158, %sub3A_166 : vector<16xf32>
        %mul3A_168 = arith.mulf %max3A_141, %mul3A_167 : vector<16xf32>
        %mul3A_169 = arith.constant 2.000000e+00 : f32
        %mul3A_170 = vector.broadcast %mul3A_169 : f32 to vector<16xf32>
        %mul3A_171 = arith.mulf %mul3A_170, %mul3A_168 : vector<16xf32>
        %sub3A_172 = arith.subf %add3A_137, %mul3A_171 : vector<16xf32>
        %get3A_173 = arith.constant 7 : i32
        %get3A_174 = arith.index_cast %get3A_173 : i32 to index
        %get3A_175 = arith.index_cast %mul3A_38 : i32 to index
        %get3A_176 = tpu.vector_load %arg5[%get3A_174, %get3A_175] {strides = array<i32>} : memref<24x512xf32, #tpu.memory_space<vmem>>, vector<16xf32>,
        %get3A_177 = arith.constant 7 : i32
        %get3A_178 = arith.index_cast %get3A_177 : i32 to index
        %get3A_179 = arith.index_cast %mul3A_38 : i32 to index
        %get3A_180 = tpu.vector_load %arg7[%get3A_178, %get3A_179] {strides = array<i32>} : memref<24x512xf32, #tpu.memory_space<vmem>>, vector<16xf32>,
        %add3A_181 = arith.addf %get3A_176, %get3A_180 : vector<16xf32>
        %mul3A_182 = arith.mulf %get3A_176, %get3A_180 : vector<16xf32>
        %max3A_183 = arith.constant 9.99999996E-13 : f32
        %max3A_184 = vector.broadcast %max3A_183 : f32 to vector<16xf32>
        %max3A_185 = arith.maximumf %mul3A_182, %max3A_184 : vector<16xf32>
        %bitcast3A_186 = vector.bitcast %max3A_185 : vector<16xf32> to vector<16xi32>
        %shift_right_logical3A_187 = arith.constant 1 : i32
        %shift_right_logical3A_188 = vector.broadcast %shift_right_logical3A_187 : i32 to vector<16xi32>
        %shift_right_logical3A_189 = arith.shrui %bitcast3A_186, %shift_right_logical3A_188 : vector<16xi32>
        %sub3A_190 = arith.constant 1597463007 : i32
        %sub3A_191 = vector.broadcast %sub3A_190 : i32 to vector<16xi32>
        %sub3A_192 = arith.subi %sub3A_191, %shift_right_logical3A_189 : vector<16xi32>
        %bitcast3A_193 = vector.bitcast %sub3A_192 : vector<16xi32> to vector<16xf32>
        %mul3A_194 = arith.constant 5.000000e-01 : f32
        %mul3A_195 = vector.broadcast %mul3A_194 : f32 to vector<16xf32>
        %mul3A_196 = arith.mulf %mul3A_195, %max3A_185 : vector<16xf32>
        %mul3A_197 = arith.mulf %mul3A_196, %bitcast3A_193 : vector<16xf32>
        %mul3A_198 = arith.mulf %mul3A_197, %bitcast3A_193 : vector<16xf32>
        %sub3A_199 = arith.constant 1.500000e+00 : f32
        %sub3A_200 = vector.broadcast %sub3A_199 : f32 to vector<16xf32>
        %sub3A_201 = arith.subf %sub3A_200, %mul3A_198 : vector<16xf32>
        %mul3A_202 = arith.mulf %bitcast3A_193, %sub3A_201 : vector<16xf32>
        %mul3A_203 = arith.constant 5.000000e-01 : f32
        %mul3A_204 = vector.broadcast %mul3A_203 : f32 to vector<16xf32>
        %mul3A_205 = arith.mulf %mul3A_204, %max3A_185 : vector<16xf32>
        %mul3A_206 = arith.mulf %mul3A_205, %mul3A_202 : vector<16xf32>
        %mul3A_207 = arith.mulf %mul3A_206, %mul3A_202 : vector<16xf32>
        %sub3A_208 = arith.constant 1.500000e+00 : f32
        %sub3A_209 = vector.broadcast %sub3A_208 : f32 to vector<16xf32>
        %sub3A_210 = arith.subf %sub3A_209, %mul3A_207 : vector<16xf32>
        %mul3A_211 = arith.mulf %mul3A_202, %sub3A_210 : vector<16xf32>
        %mul3A_212 = arith.mulf %max3A_185, %mul3A_211 : vector<16xf32>
        %mul3A_213 = arith.constant 2.000000e+00 : f32
        %mul3A_214 = vector.broadcast %mul3A_213 : f32 to vector<16xf32>
        %mul3A_215 = arith.mulf %mul3A_214, %mul3A_212 : vector<16xf32>
        %sub3A_216 = arith.subf %add3A_181, %mul3A_215 : vector<16xf32>
        %get3A_217 = arith.constant 8 : i32
        %get3A_218 = arith.index_cast %get3A_217 : i32 to index
        %get3A_219 = arith.index_cast %mul3A_38 : i32 to index
        %get3A_220 = tpu.vector_load %arg5[%get3A_218, %get3A_219] {strides = array<i32>} : memref<24x512xf32, #tpu.memory_space<vmem>>, vector<16xf32>,
        %get3A_221 = arith.constant 8 : i32
        %get3A_222 = arith.index_cast %get3A_221 : i32 to index
        %get3A_223 = arith.index_cast %mul3A_38 : i32 to index
        %get3A_224 = tpu.vector_load %arg7[%get3A_222, %get3A_223] {strides = array<i32>} : memref<24x512xf32, #tpu.memory_space<vmem>>, vector<16xf32>,
        %add3A_225 = arith.addf %get3A_220, %get3A_224 : vector<16xf32>
        %mul3A_226 = arith.mulf %get3A_220, %get3A_224 : vector<16xf32>
        %max3A_227 = arith.constant 9.99999996E-13 : f32
        %max3A_228 = vector.broadcast %max3A_227 : f32 to vector<16xf32>
        %max3A_229 = arith.maximumf %mul3A_226, %max3A_228 : vector<16xf32>
        %bitcast3A_230 = vector.bitcast %max3A_229 : vector<16xf32> to vector<16xi32>
        %shift_right_logical3A_231 = arith.constant 1 : i32
        %shift_right_logical3A_232 = vector.broadcast %shift_right_logical3A_231 : i32 to vector<16xi32>
        %shift_right_logical3A_233 = arith.shrui %bitcast3A_230, %shift_right_logical3A_232 : vector<16xi32>
        %sub3A_234 = arith.constant 1597463007 : i32
        %sub3A_235 = vector.broadcast %sub3A_234 : i32 to vector<16xi32>
        %sub3A_236 = arith.subi %sub3A_235, %shift_right_logical3A_233 : vector<16xi32>
        %bitcast3A_237 = vector.bitcast %sub3A_236 : vector<16xi32> to vector<16xf32>
        %mul3A_238 = arith.constant 5.000000e-01 : f32
        %mul3A_239 = vector.broadcast %mul3A_238 : f32 to vector<16xf32>
        %mul3A_240 = arith.mulf %mul3A_239, %max3A_229 : vector<16xf32>
        %mul3A_241 = arith.mulf %mul3A_240, %bitcast3A_237 : vector<16xf32>
        %mul3A_242 = arith.mulf %mul3A_241, %bitcast3A_237 : vector<16xf32>
        %sub3A_243 = arith.constant 1.500000e+00 : f32
        %sub3A_244 = vector.broadcast %sub3A_243 : f32 to vector<16xf32>
        %sub3A_245 = arith.subf %sub3A_244, %mul3A_242 : vector<16xf32>
        %mul3A_246 = arith.mulf %bitcast3A_237, %sub3A_245 : vector<16xf32>
        %mul3A_247 = arith.constant 5.000000e-01 : f32
        %mul3A_248 = vector.broadcast %mul3A_247 : f32 to vector<16xf32>
        %mul3A_249 = arith.mulf %mul3A_248, %max3A_229 : vector<16xf32>
        %mul3A_250 = arith.mulf %mul3A_249, %mul3A_246 : vector<16xf32>
        %mul3A_251 = arith.mulf %mul3A_250, %mul3A_246 : vector<16xf32>
        %sub3A_252 = arith.constant 1.500000e+00 : f32
        %sub3A_253 = vector.broadcast %sub3A_252 : f32 to vector<16xf32>
        %sub3A_254 = arith.subf %sub3A_253, %mul3A_251 : vector<16xf32>
        %mul3A_255 = arith.mulf %mul3A_246, %sub3A_254 : vector<16xf32>
        %mul3A_256 = arith.mulf %max3A_229, %mul3A_255 : vector<16xf32>
        %mul3A_257 = arith.constant 2.000000e+00 : f32
        %mul3A_258 = vector.broadcast %mul3A_257 : f32 to vector<16xf32>
        %mul3A_259 = arith.mulf %mul3A_258, %mul3A_256 : vector<16xf32>
        %sub3A_260 = arith.subf %add3A_225, %mul3A_259 : vector<16xf32>
        %add3A_261 = arith.addf %sub3A_128, %sub3A_172 : vector<16xf32>
        %add3A_262 = arith.addf %sub3A_216, %sub3A_260 : vector<16xf32>
        %add3A_263 = arith.addf %add3A_261, %add3A_262 : vector<16xf32>
        %get3A_264 = arith.constant 4 : i32
        %get3A_265 = arith.index_cast %get3A_264 : i32 to index
        %get3A_266 = arith.index_cast %mul3A_38 : i32 to index
        %get3A_267 = tpu.vector_load %arg5[%get3A_265, %get3A_266] {strides = array<i32>} : memref<24x512xf32, #tpu.memory_space<vmem>>, vector<16xf32>,
        %sub3A_268 = arith.subf %get3A_267, %get3A_41 : vector<16xf32>
        %get3A_269 = arith.constant 9 : i32
        %get3A_270 = arith.index_cast %get3A_269 : i32 to index
        %get3A_271 = arith.index_cast %mul3A_38 : i32 to index
        %get3A_272 = tpu.vector_load %arg5[%get3A_270, %get3A_271] {strides = array<i32>} : memref<24x512xf32, #tpu.memory_space<vmem>>, vector<16xf32>,
        %get3A_273 = arith.constant 9 : i32
        %get3A_274 = arith.index_cast %get3A_273 : i32 to index
        %get3A_275 = arith.index_cast %mul3A_38 : i32 to index
        %get3A_276 = tpu.vector_load %arg7[%get3A_274, %get3A_275] {strides = array<i32>} : memref<24x512xf32, #tpu.memory_space<vmem>>, vector<16xf32>,
        %sub3A_277 = arith.subf %get3A_272, %get3A_276 : vector<16xf32>
        %mul3A_278 = arith.mulf %sub3A_268, %sub3A_268 : vector<16xf32>
        %mul3A_279 = arith.mulf %sub3A_277, %sub3A_277 : vector<16xf32>
        %add3A_280 = arith.addf %mul3A_278, %mul3A_279 : vector<16xf32>
        %get3A_281 = arith.constant 10 : i32
        %get3A_282 = arith.index_cast %get3A_281 : i32 to index
        %get3A_283 = arith.index_cast %mul3A_38 : i32 to index
        %get3A_284 = tpu.vector_load %arg5[%get3A_282, %get3A_283] {strides = array<i32>} : memref<24x512xf32, #tpu.memory_space<vmem>>, vector<16xf32>,
        %get3A_285 = arith.constant 10 : i32
        %get3A_286 = arith.index_cast %get3A_285 : i32 to index
        %get3A_287 = arith.index_cast %mul3A_38 : i32 to index
        %get3A_288 = tpu.vector_load %arg7[%get3A_286, %get3A_287] {strides = array<i32>} : memref<24x512xf32, #tpu.memory_space<vmem>>, vector<16xf32>,
        %sub3A_289 = arith.subf %get3A_284, %get3A_288 : vector<16xf32>
        %mul3A_290 = arith.mulf %sub3A_289, %sub3A_289 : vector<16xf32>
        %get3A_291 = arith.constant 11 : i32
        %get3A_292 = arith.index_cast %get3A_291 : i32 to index
        %get3A_293 = arith.index_cast %mul3A_38 : i32 to index
        %get3A_294 = tpu.vector_load %arg5[%get3A_292, %get3A_293] {strides = array<i32>} : memref<24x512xf32, #tpu.memory_space<vmem>>, vector<16xf32>,
        %get3A_295 = arith.constant 11 : i32
        %get3A_296 = arith.index_cast %get3A_295 : i32 to index
        %get3A_297 = arith.index_cast %mul3A_38 : i32 to index
        %get3A_298 = tpu.vector_load %arg7[%get3A_296, %get3A_297] {strides = array<i32>} : memref<24x512xf32, #tpu.memory_space<vmem>>, vector<16xf32>,
        %sub3A_299 = arith.subf %get3A_294, %get3A_298 : vector<16xf32>
        %mul3A_300 = arith.mulf %sub3A_299, %sub3A_299 : vector<16xf32>
        %get3A_301 = arith.constant 12 : i32
        %get3A_302 = arith.index_cast %get3A_301 : i32 to index
        %get3A_303 = arith.index_cast %mul3A_38 : i32 to index
        %get3A_304 = tpu.vector_load %arg5[%get3A_302, %get3A_303] {strides = array<i32>} : memref<24x512xf32, #tpu.memory_space<vmem>>, vector<16xf32>,
        %get3A_305 = arith.constant 12 : i32
        %get3A_306 = arith.index_cast %get3A_305 : i32 to index
        %get3A_307 = arith.index_cast %mul3A_38 : i32 to index
        %get3A_308 = tpu.vector_load %arg7[%get3A_306, %get3A_307] {strides = array<i32>} : memref<24x512xf32, #tpu.memory_space<vmem>>, vector<16xf32>,
        %sub3A_309 = arith.subf %get3A_304, %get3A_308 : vector<16xf32>
        %mul3A_310 = arith.mulf %sub3A_309, %sub3A_309 : vector<16xf32>
        %get3A_311 = arith.constant 13 : i32
        %get3A_312 = arith.index_cast %get3A_311 : i32 to index
        %get3A_313 = arith.index_cast %mul3A_38 : i32 to index
        %get3A_314 = tpu.vector_load %arg5[%get3A_312, %get3A_313] {strides = array<i32>} : memref<24x512xf32, #tpu.memory_space<vmem>>, vector<16xf32>,
        %get3A_315 = arith.constant 13 : i32
        %get3A_316 = arith.index_cast %get3A_315 : i32 to index
        %get3A_317 = arith.index_cast %mul3A_38 : i32 to index
        %get3A_318 = tpu.vector_load %arg7[%get3A_316, %get3A_317] {strides = array<i32>} : memref<24x512xf32, #tpu.memory_space<vmem>>, vector<16xf32>,
        %sub3A_319 = arith.subf %get3A_314, %get3A_318 : vector<16xf32>
        %mul3A_320 = arith.mulf %sub3A_319, %sub3A_319 : vector<16xf32>
        %get3A_321 = arith.constant 14 : i32
        %get3A_322 = arith.index_cast %get3A_321 : i32 to index
        %get3A_323 = arith.index_cast %mul3A_38 : i32 to index
        %get3A_324 = tpu.vector_load %arg5[%get3A_322, %get3A_323] {strides = array<i32>} : memref<24x512xf32, #tpu.memory_space<vmem>>, vector<16xf32>,
        %get3A_325 = arith.constant 14 : i32
        %get3A_326 = arith.index_cast %get3A_325 : i32 to index
        %get3A_327 = arith.index_cast %mul3A_38 : i32 to index
        %get3A_328 = tpu.vector_load %arg7[%get3A_326, %get3A_327] {strides = array<i32>} : memref<24x512xf32, #tpu.memory_space<vmem>>, vector<16xf32>,
        %sub3A_329 = arith.subf %get3A_324, %get3A_328 : vector<16xf32>
        %mul3A_330 = arith.mulf %sub3A_329, %sub3A_329 : vector<16xf32>
        %get3A_331 = arith.constant 15 : i32
        %get3A_332 = arith.index_cast %get3A_331 : i32 to index
        %get3A_333 = arith.index_cast %mul3A_38 : i32 to index
        %get3A_334 = tpu.vector_load %arg5[%get3A_332, %get3A_333] {strides = array<i32>} : memref<24x512xf32, #tpu.memory_space<vmem>>, vector<16xf32>,
        %get3A_335 = arith.constant 15 : i32
        %get3A_336 = arith.index_cast %get3A_335 : i32 to index
        %get3A_337 = arith.index_cast %mul3A_38 : i32 to index
        %get3A_338 = tpu.vector_load %arg7[%get3A_336, %get3A_337] {strides = array<i32>} : memref<24x512xf32, #tpu.memory_space<vmem>>, vector<16xf32>,
        %sub3A_339 = arith.subf %get3A_334, %get3A_338 : vector<16xf32>
        %mul3A_340 = arith.mulf %sub3A_339, %sub3A_339 : vector<16xf32>
        %get3A_341 = arith.constant 16 : i32
        %get3A_342 = arith.index_cast %get3A_341 : i32 to index
        %get3A_343 = arith.index_cast %mul3A_38 : i32 to index
        %get3A_344 = tpu.vector_load %arg5[%get3A_342, %get3A_343] {strides = array<i32>} : memref<24x512xf32, #tpu.memory_space<vmem>>, vector<16xf32>,
        %get3A_345 = arith.constant 16 : i32
        %get3A_346 = arith.index_cast %get3A_345 : i32 to index
        %get3A_347 = arith.index_cast %mul3A_38 : i32 to index
        %get3A_348 = tpu.vector_load %arg7[%get3A_346, %get3A_347] {strides = array<i32>} : memref<24x512xf32, #tpu.memory_space<vmem>>, vector<16xf32>,
        %sub3A_349 = arith.subf %get3A_344, %get3A_348 : vector<16xf32>
        %mul3A_350 = arith.mulf %sub3A_349, %sub3A_349 : vector<16xf32>
        %get3A_351 = arith.constant 17 : i32
        %get3A_352 = arith.index_cast %get3A_351 : i32 to index
        %get3A_353 = arith.index_cast %mul3A_38 : i32 to index
        %get3A_354 = tpu.vector_load %arg5[%get3A_352, %get3A_353] {strides = array<i32>} : memref<24x512xf32, #tpu.memory_space<vmem>>, vector<16xf32>,
        %get3A_355 = arith.constant 17 : i32
        %get3A_356 = arith.index_cast %get3A_355 : i32 to index
        %get3A_357 = arith.index_cast %mul3A_38 : i32 to index
        %get3A_358 = tpu.vector_load %arg7[%get3A_356, %get3A_357] {strides = array<i32>} : memref<24x512xf32, #tpu.memory_space<vmem>>, vector<16xf32>,
        %sub3A_359 = arith.subf %get3A_354, %get3A_358 : vector<16xf32>
        %mul3A_360 = arith.mulf %sub3A_359, %sub3A_359 : vector<16xf32>
        %get3A_361 = arith.constant 18 : i32
        %get3A_362 = arith.index_cast %get3A_361 : i32 to index
        %get3A_363 = arith.index_cast %mul3A_38 : i32 to index
        %get3A_364 = tpu.vector_load %arg5[%get3A_362, %get3A_363] {strides = array<i32>} : memref<24x512xf32, #tpu.memory_space<vmem>>, vector<16xf32>,
        %get3A_365 = arith.constant 18 : i32
        %get3A_366 = arith.index_cast %get3A_365 : i32 to index
        %get3A_367 = arith.index_cast %mul3A_38 : i32 to index
        %get3A_368 = tpu.vector_load %arg7[%get3A_366, %get3A_367] {strides = array<i32>} : memref<24x512xf32, #tpu.memory_space<vmem>>, vector<16xf32>,
        %sub3A_369 = arith.subf %get3A_364, %get3A_368 : vector<16xf32>
        %mul3A_370 = arith.mulf %sub3A_369, %sub3A_369 : vector<16xf32>
        %get3A_371 = arith.constant 19 : i32
        %get3A_372 = arith.index_cast %get3A_371 : i32 to index
        %get3A_373 = arith.index_cast %mul3A_38 : i32 to index
        %get3A_374 = tpu.vector_load %arg5[%get3A_372, %get3A_373] {strides = array<i32>} : memref<24x512xf32, #tpu.memory_space<vmem>>, vector<16xf32>,
        %get3A_375 = arith.constant 19 : i32
        %get3A_376 = arith.index_cast %get3A_375 : i32 to index
        %get3A_377 = arith.index_cast %mul3A_38 : i32 to index
        %get3A_378 = tpu.vector_load %arg7[%get3A_376, %get3A_377] {strides = array<i32>} : memref<24x512xf32, #tpu.memory_space<vmem>>, vector<16xf32>,
        %sub3A_379 = arith.subf %get3A_374, %get3A_378 : vector<16xf32>
        %mul3A_380 = arith.mulf %sub3A_379, %sub3A_379 : vector<16xf32>
        %get3A_381 = arith.constant 20 : i32
        %get3A_382 = arith.index_cast %get3A_381 : i32 to index
        %get3A_383 = arith.index_cast %mul3A_38 : i32 to index
        %get3A_384 = tpu.vector_load %arg5[%get3A_382, %get3A_383] {strides = array<i32>} : memref<24x512xf32, #tpu.memory_space<vmem>>, vector<16xf32>,
        %get3A_385 = arith.constant 20 : i32
        %get3A_386 = arith.index_cast %get3A_385 : i32 to index
        %get3A_387 = arith.index_cast %mul3A_38 : i32 to index
        %get3A_388 = tpu.vector_load %arg7[%get3A_386, %get3A_387] {strides = array<i32>} : memref<24x512xf32, #tpu.memory_space<vmem>>, vector<16xf32>,
        %sub3A_389 = arith.subf %get3A_384, %get3A_388 : vector<16xf32>
        %mul3A_390 = arith.mulf %sub3A_389, %sub3A_389 : vector<16xf32>
        %get3A_391 = arith.constant 21 : i32
        %get3A_392 = arith.index_cast %get3A_391 : i32 to index
        %get3A_393 = arith.index_cast %mul3A_38 : i32 to index
        %get3A_394 = tpu.vector_load %arg5[%get3A_392, %get3A_393] {strides = array<i32>} : memref<24x512xf32, #tpu.memory_space<vmem>>, vector<16xf32>,
        %get3A_395 = arith.constant 21 : i32
        %get3A_396 = arith.index_cast %get3A_395 : i32 to index
        %get3A_397 = arith.index_cast %mul3A_38 : i32 to index
        %get3A_398 = tpu.vector_load %arg7[%get3A_396, %get3A_397] {strides = array<i32>} : memref<24x512xf32, #tpu.memory_space<vmem>>, vector<16xf32>,
        %sub3A_399 = arith.subf %get3A_394, %get3A_398 : vector<16xf32>
        %mul3A_400 = arith.mulf %sub3A_399, %sub3A_399 : vector<16xf32>
        %get3A_401 = arith.constant 22 : i32
        %get3A_402 = arith.index_cast %get3A_401 : i32 to index
        %get3A_403 = arith.index_cast %mul3A_38 : i32 to index
        %get3A_404 = tpu.vector_load %arg5[%get3A_402, %get3A_403] {strides = array<i32>} : memref<24x512xf32, #tpu.memory_space<vmem>>, vector<16xf32>,
        %get3A_405 = arith.constant 22 : i32
        %get3A_406 = arith.index_cast %get3A_405 : i32 to index
        %get3A_407 = arith.index_cast %mul3A_38 : i32 to index
        %get3A_408 = tpu.vector_load %arg7[%get3A_406, %get3A_407] {strides = array<i32>} : memref<24x512xf32, #tpu.memory_space<vmem>>, vector<16xf32>,
        %sub3A_409 = arith.subf %get3A_404, %get3A_408 : vector<16xf32>
        %mul3A_410 = arith.mulf %sub3A_409, %sub3A_409 : vector<16xf32>
        %get3A_411 = arith.constant 23 : i32
        %get3A_412 = arith.index_cast %get3A_411 : i32 to index
        %get3A_413 = arith.index_cast %mul3A_38 : i32 to index
        %get3A_414 = tpu.vector_load %arg5[%get3A_412, %get3A_413] {strides = array<i32>} : memref<24x512xf32, #tpu.memory_space<vmem>>, vector<16xf32>,
        %get3A_415 = arith.constant 23 : i32
        %get3A_416 = arith.index_cast %get3A_415 : i32 to index
        %get3A_417 = arith.index_cast %mul3A_38 : i32 to index
        %get3A_418 = tpu.vector_load %arg7[%get3A_416, %get3A_417] {strides = array<i32>} : memref<24x512xf32, #tpu.memory_space<vmem>>, vector<16xf32>,
        %sub3A_419 = arith.subf %get3A_414, %get3A_418 : vector<16xf32>
        %mul3A_420 = arith.mulf %sub3A_419, %sub3A_419 : vector<16xf32>
        %get3A_421 = arith.constant 0 : i32
        %get3A_422 = arith.index_cast %get3A_421 : i32 to index
        %get3A_423 = arith.index_cast %mul3A_38 : i32 to index
        %get3A_424 = tpu.vector_load %arg6[%get3A_422, %get3A_423] {strides = array<i32>} : memref<6x512xf32, #tpu.memory_space<vmem>>, vector<16xf32>,
        %get3A_425 = arith.constant 0 : i32
        %get3A_426 = arith.index_cast %get3A_425 : i32 to index
        %get3A_427 = arith.index_cast %mul3A_38 : i32 to index
        %get3A_428 = tpu.vector_load %arg8[%get3A_426, %get3A_427] {strides = array<i32>} : memref<6x512xf32, #tpu.memory_space<vmem>>, vector<16xf32>,
        %sub3A_429 = arith.subf %get3A_424, %get3A_428 : vector<16xf32>
        %mul3A_430 = arith.mulf %sub3A_429, %sub3A_429 : vector<16xf32>
        %get3A_431 = arith.constant 1 : i32
        %get3A_432 = arith.index_cast %get3A_431 : i32 to index
        %get3A_433 = arith.index_cast %mul3A_38 : i32 to index
        %get3A_434 = tpu.vector_load %arg6[%get3A_432, %get3A_433] {strides = array<i32>} : memref<6x512xf32, #tpu.memory_space<vmem>>, vector<16xf32>,
        %get3A_435 = arith.constant 1 : i32
        %get3A_436 = arith.index_cast %get3A_435 : i32 to index
        %get3A_437 = arith.index_cast %mul3A_38 : i32 to index
        %get3A_438 = tpu.vector_load %arg8[%get3A_436, %get3A_437] {strides = array<i32>} : memref<6x512xf32, #tpu.memory_space<vmem>>, vector<16xf32>,
        %sub3A_439 = arith.subf %get3A_434, %get3A_438 : vector<16xf32>
        %mul3A_440 = arith.mulf %sub3A_439, %sub3A_439 : vector<16xf32>
        %get3A_441 = arith.constant 2 : i32
        %get3A_442 = arith.index_cast %get3A_441 : i32 to index
        %get3A_443 = arith.index_cast %mul3A_38 : i32 to index
        %get3A_444 = tpu.vector_load %arg6[%get3A_442, %get3A_443] {strides = array<i32>} : memref<6x512xf32, #tpu.memory_space<vmem>>, vector<16xf32>,
        %get3A_445 = arith.constant 2 : i32
        %get3A_446 = arith.index_cast %get3A_445 : i32 to index
        %get3A_447 = arith.index_cast %mul3A_38 : i32 to index
        %get3A_448 = tpu.vector_load %arg8[%get3A_446, %get3A_447] {strides = array<i32>} : memref<6x512xf32, #tpu.memory_space<vmem>>, vector<16xf32>,
        %sub3A_449 = arith.subf %get3A_444, %get3A_448 : vector<16xf32>
        %mul3A_450 = arith.mulf %sub3A_449, %sub3A_449 : vector<16xf32>
        %get3A_451 = arith.constant 3 : i32
        %get3A_452 = arith.index_cast %get3A_451 : i32 to index
        %get3A_453 = arith.index_cast %mul3A_38 : i32 to index
        %get3A_454 = tpu.vector_load %arg6[%get3A_452, %get3A_453] {strides = array<i32>} : memref<6x512xf32, #tpu.memory_space<vmem>>, vector<16xf32>,
        %get3A_455 = arith.constant 3 : i32
        %get3A_456 = arith.index_cast %get3A_455 : i32 to index
        %get3A_457 = arith.index_cast %mul3A_38 : i32 to index
        %get3A_458 = tpu.vector_load %arg8[%get3A_456, %get3A_457] {strides = array<i32>} : memref<6x512xf32, #tpu.memory_space<vmem>>, vector<16xf32>,
        %sub3A_459 = arith.subf %get3A_454, %get3A_458 : vector<16xf32>
        %mul3A_460 = arith.mulf %sub3A_459, %sub3A_459 : vector<16xf32>
        %get3A_461 = arith.constant 4 : i32
        %get3A_462 = arith.index_cast %get3A_461 : i32 to index
        %get3A_463 = arith.index_cast %mul3A_38 : i32 to index
        %get3A_464 = tpu.vector_load %arg6[%get3A_462, %get3A_463] {strides = array<i32>} : memref<6x512xf32, #tpu.memory_space<vmem>>, vector<16xf32>,
        %get3A_465 = arith.constant 4 : i32
        %get3A_466 = arith.index_cast %get3A_465 : i32 to index
        %get3A_467 = arith.index_cast %mul3A_38 : i32 to index
        %get3A_468 = tpu.vector_load %arg8[%get3A_466, %get3A_467] {strides = array<i32>} : memref<6x512xf32, #tpu.memory_space<vmem>>, vector<16xf32>,
        %sub3A_469 = arith.subf %get3A_464, %get3A_468 : vector<16xf32>
        %mul3A_470 = arith.mulf %sub3A_469, %sub3A_469 : vector<16xf32>
        %get3A_471 = arith.constant 5 : i32
        %get3A_472 = arith.index_cast %get3A_471 : i32 to index
        %get3A_473 = arith.index_cast %mul3A_38 : i32 to index
        %get3A_474 = tpu.vector_load %arg6[%get3A_472, %get3A_473] {strides = array<i32>} : memref<6x512xf32, #tpu.memory_space<vmem>>, vector<16xf32>,
        %get3A_475 = arith.constant 5 : i32
        %get3A_476 = arith.index_cast %get3A_475 : i32 to index
        %get3A_477 = arith.index_cast %mul3A_38 : i32 to index
        %get3A_478 = tpu.vector_load %arg8[%get3A_476, %get3A_477] {strides = array<i32>} : memref<6x512xf32, #tpu.memory_space<vmem>>, vector<16xf32>,
        %sub3A_479 = arith.subf %get3A_474, %get3A_478 : vector<16xf32>
        %mul3A_480 = arith.mulf %sub3A_479, %sub3A_479 : vector<16xf32>
        %add3A_481 = arith.addf %mul3A_290, %mul3A_300 : vector<16xf32>
        %add3A_482 = arith.addf %mul3A_310, %mul3A_320 : vector<16xf32>
        %add3A_483 = arith.addf %mul3A_330, %mul3A_340 : vector<16xf32>
        %add3A_484 = arith.addf %mul3A_350, %mul3A_360 : vector<16xf32>
        %add3A_485 = arith.addf %mul3A_370, %mul3A_380 : vector<16xf32>
        %add3A_486 = arith.addf %mul3A_390, %mul3A_400 : vector<16xf32>
        %add3A_487 = arith.addf %mul3A_410, %mul3A_420 : vector<16xf32>
        %add3A_488 = arith.addf %mul3A_430, %mul3A_440 : vector<16xf32>
        %add3A_489 = arith.addf %mul3A_450, %mul3A_460 : vector<16xf32>
        %add3A_490 = arith.addf %mul3A_470, %mul3A_480 : vector<16xf32>
        %add3A_491 = arith.addf %add3A_481, %add3A_482 : vector<16xf32>
        %add3A_492 = arith.addf %add3A_483, %add3A_484 : vector<16xf32>
        %add3A_493 = arith.addf %add3A_485, %add3A_486 : vector<16xf32>
        %add3A_494 = arith.addf %add3A_487, %add3A_488 : vector<16xf32>
        %add3A_495 = arith.addf %add3A_489, %add3A_490 : vector<16xf32>
        %add3A_496 = arith.addf %add3A_491, %add3A_492 : vector<16xf32>
        %add3A_497 = arith.addf %add3A_493, %add3A_494 : vector<16xf32>
        %add3A_498 = arith.addf %add3A_496, %add3A_497 : vector<16xf32>
        %add3A_499 = arith.addf %add3A_498, %add3A_495 : vector<16xf32>
        %add3A_500 = arith.addf %add3A_87, %add3A_263 : vector<16xf32>
        %mul3A_501 = arith.constant 5.000000e+00 : f32
        %mul3A_502 = vector.broadcast %mul3A_501 : f32 to vector<16xf32>
        %mul3A_503 = arith.mulf %mul3A_502, %add3A_500 : vector<16xf32>
        %add3A_504 = arith.addf %mul3A_503, %add3A_499 : vector<16xf32>
        %mul3A_505 = arith.constant 5.000000e-01 : f32
        %mul3A_506 = vector.broadcast %mul3A_505 : f32 to vector<16xf32>
        %mul3A_507 = arith.mulf %mul3A_506, %add3A_280 : vector<16xf32>
        %add3A_508 = arith.addf %add3A_504, %mul3A_507 : vector<16xf32>
        %mul3A_509 = arith.mulf %select_n3A, %add3A_508 : vector<16xf32>
        %mul3A_510 = vector.broadcast %mul3A_27 : f32 to vector<16xf32>
        %mul3A_511 = arith.mulf %mul3A_510, %add3A_280 : vector<16xf32>
        %add3A_512 = arith.addf %mul3A_509, %mul3A_511 : vector<16xf32>
        %add3A_513 = arith.addf %scan3A_36, %add3A_512 : vector<16xf32>
        scf.yield %add3A_513 : vector<16xf32>
      }
      %scan3A_34 = arith.constant 32 : i32
      scf.yield %scan3A_33 : vector<16xf32>
    } else {
      scf.yield %scan3A_7 : vector<16xf32>
    }
    %swap3A = arith.constant 0 : index
    %swap3A_22 = tpu.vector_load %arg13[%swap3A] {strides = array<i32>} : memref<16xf32, #tpu.memory_space<vmem>>, vector<16xf32>,
    tpu.vector_store %arg13[%swap3A], %cond3A_21 {strides = array<i32>} : memref<16xf32, #tpu.memory_space<vmem>>, vector<16xf32>,
    %mul3A_23 = arith.constant 16 : i32
    %mul3A_24 = arith.muli %add3A, %mul3A_23 : i32
    "tpu.region"() ({
      %run_scoped3A = tpu.sem_alloc : memref<!tpu.dma_semaphore, #tpu.memory_space<semaphore_mem>>
      %dma_start3A = tpu.memref_slice %arg4[%mul3A_24] : memref<512xf32, #tpu.memory_space<hbm>> -> memref<16xf32, #tpu.memory_space<hbm>>
      %dma_start3A_25 = tpu.memref_slice %arg4[%mul3A_24] : memref<512xf32, #tpu.memory_space<hbm>> -> memref<16xf32, #tpu.memory_space<hbm>>
      tpu.enqueue_dma source(%arg13 : memref<16xf32, #tpu.memory_space<vmem>>) target(%dma_start3A_25 : memref<16xf32, #tpu.memory_space<hbm>>) target_semaphore(%run_scoped3A : memref<!tpu.dma_semaphore, #tpu.memory_space<semaphore_mem>>)
      %dma_wait3A = tpu.memref_slice %arg4[%mul3A_24] : memref<512xf32, #tpu.memory_space<hbm>> -> memref<16xf32, #tpu.memory_space<hbm>>
      %dma_wait3A_26 = tpu.memref_slice %arg4[%mul3A_24] : memref<512xf32, #tpu.memory_space<hbm>> -> memref<16xf32, #tpu.memory_space<hbm>>
      tpu.wait_dma2 semaphore(%run_scoped3A : memref<!tpu.dma_semaphore, #tpu.memory_space<semaphore_mem>>) src(%arg13 : memref<16xf32, #tpu.memory_space<vmem>>) dst(%dma_wait3A_26 : memref<16xf32, #tpu.memory_space<hbm>>)
      tpu.yield
    }) : () -> ()
    return
  }
}

</mosaic_0001>

<sc_bundles>
// kernel: _sc_loss.3.cloned.1.call-start
scs
__scs_entry_jumppad:
0x0: {  	(pc) =	sbr.rel $0x88, $3  }
0x1: {  	(tag) =	ssettag $0x0;
	lr =	simm.s32 $0x1  }
0x2: {  	[smem:$0x3F9F] =	sst lr;
	_ =	strace $0xD0000000  }
0x3: {  	_ = 	snop  }
0x4: {  	_ = 	snop  }
0x5: {  	_ = 	snop  }
0x6: {  	_ = 	snop  }
0x7: {  	_ = 	snop  }
__scs_overlays_trampoline_lowered:
0x8: {  	[smem:$0x3FAE] =	sst s0  }
0x9: {  	[smem:$0x3FAF] =	sst s1  }
0xa: {  	[smem:$0x3FB0] =	sst s2  }
0xb: {  	[smem:$0x3FB1] =	sst s3  }
0xc: {  	[smem:$0x3FB2] =	sst s4  }
0xd: {  	[smem:$0x3FB3] =	sst s5  }
0xe: {  	[smem:$0x3FB4] =	sst s6  }
0xf: {  	[smem:$0x3FB5] =	sst s7  }
0x10: {  	[smem:$0x3FB6] =	sst s8  }
0x11: {  	[smem:$0x3FB7] =	sst s9;
	s0 =	simm.s32 @!p0 $0x0  }
0x12: {  	s1 =	sld [smem:$0x3F9D];
	s0 =	simm.s32 @p0 $0x1  }
0x13: {  	[smem:$0x3FB8] =	sst s0;
	s0 =	simm.s32 @!p1 $0x0  }
0x14: {  	s2 =	sld [smem:$0x3F9C];
	s0 =	simm.s32 @p1 $0x1  }
0x15: {  	[smem:$0x3FB9] =	sst s0;
	s0 =	simm.s32 @!p2 $0x0  }
0x16: {  	s3 =	sld [smem:$0x3FDB];
	s0 =	simm.s32 @p2 $0x1  }
0x17: {  	s4 =	simm.s32 $0x1BF5;
	[smem:$0x3FBB] =	sst s0  }
0x18: {  	s0 =	sld [smem:$0x3F9E];
	_ =	swait.ge [sflag:s4], $0x0  }
0x19: {  	s7 =	sld [smem:$0x3F9F]  }
0x1a: {  	s8 =	sadd.s32 $0xFFFFE003, lr  }
0x1b: {  	s9 =	sadd.s32 $0xFFFFFEF7, lr;
	s5 =	simm.s32 $0xFFFFFFFF;
	p2 =	slt.u32 s8, $0xFFFFF086  }
0x1c: {  	p1 =	slt.u32 s9, $0xF7A;
	s5 =	simm.s32 @!p2 $0x0  }
0x1d: {  	s5 =	simm.s32 @p1 $0x1;
	p0 =	seq.s32 s7, s2  }
0x1e: {  	s7 =	smul.u32 @!p0 $0xF7A, s2;
	p2 =	seq.s32 @!p0 s5, $0x0  }
0x1f: {  	s9 =	smul.u32 $0xF7A, s1;
	s8 =	simm.s32 @!p0 $0x1BF5;
	p2 =	por !p2, p0  }
0x20: {  	[sflag:s8] =	ssyncset.s32 @!p0 $0xFFFFF086;
	s6 =	sadd.s32 @!p0 s3, s7;
	s7 =	simm.s32 @!p0 $0x108  }
0x21: {  	s3 =	sadd.s32 s3, s9;
	s6 =	sadd.s32 @!p0 $0x88, s6;
	s7 =	simm.s32 @p2 $0x1082  }
0x22: {  	[simem:s7], [sflag:s8] =	dma.local @!p0 [hbm:s6], $0xF7A  }
0x23: {  	s9 =	sor.u32 $0xD0000000, s2;
	s6 =	simm.s32 $0x108;
	_ =	swait.ge @!p0 [sflag:s8], $0x0  }
0x24: {  	s3 =	sadd.s32 $0x88, s3;
	s6 =	simm.s32 @!p1 $0x1082;
	[sflag:s4] =	ssyncset.s32 $0xFFFFF086  }
0x25: {  	[simem:s6], [sflag:s4] =	dma.local [hbm:s3], $0xF7A  }
0x26: {  	[smem:$0x3F9F] =	sst s1;
	(tag) =	ssettag s2;
	_ =	strace s9  }
0x27: {  	s1 =	sld [smem:$0x3FAF]  }
0x28: {  	s2 =	sld [smem:$0x3FB0]  }
0x29: {  	s4 =	sld [smem:$0x3FB2]  }
0x2a: {  	p0 =	seq.s32 s5, $0x0;
	s5 =	sld [smem:$0x3FB3]  }
0x2b: {  	s6 =	sld [smem:$0x3FB4]  }
0x2c: {  	s7 =	sld [smem:$0x3FB5]  }
0x2d: {  	s3 =	simm.s32 $0x108;
	s8 =	sld [smem:$0x3FB6]  }
0x2e: {  	s3 =	simm.s32 @!p0 $0x1082;
	s9 =	sld [smem:$0x3FB7]  }
0x2f: {  	lr =	sadd.s32 s0, s3;
	s0 =	sld [smem:$0x3FAE]  }
0x30: {  	s3 =	sld [smem:$0x3FB1]  }
0x31: {  	[smem:$0x3FBA] =	sst s10  }
0x32: {  	s10 =	sld [smem:$0x3FB8];
	_ =	sdelay $0x3  }
0x33: {  	p0 =	seq.s32 s10, $0x1;
	s10 =	sld [smem:$0x3FBA];
	_ =	sdelay $0x3  }
0x34: {  	[smem:$0x3FBA] =	sst s10  }
0x35: {  	s10 =	sld [smem:$0x3FB9];
	_ =	sdelay $0x3  }
0x36: {  	p1 =	seq.s32 s10, $0x1;
	s10 =	sld [smem:$0x3FBA];
	_ =	sdelay $0x3  }
0x37: {  	[smem:$0x3FBA] =	sst s10  }
0x38: {  	s10 =	sld [smem:$0x3FBB]  }
0x39: {  	_ = 	snop;
	(pc) =	sbr.ind lr, $3  }
0x3a: {  	_ = 	snop  }
0x3b: {  	_ = 	snop  }
0x3c: {  	p2 =	seq.s32 s10, $0x1;
	s10 =	sld [smem:$0x3FBA]  }
0x3d: {  	_ =	shalt  }
0x3e: {  	_ =	shalt  }
0x3f: {  	_ =	shalt  }
0x40: {  	_ =	shalt  }
0x41: {  	_ =	shalt  }
0x42: {  	_ =	shalt  }
0x43: {  	_ =	shalt  }
0x44: {  	_ =	shalt  }
0x45: {  	_ =	shalt  }
0x46: {  	_ =	shalt  }
0x47: {  	_ =	shalt  }
0x48: {  	_ =	shalt  }
0x49: {  	_ =	shalt  }
0x4a: {  	_ =	shalt  }
0x4b: {  	_ =	shalt  }
0x4c: {  	_ =	shalt  }
0x4d: {  	_ =	shalt  }
0x4e: {  	_ =	shalt  }
0x4f: {  	_ =	shalt  }
0x50: {  	_ =	shalt  }
0x51: {  	_ =	shalt  }
0x52: {  	_ =	shalt  }
0x53: {  	_ =	shalt  }
0x54: {  	_ =	shalt  }
0x55: {  	_ =	shalt  }
0x56: {  	_ =	shalt  }
0x57: {  	_ =	shalt  }
0x58: {  	_ =	shalt  }
0x59: {  	_ =	shalt  }
0x5a: {  	_ =	shalt  }
0x5b: {  	_ =	shalt  }
0x5c: {  	_ =	shalt  }
0x5d: {  	_ =	shalt  }
0x5e: {  	_ =	shalt  }
0x5f: {  	_ =	shalt  }
0x60: {  	_ =	shalt  }
0x61: {  	_ =	shalt  }
0x62: {  	_ =	shalt  }
0x63: {  	_ =	shalt  }
0x64: {  	_ =	shalt  }
0x65: {  	_ =	shalt  }
0x66: {  	_ =	shalt  }
0x67: {  	_ =	shalt  }
0x68: {  	_ =	shalt  }
0x69: {  	_ =	shalt  }
0x6a: {  	_ =	shalt  }
0x6b: {  	_ =	shalt  }
0x6c: {  	_ =	shalt  }
0x6d: {  	_ =	shalt  }
0x6e: {  	_ =	shalt  }
0x6f: {  	_ =	shalt  }
0x70: {  	_ =	shalt  }
0x71: {  	_ =	shalt  }
0x72: {  	_ =	shalt  }
0x73: {  	_ =	shalt  }
0x74: {  	_ =	shalt  }
0x75: {  	_ =	shalt  }
0x76: {  	_ =	shalt  }
0x77: {  	_ =	shalt  }
0x78: {  	_ =	shalt  }
0x79: {  	_ =	shalt  }
0x7a: {  	_ =	shalt  }
0x7b: {  	_ =	shalt  }
0x7c: {  	_ =	shalt  }
0x7d: {  	_ =	shalt  }
0x7e: {  	_ =	shalt  }
0x7f: {  	_ =	shalt  }
0x80: {  	_ =	shalt  }
0x81: {  	_ =	shalt  }
0x82: {  	_ =	shalt  }
0x83: {  	_ =	shalt  }
0x84: {  	_ =	shalt  }
0x85: {  	_ =	shalt  }
0x86: {  	_ =	shalt  }
0x87: {  	_ =	shalt  }
.Lfunc_end0:
.L_simem_size_0:
called_computation_lowered:
.L_overlay_start_0:
0x88: {  	s2 =	sld [smem:$0x3FD9]  }
0x89: {  	s3 =	sld [smem:$0x3FFE];
	_ =	sdelay $0x1  }
0x8a: {  	s1 =	srdreg.scid  }
0x8b: {  	s0 =	sand.u32 $0x1, s1  }
0x8c: {  	s18 =	sshll.u32 s0, $0xA;
	s2 =	sadd.s32 s3, s2  }
0x8d: {  	s2 =	sadd.s32 s2, s18  }
0x8e: {  	[smem:$0x3FC6] =	sst s2  }
0x8f: {  	_ = 	snop  }
0x90: {  	s2 =	sld [smem:$0x3FC9]  }
0x91: {  	s19 =	sld [smem:$0x3FC8]  }
0x92: {  	s4 =	sld [smem:$0x3FD0];
	(tm) =	ssettm $0x1  }
0x93: {  	s5 =	sld [smem:$0x3FFB];
	_ =	sdelay $0x3  }
0x94: {  	_ =	strace s5  }
0x95: {  	s5 =	sld [smem:$0x3FFC];
	_ =	sdelay $0x3  }
0x96: {  	_ =	strace s5  }
0x97: {  	s5 =	sld [smem:$0x3FFD];
	_ =	sdelay $0x3  }
0x98: {  	_ =	strace s5  }
0x99: {  	_ =	strace $0x8FFFFFFF  }
0x9a: {  	s20 =	sld [smem:$0x3FDB];
	_ =	sdelay $0x1  }
0x9b: {  	s6 =	simm.s32 $_scs_section_size  }
0x9c: {  	s7 =	simm.s32 $_size__tile_overlayer_lowered;
	s8 =	simm.s32 $_tile_overlayer_lowered  }
0x9d: {  	s23 =	simm.s32 $0x1BFF;
	s22 =	sshll.u32 s8, $0x1;
	s5 =	sadd.s32 s6, s20  }
0x9e: {  	s9 =	simm.s32 $0x0;
	s21 =	sshll.u32 s7, $0x1;
	s7 =	sadd.s32 s22, s5  }
0x9f: {  	[timem:s9], [sflag:s23] =	dma.local [hbm:s7], s21  }
0xa0: {  	_ =	swait.ge [sflag:s23], s21  }
0xa1: {  	s6 =	ssub.s32 $0x0, s21;
	[sflag:s23] =	ssyncset.done $0x0  }
0xa2: {  	[sflag:s23] =	ssyncadd.s32 s6;
	_ =	sdelay $0x1  }
0xa3: {  	s24 =	simm.s32 $0x1B8B  }
0xa4: {  	_ =	swait.ge [sflag:s24], $0x1  }
0xa5: {  	[sflag:s24] =	ssyncset.done $0x0  }
0xa6: {  	s25 =	simm.s32 $0x1B8E;
	[sflag:s24] =	ssyncadd.s32 $0xFFFFFFFF  }
0xa7: {  	s26 =	simm.s32 $execute0_lowered;
	[smem:$0x3FD2] =	sst s25  }
0xa8: {  	s6 =	sshll.u32 s26, $0x1;
	_ =	strace $0x80000046;
	[dreg:$0x1] =	wrdreg $0xFFFFFFFF  }
0xa9: {  	s28 =	simm.s32 $_size_execute0_lowered;
	s5 =	sadd.s32 s5, s6;
	[dreg:$0x0] =	wrdreg $0x0  }
0xaa: {  	s6 =	sshll.u32 s28, $0x1;
	[dreg:$0x2] =	wrdreg s5  }
0xab: {  	[dreg:$0x3] =	wrdreg s6  }
0xac: {  	[dreg:$0x4] =	wrdreg $0xC0  }
0xad: {  	_ =	task [dreg:s9], $0x5FFFF  }
0xae: {  	[dreg:$0x1] =	wrdreg $0xFFFFFFFF  }
0xaf: {  	[dreg:$0x0] =	wrdreg $0x60  }
0xb0: {  	[dreg:$0x2] =	wrdreg s2  }
0xb1: {  	[dreg:$0x3] =	wrdreg s19  }
0xb2: {  	[dreg:$0x4] =	wrdreg s4  }
0xb3: {  	[dreg:$0x5] =	wrdreg $0x9  }
0xb4: {  	_ =	task.clear_ibuf [dreg:s9], $0x6FFFF;
	_ =	strace $0x90000046  }
0xb5: {  	s29 =	simm.s32 $0x9;
	_ =	strace $0x80000048  }
0xb6: {  	_ =	swait.ge [sflag:s29], $0x1  }
0xb7: {  	[sflag:s29] =	ssyncadd.s32 $0xFFFFFFFF  }
0xb8: {  	_ =	strace $0x90000048  }
0xb9: {  	_ =	sfence  }
0xba: {  	s30 =	sld [smem:$0x0];
	_ =	sdelay $0x2  }
0xbb: {  	s31 =	sshll.u32 s1, $0xD;
	s1 =	sshrl.u32 s1, $0x2  }
0xbc: {  	s3 =	sand.u32 $0x4000, s31;
	s1 =	sadd.s32 s1, s30  }
0xbd: {  	s0 =	sor.u32 s3, s0;
	s1 =	sshll.u32 s1, $0x11  }
0xbe: {  	s0 =	sor.u32 s1, s0  }
0xbf: {  	s0 =	sadd.s32 $0x8F2B, s0  }
0xc0: {  	[sflag:s0] =	ssyncadd.remote.s32 $0x1  }
0xc1: {  	_ =	sfence.sel $0xFFFF  }
0xc2: {  	[dreg:$0x0] =	wrdreg $0xFFFFFFFF;
	(pc) =	sbr.abs _section_cstart, $3  }
0xc3: {  	[dreg:$0x1] =	wrdreg $0xFFFFFFFF  }
0xc4: {  	_ =	task.clear_ibuf [dreg:s9], $0x2FFFF;
	_ =	strace $0x9FFFFFFF  }
0xc5: {  	(tm) =	ssettm $0x7FFFFFFF  }
tec
execute0_lowered:
.L_overlay_start_1:
0x0: {  	(tag) =	ssettag $0x1  }
0x1: {  	s1 =	rddreg [dreg:$0x0]  }
0x2: {  	s3 =	rddreg [dreg:$0x1];
	s0 =	srdreg.scid  }
0x3: {  	s15 =	stileid.u32;
	s2 =	rddreg [dreg:$0x2]  }
0x4: {  	s4 =	simm.s32 $0x0;
	s13 =	simm.s32 $0x1000;
	s14 =	simm.s32 $0x4000  }
0x5: {  	s17 =	simm.s32 $0x8000;
	s18 =	simm.s32 $0xB000;
	s19 =	simm.s32 $0xC000  }
0x6: {  	s20 =	simm.s32 $0xF000;
	s21 =	simm.s32 $0x1;
	s22 =	simm.s32 $0x2  }
0x7: {  	s24 =	simm.s32 $0x3;
	s25 =	simm.s32 $0x0;
	s0 =	sand.u32 $0x1, s0  }
0x8: {  	s5 =	sshll.u32 s15, $0x1;
	[smem:$0x7FF] =	sst s4;
	p0 =	sgt.u32 s15, $0x1  }
0x9: {  	s5 =	sor.u32 s0, s5;
	_ =	strace $0x80000047;
	s0 =	ssub.s32 $0x2, s0  }
0xa: {  	s6 =	sshll.u32 s5, $0xC;
	s7 =	sshll.u32 s5, $0xE;
	s9 =	sshrl.u32 s0, $0x1  }
0xb: {  	s11 =	sshll.u32 s5, $0x1;
	s6 =	sand.u32 $0x3000, s6;
	s8 =	sand.u32 $0x70000, s7  }
.Ltmp0:
0xc: {  	s7 =	sor.u32 s7, s6;
	s8 =	sor.u32 s6, s8;
	(pc) =	sbr.rel .LBB2_1-.Ltmp0, $4  }
0xd: {  	s0 =	ssub.s32 s0, s9;
	s7 =	sshrl.u32 s7, $0x3;
	s8 =	sshrl.u32 s8, $0x3  }
0xe: {  	s11 =	sadd.s32 s2, s11;
	s7 =	sor.u32 $0x1800, s7;
	s30 =	sadd.s32 s1, s8  }
0xf: {  	s12 =	smax.u32 s0, $0x1;
	[dreg:$0x4] =	wrdreg s30;
	s31 =	sadd.s32 s1, s7  }
0x10: {  	v0 =	vimm.f32 $0.0e+00;
	s9 =	sadd.s32 s3, s8;
	s10 =	sadd.s32 s3, s7;
	[dreg:$0x5] =	wrdreg s31  }
.LBB2_11:
0x11: {  	s25 =	sadd.s32 $0x1, s25  }
0x12: {  	p1 =	sne.s32 s25, s12  }
.Ltmp1:
0x13: {  	[tilespmem:$0x10000] =	vst v1;
	s0 =	simm.s32 $0x10000;
	(pc) =	sbr.rel @!p1 .LBB2_12-.Ltmp1, $4  }
0x14: {  	[hbm4b:s11+s4] =	stream.linear.scatter [tilespmem:s0], [sflag:$0x3], $0x10, $0x38;
	[tilespmem:$0x10080] =	vst v63  }
0x15: {  	_ =	swait.ge [sflag:s24], $0x10  }
0x16: {  	[sflag:s24] =	ssyncset.done $0x0  }
0x17: {  	[sflag:s24] =	ssyncadd.s32 $0xFFFFFFF0  }
.LBB2_1:
0x18: {  	s0 =	rddreg [dreg:$0x4]  }
0x19: {  	[tilespmem:s4], [sflag:$0x1] =	stream.strided.gather [hbm4b:s0+s13], $0x3000, s14, s13, $0x38;
	[tilespmem:$0x10080] =	vst v63  }
0x1a: {  	s30 =	rddreg [dreg:$0x5];
	s2 =	simm.s32 $0x3000  }
0x1b: {  	[tilespmem:s2], [sflag:$0x1] =	stream.linear.gather [hbm4b:s30+s4], $0x1000, $0x38;
	[tilespmem:$0x10080] =	vst v63  }
0x1c: {  	_ = 	snop  }
0x1d: {  	[tilespmem:s14], [sflag:$0x1] =	stream.strided.gather [hbm4b:s9+s13], $0x3000, s14, s13, $0x38;
	[tilespmem:$0x10080] =	vst v63  }
0x1e: {  	s31 =	simm.s32 $0x7000;
	s26 =	simm.s32 $0x0  }
0x1f: {  	v1 =	vimm.f32 $0.0e+00;
	[tilespmem:s31], [sflag:$0x1] =	stream.linear.gather [hbm4b:s10+s4], $0x1000, $0x38;
	[tilespmem:$0x10080] =	vst v63  }
.LBB2_2:
0x20: {  	s0 =	sshll.u32 s26, $0x6  }
0x21: {  	s28 =	sor.u32 s5, s0  }
0x22: {  	s29 =	sshll.u32 s28, $0xE  }
0x23: {  	s8 =	sor.u32 $0x80000, s29  }
0x24: {  	s2 =	sand.u32 $0x3F0000, s8  }
0x25: {  	s0 =	sor.u32 s6, s8;
	s2 =	sor.u32 s6, s2  }
0x26: {  	s0 =	sshrl.u32 s0, $0x3;
	s2 =	sshrl.u32 s2, $0x3  }
0x27: {  	s0 =	sor.u32 $0x1800, s0;
	s7 =	sadd.s32 s1, s2  }
0x28: {  	[tilespmem:s17], [sflag:$0x2] =	stream.strided.gather [hbm4b:s7+s13], $0x3000, s14, s13, $0x38;
	[tilespmem:$0x10080] =	vst v63  }
0x29: {  	s8 =	simm.s32 $0x0;
	s15 =	sadd.s32 s1, s0  }
0x2a: {  	[tilespmem:s18], [sflag:$0x2] =	stream.linear.gather [hbm4b:s15+s8], $0x1000, $0x38;
	[tilespmem:$0x10080] =	vst v63  }
0x2b: {  	s2 =	sadd.s32 s3, s2  }
0x2c: {  	[tilespmem:s19], [sflag:$0x2] =	stream.strided.gather [hbm4b:s2+s13], $0x3000, s14, s13, $0x38;
	[tilespmem:$0x10080] =	vst v63  }
0x2d: {  	s0 =	sadd.s32 s3, s0  }
0x2e: {  	[tilespmem:s20], [sflag:$0x2] =	stream.linear.gather [hbm4b:s0+s8], $0x1000, $0x38;
	[tilespmem:$0x10080] =	vst v63  }
0x2f: {  	_ =	swait.ge [sflag:s21], $0x3000  }
0x30: {  	[sflag:s21] =	ssyncset.done $0x0  }
0x31: {  	[sflag:s21] =	ssyncadd.s32 $0xFFFFD000  }
0x32: {  	_ =	swait.ge [sflag:s21], $0x1000  }
0x33: {  	[sflag:s21] =	ssyncset.done $0x0  }
0x34: {  	[sflag:s21] =	ssyncadd.s32 $0xFFFFF000  }
0x35: {  	_ =	swait.ge [sflag:s21], $0x3000  }
0x36: {  	[sflag:s21] =	ssyncset.done $0x0  }
0x37: {  	[sflag:s21] =	ssyncadd.s32 $0xFFFFD000  }
0x38: {  	_ =	swait.ge [sflag:s21], $0x1000  }
0x39: {  	s16 =	sand.u32 $0x70, s8;
	s23 =	sand.u32 $0xC00, s8;
	[sflag:s21] =	ssyncset.done $0x0  }
0x3a: {  	s30 =	sor.u32 s16, s23;
	[sflag:s21] =	ssyncadd.s32 $0xFFFFF000  }
0x3b: {  	v8 =	vld [tilespmem:s30+$0x6100]  }
0x3c: {  	v3 =	vld [tilespmem:s30+$0x5080]  }
0x3d: {  	v9 =	vld [tilespmem:s30+$0x2100]  }
0x3e: {  	v6 =	vld [tilespmem:s30+$0x6080]  }
0x3f: {  	v10 =	vld [tilespmem:s30+$0x2080]  }
0x40: {  	v7 =	vld [tilespmem:s30+$0x6000]  }
0x41: {  	v11 =	vld [tilespmem:s30+$0x2000]  }
0x42: {  	v12 =	vld [tilespmem:s30+$0x5100]  }
0x43: {  	v2 =	vld [tilespmem:s30+$0x5300]  }
0x44: {  	s2 =	sand.u32 $0xFFFFFC00, s8;
	v5 =	vld [tilespmem:s30+$0x1300]  }
0x45: {  	s7 =	sadd.s32 $0x0, s2;
	v13 =	vld [tilespmem:s30+$0x6280]  }
0x46: {  	s23 =	sor.u32 $0x1180, s7;
	s8 =	sor.u32 s8, s8;
	v14 =	vld [tilespmem:s30+$0x2280]  }
0x47: {  	s15 =	sor.u32 $0x1380, s8;
	v15 =	vld [tilespmem:s23+$0x0]  }
0x48: {  	v16 =	vld [tilespmem:s15+$0x4000]  }
0x49: {  	v17 =	vld [tilespmem:s30+$0x5280]  }
0x4a: {  	v18 =	vld [tilespmem:s30+$0x1280]  }
0x4b: {  	v19 =	vld [tilespmem:s30+$0x5200]  }
0x4c: {  	v20 =	vld [tilespmem:s30+$0x1200]  }
0x4d: {  	v21 =	vld [tilespmem:s30+$0x5000]  }
0x4e: {  	v22 =	vld [tilespmem:s30+$0x1000]  }
0x4f: {  	v26 =	vld [tilespmem:s30+$0x4100]  }
0x50: {  	s0 =	sor.u32 $0x180, s7;
	v23 =	vld [tilespmem:s30+$0x2300]  }
0x51: {  	v24 =	vld [tilespmem:s0+$0x4000]  }
0x52: {  	v25 =	vld [tilespmem:s0+$0x0]  }
0x53: {  	v30 =	vld [tilespmem:s30+$0x100]  }
0x54: {  	v35 =	vld [tilespmem:s30+$0x1100];
	v13 =	vsub.f32 v14, v13;
	v19 =	vsub.f32 v20, v19  }
0x55: {  	s16 =	sor.u32 $0x380, s8;
	v38 =	vld [tilespmem:s30+$0x6300];
	v20 =	vsub.f32 v5, v2;
	v17 =	vsub.f32 v18, v17  }
0x56: {  	v28 =	vld [tilespmem:s16+$0x0];
	v27 =	vmul.f32 v21, v22;
	v5 =	vadd.f32 v21, v22;
	v11 =	vsub.f32 v11, v7  }
0x57: {  	v48 =	vld [tilespmem:s30+$0x7000];
	v7 =	vadd.f32 v24, v25;
	v24 =	vmul.f32 v24, v25;
	v10 =	vsub.f32 v10, v6  }
0x58: {  	v49 =	vld [tilespmem:s30+$0x0];
	v8 =	vsub.f32 v9, v8;
	v39 =	vmul.f32 v26, v30;
	v20 =	vmul.f32 v20, v20  }
0x59: {  	v43 =	vld [tilespmem:s30+$0x4000];
	v12 =	vsub.f32 v35, v12;
	v11 =	vmul.f32 v11, v11;
	v17 =	vmul.f32 v17, v17  }
0x5a: {  	s8 =	sor.u32 $0x2380, s8;
	v14 =	vld [tilespmem:s16+$0x4000];
	v23 =	vsub.f32 v23, v38;
	v36 =	vmul.f32 v8, v8;
	v10 =	vmul.f32 v10, v10  }
0x5b: {  	v18 =	vld [tilespmem:s8+$0x4000];
	v2 =	vmax.f32 v27, $9.999999960e-13;
	v8 =	vmul.f32 v13, v13;
	v19 =	vmul.f32 v19, v19  }
0x5c: {  	v22 =	vld [tilespmem:s8+$0x0];
	v33 =	vmax.f32 v24, $9.999999960e-13;
	v12 =	vmul.f32 v12, v12;
	v23 =	vmul.f32 v23, v23  }
0x5d: {  	s2 =	sor.u32 $0x2180, s7;
	v13 =	vld [tilespmem:s30+$0x3000];
	v21 =	vshrl.u32 v2, $0x1;
	v29 =	vmul.f32 $5.000000000e-01, v2;
	v24 =	vshrl.u32 v33, $0x1  }
0x5e: {  	v25 =	vld [tilespmem:s2+$0x4000];
	v31 =	vmul.f32 $5.000000000e-01, v33;
	v27 =	vsub.s32 $0x5F3759DF, v21;
	v24 =	vsub.s32 $0x5F3759DF, v24  }
0x5f: {  	v21 =	vld [tilespmem:s2+$0x0];
	v11 =	vadd.f32 v10, v11;
	v10 =	vmax.f32 v39, $9.999999960e-13;
	v6 =	vadd.f32 v14, v28  }
0x60: {  	v14 =	vmul.f32 v14, v28;
	v28 =	vld [tilespmem:s15+$0x0];
	v41 =	vshrl.u32 v10, $0x1;
	v42 =	vmul.f32 v24, v31  }
0x61: {  	v52 =	vld [tilespmem:s30+$0x4080];
	v34 =	vmul.f32 v27, v29;
	v18 =	vsub.f32 v22, v18;
	v53 =	vsub.s32 $0x5F3759DF, v41  }
0x62: {  	v22 =	vld [tilespmem:s30+$0x80];
	v9 =	vmax.f32 v14, $9.999999960e-13;
	v42 =	vmul.f32 v24, v42;
	v13 =	vsub.f32 v13, v48  }
0x63: {  	v14 =	vld [tilespmem:s23+$0x4000];
	v18 =	vmul.f32 v18, v18;
	v32 =	vshrl.u32 v9, $0x1;
	v37 =	vmul.f32 $5.000000000e-01, v9  }
0x64: {  	v51 =	vld [tilespmem:s30+$0x7080];
	v32 =	vsub.s32 $0x5F3759DF, v32;
	v40 =	vsub.f32 v21, v25;
	v42 =	vsub.f32 $1.500000000e+00, v42  }
0x65: {  	v25 =	vmul.f32 v27, v34;
	v21 =	vmul.f32 v32, v37;
	v16 =	vsub.f32 v28, v16;
	v28 =	vld [tilespmem:s30+$0x3080]  }
0x66: {  	v4 =	vld [tilespmem:s30+$0x6200];
	v18 =	vadd.f32 v18, v23;
	v23 =	vsub.f32 v49, v43;
	v55 =	vmul.f32 v24, v42  }
0x67: {  	v54 =	vld [tilespmem:s30+$0x280];
	v56 =	vsub.f32 $1.500000000e+00, v25;
	v21 =	vmul.f32 v32, v21;
	v50 =	vmul.f32 v16, v16  }
0x68: {  	v44 =	vld [tilespmem:s30+$0x4280];
	v24 =	vsub.f32 v22, v52;
	v16 =	vmul.f32 $5.000000000e-01, v10;
	v15 =	vsub.f32 v15, v14  }
0x69: {  	v46 =	vld [tilespmem:s30+$0x4300];
	v13 =	vmul.f32 v13, v13;
	v20 =	vadd.f32 v50, v20;
	v14 =	vsub.f32 $1.500000000e+00, v21  }
0x6a: {  	v45 =	vmul.f32 v53, v16;
	v15 =	vmul.f32 v15, v15;
	v21 =	vsub.f32 v28, v51;
	v28 =	vld [tilespmem:s30+$0x300]  }
0x6b: {  	v59 =	vld [tilespmem:s0+$0x3000];
	v14 =	vmul.f32 v32, v14;
	v47 =	vadd.f32 v11, v20;
	v11 =	vmul.f32 v55, v31  }
0x6c: {  	v61 =	vld [tilespmem:s0+$0x7000];
	v12 =	vadd.f32 v15, v12;
	v15 =	vadd.f32 v17, v19;
	v57 =	vmul.f32 v21, v21  }
0x6d: {  	v25 =	vld [tilespmem:s30+$0x7100];
	v22 =	vsub.f32 v54, v44;
	v58 =	vmul.f32 v53, v45;
	v20 =	vmul.f32 v27, v56  }
0x6e: {  	v27 =	vld [tilespmem:s30+$0x3200];
	v31 =	vmul.f32 v11, v55;
	v12 =	vadd.f32 v15, v12;
	v13 =	vadd.f32 v57, v13  }
0x6f: {  	v19 =	vld [tilespmem:s30+$0x3280];
	v17 =	vmul.f32 v14, v37;
	v62 =	vsub.f32 $1.500000000e+00, v58;
	v28 =	vsub.f32 v28, v46  }
0x70: {  	v60 =	vmul.f32 v40, v40;
	v21 =	vld [tilespmem:s30+$0x3100];
	v11 =	vadd.f32 v13, v18;
	v18 =	vsub.f32 $1.500000000e+00, v31  }
0x71: {  	v15 =	vld [tilespmem:s30+$0x4200];
	v63 =	vmul.f32 v17, v14;
	v17 =	vadd.f32 v26, v30;
	v31 =	vmul.f32 v20, v29  }
0x72: {  	v26 =	vld [tilespmem:s30+$0x7280];
	v12 =	vadd.f32 v47, v12;
	v13 =	vadd.f32 v60, v36;
	v18 =	vmul.f32 v18, v55  }
0x73: {  	v29 =	vld [tilespmem:s30+$0x7200];
	v32 =	vmul.f32 v28, v28;
	v30 =	vsub.f32 $1.500000000e+00, v63;
	v34 =	vmul.f32 v31, v20  }
0x74: {  	s31 =	simm.s32 $0x80;
	s7 =	simm.s32 $0x10;
	v28 =	vsub.f32 v59, v61;
	v31 =	vmul.f32 v53, v62;
	v33 =	vmul.f32 v18, v33;
	v18 =	vld [tilespmem:s30+$0x200]  }
.LBB2_3:
0x75: {  	s0 =	sand.u32 $0xFFFFFC00, s31  }
0x76: {  	s8 =	sand.u32 $0x70, s7;
	s16 =	sand.u32 $0xC00, s31;
	v24 =	vmul.f32 v24, v24;
	v34 =	vsub.f32 $1.500000000e+00, v34;
	v35 =	vld [tilespmem:s30+$0x1080];
	v21 =	vsub.f32 v21, v25;
	s23 =	smov.u32 s7  }
0x77: {  	s2 =	sadd.s32 $0x10, s7;
	v23 =	vmul.f32 v23, v23;
	s15 =	sadd.s32 s0, s23;
	v25 =	vmul.f32 v31, v16;
	v33 =	vadd.f32 v33, v33;
	v36 =	vld [tilespmem:s30+$0x2200];
	s30 =	sor.u32 s8, s16  }
0x78: {  	p1 =	sne.s32 s7, $0x1F0;
	v22 =	vmul.f32 v22, v22;
	v27 =	vsub.f32 v27, v29;
	s0 =	sor.u32 $0x180, s15;
	v16 =	vld [tilespmem:s30+$0x6100];
	v34 =	vmul.f32 v34, v20  }
0x79: {  	v23 =	vadd.f32 v24, v23;
	v29 =	vld [tilespmem:s30+$0x5080];
	vm0 =	veq.f32 v15, $1.000000000e+00;
	v24 =	vmul.f32 v25, v31  }
0x7a: {  	s8 =	sor.u32 s23, s31;
	v22 =	vadd.f32 v32, v22;
	v21 =	vmul.f32 v21, v21;
	v20 =	vld [tilespmem:s30+$0x2100];
	v2 =	vmul.f32 v34, v2  }
0x7b: {  	s23 =	sor.u32 $0x380, s8;
	v34 =	vmul.f32 v28, v28;
	v25 =	vld [tilespmem:s30+$0x6080];
	v24 =	vsub.f32 $1.500000000e+00, v24;
	v32 =	vsub.f32 v35, v3  }
0x7c: {  	v22 =	vadd.f32 v22, v23;
	v23 =	vmul.f32 v30, v14;
	v14 =	vsub.f32 v19, v26;
	v28 =	vld [tilespmem:s30+$0x2080]  }
0x7d: {  	v26 =	vmul.f32 v27, v27;
	v21 =	vadd.f32 v34, v21;
	v19 =	vld [tilespmem:s30+$0x6000];
	v24 =	vmul.f32 v24, v31  }
0x7e: {  	v15 =	vsub.f32 v18, v15;
	v2 =	vadd.f32 v2, v2;
	v18 =	vmul.f32 v14, v14;
	v27 =	vld [tilespmem:s30+$0x2000];
	v3 =	vmovc v29  }
0x7f: {  	s16 =	sor.u32 $0x1380, s8;
	v9 =	vmul.f32 v23, v9;
	v4 =	vsub.f32 v36, v4;
	v14 =	vld [tilespmem:s30+$0x5100];
	v10 =	vmul.f32 v24, v10  }
0x80: {  	v7 =	vsub.f32 v7, v33;
	v18 =	vadd.f32 v18, v26;
	v24 =	vmul.f32 v32, v32;
	v23 =	vld [tilespmem:s30+$0x5300]  }
0x81: {  	v29 =	vmul.f32 v15, v15;
	v4 =	vmul.f32 v4, v4;
	v26 =	vld [tilespmem:s30+$0x1300];
	v10 =	vadd.f32 v10, v10  }
0x82: {  	v9 =	vadd.f32 v9, v9;
	v2 =	vsub.f32 v5, v2;
	v30 =	vld [tilespmem:s30+$0x6280]  }
0x83: {  	s7 =	sor.u32 $0x1180, s15;
	v8 =	vadd.f32 v8, v4;
	v5 =	vld [tilespmem:s30+$0x2280];
	v10 =	vsub.f32 v17, v10  }
0x84: {  	v6 =	vsub.f32 v6, v9;
	v9 =	vadd.f32 v24, v29;
	v15 =	vld [tilespmem:s7+$0x0]  }
0x85: {  	v8 =	vadd.f32 v8, v13;
	v4 =	vld [tilespmem:s30+$0x6200];
	v7 =	vadd.f32 v7, v10  }
0x86: {  	v2 =	vadd.f32 v2, v6;
	v6 =	vadd.f32 v18, v21;
	v13 =	vld [tilespmem:s16+$0x4000]  }
0x87: {  	v8 =	vadd.f32 v11, v8;
	v10 =	vld [tilespmem:s30+$0x5280]  }
0x88: {  	v2 =	vadd.f32 v2, v7;
	v11 =	vld [tilespmem:s30+$0x1280];
	v17 =	vsub.f32 v5, v30  }
0x89: {  	v7 =	vadd.f32 v8, v12;
	v5 =	vld [tilespmem:s30+$0x5200]  }
0x8a: {  	v18 =	vsel vm0, $0x3F800000, v0;
	v2 =	vadd.f32 v2, v22;
	v8 =	vld [tilespmem:s30+$0x1200]  }
0x8b: {  	v6 =	vadd.f32 v6, v7;
	v21 =	vld [tilespmem:s30+$0x5000]  }
0x8c: {  	v2 =	vmul.f32 $5.000000000e+00, v2;
	v7 =	vld [tilespmem:s30+$0x1000]  }
0x8d: {  	s8 =	sor.u32 $0x2380, s8;
	v9 =	vmul.f32 $5.000000000e-01, v9;
	v12 =	vld [tilespmem:s30+$0x4100]  }
0x8e: {  	v2 =	vadd.f32 v6, v2;
	v22 =	vld [tilespmem:s30+$0x2300]  }
0x8f: {  	v6 =	vld [tilespmem:s0+$0x4000];
	v24 =	vsub.f32 v8, v5;
	v8 =	vsub.f32 v11, v10  }
0x90: {  	v11 =	vsub.f32 v26, v23;
	v2 =	vadd.f32 v2, v9;
	v10 =	vld [tilespmem:s0+$0x0]  }
0x91: {  	v23 =	vld [tilespmem:s23+$0x4000];
	v5 =	vadd.f32 v21, v7;
	v7 =	vmul.f32 v21, v7  }
0x92: {  	v19 =	vsub.f32 v27, v19;
	v11 =	vmul.f32 v11, v11;
	v18 =	vmul.f32 v2, v18;
	v21 =	vld [tilespmem:s23+$0x0]  }
0x93: {  	s15 =	sor.u32 $0x2180, s15;
	v2 =	vmax.f32 v7, $9.999999960e-13;
	v26 =	vld [tilespmem:s8+$0x4000]  }
0x94: {  	v9 =	vadd.f32 v18, v9;
	v27 =	vshrl.u32 v2, $0x1;
	v29 =	vmul.f32 $5.000000000e-01, v2;
	v30 =	vld [tilespmem:s8+$0x0]  }
0x95: {  	v7 =	vadd.f32 v6, v10;
	v6 =	vmul.f32 v6, v10;
	v10 =	vmul.f32 v19, v19;
	v19 =	vld [tilespmem:s15+$0x4000]  }
0x96: {  	v25 =	vsub.f32 v28, v25;
	v27 =	vsub.s32 $0x5F3759DF, v27;
	v1 =	vadd.f32 v9, v1;
	v28 =	vld [tilespmem:s15+$0x0]  }
0x97: {  	v31 =	vld [tilespmem:s30+$0x100];
	v18 =	vmax.f32 v6, $9.999999960e-13;
	v6 =	vadd.f32 v23, v21;
	v9 =	vmul.f32 v23, v21  }
0x98: {  	v32 =	vmul.f32 v8, v8;
	v8 =	vsub.f32 v20, v16;
	v21 =	vshrl.u32 v18, $0x1;
	v23 =	vld [tilespmem:s16+$0x0]  }
0x99: {  	v20 =	vsub.s32 $0x5F3759DF, v21;
	v21 =	vmul.f32 $5.000000000e-01, v18;
	v9 =	vmax.f32 v9, $9.999999960e-13;
	v33 =	vld [tilespmem:s7+$0x4000]  }
0x9a: {  	v36 =	vmul.f32 v8, v8;
	v34 =	vmul.f32 v27, v29;
	v16 =	vshrl.u32 v9, $0x1;
	v35 =	vld [tilespmem:s30+$0x1100]  }
0x9b: {  	v38 =	vmul.f32 $5.000000000e-01, v9;
	v37 =	vsub.s32 $0x5F3759DF, v16;
	v16 =	vmul.f32 v25, v25;
	v25 =	vld [tilespmem:s30+$0x6300]  }
0x9c: {  	v8 =	vmul.f32 v17, v17;
	v19 =	vsub.f32 v28, v19;
	v39 =	vmul.f32 v12, v31;
	v17 =	vld [tilespmem:s30+$0x3000]  }
0x9d: {  	v34 =	vmul.f32 v27, v34;
	v28 =	vmul.f32 v37, v38;
	v40 =	vld [tilespmem:s30+$0x7000];
	v41 =	vadd.f32 v16, v10  }
0x9e: {  	v13 =	vsub.f32 v23, v13;
	v10 =	vmax.f32 v39, $9.999999960e-13;
	v39 =	vmul.f32 v24, v24;
	v23 =	vld [tilespmem:s30+$0x3080]  }
0x9f: {  	v16 =	vmul.f32 v20, v21;
	v42 =	vld [tilespmem:s30+$0x0];
	v24 =	vshrl.u32 v10, $0x1;
	v14 =	vsub.f32 v35, v14  }
0xa0: {  	v28 =	vmul.f32 v37, v28;
	v13 =	vmul.f32 v13, v13;
	v22 =	vsub.f32 v22, v25;
	v25 =	vld [tilespmem:s30+$0x7080]  }
0xa1: {  	v43 =	vmul.f32 v20, v16;
	v35 =	vld [tilespmem:s30+$0x4000];
	v44 =	vmul.f32 v14, v14;
	v14 =	vsub.f32 v30, v26  }
0xa2: {  	v16 =	vmul.f32 $5.000000000e-01, v10;
	v11 =	vadd.f32 v13, v11;
	v26 =	vld [tilespmem:s30+$0x80];
	v17 =	vsub.f32 v17, v40  }
0xa3: {  	v40 =	vsub.s32 $0x5F3759DF, v24;
	v22 =	vmul.f32 v22, v22;
	v13 =	vld [tilespmem:s30+$0x4080];
	v14 =	vmul.f32 v14, v14  }
0xa4: {  	v15 =	vsub.f32 v15, v33;
	v24 =	vsub.f32 $1.500000000e+00, v43;
	v30 =	vld [tilespmem:s30+$0x280];
	v17 =	vmul.f32 v17, v17  }
0xa5: {  	v28 =	vsub.f32 $1.500000000e+00, v28;
	v43 =	vmul.f32 v40, v16;
	v33 =	vld [tilespmem:s30+$0x4280];
	v23 =	vsub.f32 v23, v25  }
0xa6: {  	v46 =	vmul.f32 v20, v24;
	v20 =	vsub.f32 $1.500000000e+00, v34;
	v34 =	vadd.f32 v14, v22;
	v45 =	vld [tilespmem:s30+$0x300]  }
0xa7: {  	v14 =	vmul.f32 v37, v28;
	v37 =	vadd.f32 v41, v11;
	v47 =	vld [tilespmem:s30+$0x4300];
	v22 =	vmul.f32 v23, v23  }
0xa8: {  	v11 =	vmul.f32 v46, v21;
	v24 =	vsub.f32 v26, v13;
	v13 =	vmul.f32 v40, v43;
	v21 =	vld [tilespmem:s30+$0x3100]  }
0xa9: {  	v15 =	vmul.f32 v15, v15;
	v23 =	vsub.f32 v42, v35;
	v25 =	vld [tilespmem:s30+$0x7100];
	v17 =	vadd.f32 v22, v17  }
0xaa: {  	v20 =	vmul.f32 v27, v20;
	v26 =	vmul.f32 v11, v46;
	v22 =	vsub.f32 v30, v33;
	v28 =	vld [tilespmem:s0+$0x3000]  }
0xab: {  	v15 =	vadd.f32 v15, v44;
	v30 =	vmul.f32 v19, v19;
	v19 =	vadd.f32 v32, v39;
	v33 =	vld [tilespmem:s0+$0x7000]  }
0xac: {  	v35 =	vmul.f32 v14, v38;
	v11 =	vadd.f32 v17, v34;
	v32 =	vsub.f32 v45, v47;
	v27 =	vld [tilespmem:s30+$0x3200]  }
.Ltmp2:
0xad: {  	v26 =	vsub.f32 $1.500000000e+00, v26;
	v34 =	vmul.f32 v20, v29;
	v38 =	vadd.f32 v19, v15;
	v29 =	vld [tilespmem:s30+$0x7200];
	(pc) =	sbr.rel @p1 .LBB2_3-.Ltmp2, $4  }
0xae: {  	v35 =	vmul.f32 v35, v14;
	v39 =	vsub.f32 $1.500000000e+00, v13;
	v13 =	vadd.f32 v30, v36;
	v19 =	vld [tilespmem:s30+$0x3280]  }
0xaf: {  	v17 =	vadd.f32 v12, v31;
	v12 =	vmul.f32 v26, v46;
	v34 =	vmul.f32 v34, v20;
	v26 =	vld [tilespmem:s30+$0x7280]  }
0xb0: {  	v30 =	vsub.f32 $1.500000000e+00, v35;
	v32 =	vmul.f32 v32, v32;
	v15 =	vld [tilespmem:s30+$0x4200];
	v28 =	vsub.f32 v28, v33  }
0xb1: {  	s31 =	sadd.s32 $0x80, s31;
	s7 =	smov.u32 s2;
	v31 =	vmul.f32 v40, v39;
	v33 =	vmul.f32 v12, v18;
	v12 =	vadd.f32 v37, v38;
	v18 =	vld [tilespmem:s30+$0x200]  }
0xb2: {  	p1 =	sgt.u32 s28, $0x83  }
0xb3: {  	s0 =	sadd.s32 @!p1 $0x100000, s29  }
0xb4: {  	s2 =	sand.u32 @!p1 $0x7F0000, s0  }
0xb5: {  	s8 =	simm.s32 @!p1 $0x1000;
	s0 =	sor.u32 @!p1 s6, s0;
	s2 =	sor.u32 @!p1 s6, s2  }
0xb6: {  	s15 =	simm.s32 @!p1 $0x4000;
	s0 =	sshrl.u32 @!p1 s0, $0x3;
	s2 =	sshrl.u32 @!p1 s2, $0x3  }
0xb7: {  	v35 =	vld [tilespmem:s30+$0x1080];
	s16 =	simm.s32 @!p1 $0x0;
	s0 =	sor.u32 @!p1 $0x1800, s0;
	s7 =	sadd.s32 @!p1 s1, s2  }
0xb8: {  	v36 =	vld [tilespmem:s30+$0x2200];
	[tilespmem:s16], [sflag:$0x1] =	stream.strided.gather @!p1 [hbm4b:s7+s8], $0x3000, s15, s8, $0x38  }
0xb9: {  	s23 =	simm.s32 @!p1 $0x3000;
	s7 =	sadd.s32 @!p1 s1, s0  }
0xba: {  	[tilespmem:s23], [sflag:$0x1] =	stream.linear.gather @!p1 [hbm4b:s7+s16], $0x1000, $0x38;
	[tilespmem:$0x10080] =	vst v63  }
0xbb: {  	s2 =	sadd.s32 @!p1 s3, s2  }
0xbc: {  	[tilespmem:s15], [sflag:$0x1] =	stream.strided.gather @!p1 [hbm4b:s2+s8], $0x3000, s15, s8, $0x38;
	[tilespmem:$0x10080] =	vst v63  }
0xbd: {  	s0 =	sadd.s32 @!p1 s3, s0;
	s2 =	simm.s32 @!p1 $0x7000  }
0xbe: {  	[tilespmem:s2], [sflag:$0x1] =	stream.linear.gather @!p1 [hbm4b:s0+s16], $0x1000, $0x38;
	[tilespmem:$0x10080] =	vst v63  }
0xbf: {  	_ =	swait.ge [sflag:s22], $0x3000  }
0xc0: {  	[sflag:s22] =	ssyncset.done $0x0  }
0xc1: {  	[sflag:s22] =	ssyncadd.s32 $0xFFFFD000  }
0xc2: {  	_ =	swait.ge [sflag:s22], $0x1000  }
0xc3: {  	[sflag:s22] =	ssyncset.done $0x0  }
0xc4: {  	[sflag:s22] =	ssyncadd.s32 $0xFFFFF000  }
0xc5: {  	v16 =	vmul.f32 v31, v16;
	_ =	swait.ge [sflag:s22], $0x3000  }
0xc6: {  	[sflag:s22] =	ssyncset.done $0x0  }
0xc7: {  	v24 =	vmul.f32 v24, v24;
	v16 =	vmul.f32 v16, v31;
	[sflag:s22] =	ssyncadd.s32 $0xFFFFD000  }
0xc8: {  	v34 =	vsub.f32 $1.500000000e+00, v34;
	v23 =	vmul.f32 v23, v23;
	v21 =	vsub.f32 v21, v25;
	s23 =	simm.s32 $0x0;
	_ =	swait.ge [sflag:s22], $0x1000  }
0xc9: {  	v22 =	vmul.f32 v22, v22;
	v27 =	vsub.f32 v27, v29;
	v16 =	vsub.f32 $1.500000000e+00, v16;
	s30 =	sand.u32 $0x70, s23;
	s31 =	sand.u32 $0xC00, s23;
	[sflag:s22] =	ssyncset.done $0x0  }
0xca: {  	v14 =	vmul.f32 v30, v14;
	v25 =	vadd.f32 v33, v33;
	v20 =	vmul.f32 v34, v20;
	s28 =	sor.u32 s30, s31;
	[sflag:s22] =	ssyncadd.s32 $0xFFFFF000  }
0xcb: {  	v23 =	vadd.f32 v24, v23;
	v22 =	vadd.f32 v32, v22;
	v16 =	vmul.f32 v16, v31;
	v24 =	vld [tilespmem:s28+$0xE100]  }
0xcc: {  	v19 =	vsub.f32 v19, v26;
	v9 =	vmul.f32 v14, v9;
	v20 =	vmul.f32 v20, v2;
	v2 =	vld [tilespmem:s28+$0xD080]  }
0xcd: {  	v7 =	vsub.f32 v7, v25;
	v4 =	vsub.f32 v36, v4;
	v10 =	vmul.f32 v16, v10;
	v16 =	vld [tilespmem:s28+$0xA100]  }
0xce: {  	v21 =	vmul.f32 v21, v21;
	v9 =	vadd.f32 v9, v9;
	v20 =	vadd.f32 v20, v20;
	v14 =	vld [tilespmem:s28+$0xE080]  }
0xcf: {  	v22 =	vadd.f32 v22, v23;
	v4 =	vmul.f32 v4, v4;
	v10 =	vadd.f32 v10, v10;
	v23 =	vld [tilespmem:s28+$0xA080]  }
0xd0: {  	v26 =	vmul.f32 v28, v28;
	v6 =	vsub.f32 v6, v9;
	v5 =	vsub.f32 v5, v20;
	v25 =	vld [tilespmem:s28+$0xE000]  }
0xd1: {  	v9 =	vmul.f32 v19, v19;
	v4 =	vadd.f32 v8, v4;
	v10 =	vsub.f32 v17, v10;
	v17 =	vld [tilespmem:s28+$0xA000]  }
0xd2: {  	v20 =	vmul.f32 v27, v27;
	v8 =	vadd.f32 v26, v21;
	v5 =	vadd.f32 v5, v6;
	v27 =	vld [tilespmem:s28+$0xD100]  }
0xd3: {  	v4 =	vadd.f32 v4, v13;
	v7 =	vadd.f32 v7, v10;
	v10 =	vld [tilespmem:s28+$0xD300]  }
0xd4: {  	s8 =	sand.u32 $0xFFFFFC00, s23;
	v9 =	vadd.f32 v9, v20;
	v13 =	vsub.f32 v18, v15;
	v6 =	vld [tilespmem:s28+$0x9300]  }
0xd5: {  	s15 =	sadd.s32 $0x0, s8;
	v4 =	vadd.f32 v11, v4;
	v5 =	vadd.f32 v5, v7;
	v18 =	vld [tilespmem:s28+$0xE280]  }
0xd6: {  	v3 =	vsub.f32 v35, v3;
	s2 =	sor.u32 $0x1180, s15;
	v8 =	vadd.f32 v9, v8;
	v7 =	vld [tilespmem:s28+$0xA280]  }
0xd7: {  	v4 =	vadd.f32 v4, v12;
	v5 =	vadd.f32 v5, v22;
	v19 =	vld [tilespmem:s2+$0x8000]  }
0xd8: {  	v11 =	vmul.f32 v3, v3;
	v9 =	vmul.f32 v13, v13;
	v3 =	vld [tilespmem:s28+$0xE200]  }
0xd9: {  	v4 =	vadd.f32 v8, v4;
	v5 =	vmul.f32 $5.000000000e+00, v5;
	v8 =	vld [tilespmem:s28+$0xD280]  }
0xda: {  	v9 =	vadd.f32 v11, v9;
	v11 =	vld [tilespmem:s28+$0x9280]  }
0xdb: {  	v4 =	vadd.f32 v4, v5;
	v5 =	vld [tilespmem:s28+$0xD200]  }
0xdc: {  	v13 =	vld [tilespmem:s28+$0x9200]  }
0xdd: {  	vm0 =	veq.f32 v15, $1.000000000e+00;
	v9 =	vmul.f32 $5.000000000e-01, v9;
	v15 =	vld [tilespmem:s28+$0xD000]  }
0xde: {  	v21 =	vld [tilespmem:s28+$0x9000]  }
0xdf: {  	v4 =	vadd.f32 v4, v9;
	v28 =	vld [tilespmem:s28+$0xC100]  }
0xe0: {  	v20 =	vsel vm0, $0x3F800000, v0;
	s16 =	sor.u32 s23, s23;
	v31 =	vld [tilespmem:s28+$0x8100]  }
0xe1: {  	s23 =	sor.u32 $0x1380, s16;
	v50 =	vld [tilespmem:s28+$0x9100];
	v4 =	vmul.f32 v4, v20  }
0xe2: {  	s30 =	sor.u32 $0x180, s15;
	v12 =	vld [tilespmem:s23+$0xC000]  }
0xe3: {  	s31 =	sor.u32 $0x380, s16;
	v22 =	vld [tilespmem:s30+$0x8000];
	v4 =	vadd.f32 v4, v9;
	v18 =	vsub.f32 v7, v18  }
0xe4: {  	v26 =	vld [tilespmem:s31+$0xC000];
	v13 =	vsub.f32 v13, v5;
	v5 =	vsub.f32 v6, v10  }
0xe5: {  	v9 =	vld [tilespmem:s30+$0xC000];
	v7 =	vmul.f32 v15, v21;
	v8 =	vsub.f32 v11, v8;
	v14 =	vsub.f32 v23, v14  }
0xe6: {  	s8 =	sor.u32 $0x2380, s16;
	v10 =	vld [tilespmem:s31+$0x8000];
	v39 =	vmul.f32 v28, v31;
	v27 =	vsub.f32 v50, v27;
	v1 =	vadd.f32 v4, v1  }
0xe7: {  	v11 =	vld [tilespmem:s8+$0xC000];
	v4 =	vadd.f32 v15, v21;
	v7 =	vmax.f32 v7, $9.999999960e-13;
	v21 =	vmul.f32 v5, v5  }
0xe8: {  	v5 =	vsub.f32 v17, v25;
	v17 =	vld [tilespmem:s8+$0x8000];
	v23 =	vmul.f32 v8, v8;
	v8 =	vsub.f32 v16, v24  }
0xe9: {  	s7 =	sor.u32 $0x2180, s15;
	v24 =	vld [tilespmem:s2+$0xC000];
	v13 =	vmul.f32 v13, v13;
	v27 =	vmul.f32 v27, v27;
	v15 =	vshrl.u32 v7, $0x1  }
0xea: {  	v29 =	vmul.f32 $5.000000000e-01, v7;
	v6 =	vadd.f32 v9, v22;
	v9 =	vmul.f32 v9, v22;
	v22 =	vld [tilespmem:s7+$0xC000]  }
0xeb: {  	v25 =	vmul.f32 v5, v5;
	v30 =	vsub.s32 $0x5F3759DF, v15;
	v15 =	vld [tilespmem:s7+$0x8000];
	v51 =	vmul.f32 v8, v8  }
0xec: {  	v52 =	vld [tilespmem:s28+$0xF000];
	v8 =	vmul.f32 v18, v18;
	v13 =	vadd.f32 v23, v13;
	v5 =	vadd.f32 v26, v10  }
0xed: {  	v18 =	vld [tilespmem:s28+$0xB000];
	v49 =	vmul.f32 v30, v29;
	v34 =	vmax.f32 v9, $9.999999960e-13;
	v9 =	vmul.f32 v26, v10  }
0xee: {  	v26 =	vld [tilespmem:s23+$0x8000];
	v10 =	vshrl.u32 v34, $0x1;
	v48 =	vmul.f32 $5.000000000e-01, v34;
	v11 =	vsub.f32 v17, v11  }
0xef: {  	v53 =	vld [tilespmem:s28+$0x8000];
	v19 =	vsub.f32 v19, v24;
	v16 =	vsub.s32 $0x5F3759DF, v10;
	v9 =	vmax.f32 v9, $9.999999960e-13  }
0xf0: {  	v20 =	vld [tilespmem:s28+$0xA300];
	v10 =	vshrl.u32 v9, $0x1;
	v38 =	vmul.f32 $5.000000000e-01, v9;
	v40 =	vsub.f32 v15, v22  }
0xf1: {  	v22 =	vmul.f32 v30, v49;
	v37 =	vsub.s32 $0x5F3759DF, v10;
	v10 =	vmul.f32 v14, v14;
	v14 =	vld [tilespmem:s28+$0xE300]  }
0xf2: {  	v43 =	vld [tilespmem:s28+$0xC000];
	v42 =	vmul.f32 v16, v48;
	v18 =	vsub.f32 v18, v52;
	v11 =	vmul.f32 v11, v11  }
0xf3: {  	v55 =	vld [tilespmem:s28+$0xC080];
	v19 =	vmul.f32 v19, v19;
	v15 =	vmul.f32 v37, v38;
	v12 =	vsub.f32 v26, v12  }
0xf4: {  	v17 =	vld [tilespmem:s28+$0x8080];
	v42 =	vmul.f32 v16, v42;
	v25 =	vadd.f32 v10, v25;
	v10 =	vmax.f32 v39, $9.999999960e-13  }
0xf5: {  	v26 =	vld [tilespmem:s28+$0xB080];
	v18 =	vmul.f32 v18, v18;
	v19 =	vadd.f32 v19, v27;
	v41 =	vshrl.u32 v10, $0x1  }
0xf6: {  	v54 =	vmul.f32 v37, v15;
	v12 =	vmul.f32 v12, v12;
	v14 =	vsub.f32 v20, v14;
	v20 =	vld [tilespmem:s28+$0xF080]  }
0xf7: {  	v44 =	vld [tilespmem:s28+$0xC280];
	v15 =	vmul.f32 $5.000000000e-01, v10;
	v42 =	vsub.f32 $1.500000000e+00, v42;
	v41 =	vsub.s32 $0x5F3759DF, v41  }
0xf8: {  	v21 =	vadd.f32 v12, v21;
	v24 =	vsub.f32 $1.500000000e+00, v54;
	v12 =	vmul.f32 v14, v14;
	v14 =	vld [tilespmem:s28+$0x8280]  }
0xf9: {  	v57 =	vld [tilespmem:s28+$0xC300];
	v62 =	vadd.f32 v13, v19;
	v45 =	vmul.f32 v41, v15;
	v56 =	vmul.f32 v16, v42  }
0xfa: {  	v60 =	vld [tilespmem:s30+$0xB000];
	v16 =	vsub.f32 $1.500000000e+00, v22;
	v11 =	vadd.f32 v11, v12;
	v12 =	vmul.f32 v37, v24  }
0xfb: {  	v61 =	vld [tilespmem:s30+$0xF000];
	v24 =	vsub.f32 v17, v55;
	v17 =	vmul.f32 v56, v48;
	v20 =	vsub.f32 v26, v20  }
0xfc: {  	v46 =	vadd.f32 v25, v21;
	v59 =	vmul.f32 v41, v45;
	v26 =	vld [tilespmem:s28+$0x8300];
	v23 =	vmul.f32 v12, v38  }
0xfd: {  	v27 =	vld [tilespmem:s28+$0xF280];
	v58 =	vmul.f32 v20, v20;
	v21 =	vsub.f32 v14, v44;
	v14 =	vmul.f32 v17, v56  }
0xfe: {  	v22 =	vsub.f32 v53, v43;
	v25 =	vld [tilespmem:s28+$0xF100];
	v17 =	vmul.f32 v30, v16;
	v16 =	vmul.f32 v40, v40  }
0xff: {  	v19 =	vsub.f32 $1.500000000e+00, v59;
	v20 =	vld [tilespmem:s28+$0xB100];
	v18 =	vadd.f32 v58, v18  }
0x100: {  	v63 =	vmul.f32 v23, v12;
	v23 =	vld [tilespmem:s28+$0xB280];
	v14 =	vsub.f32 $1.500000000e+00, v14;
	v13 =	vadd.f32 v16, v51  }
0x101: {  	v16 =	vadd.f32 v28, v31;
	v31 =	vmul.f32 v41, v19;
	v19 =	vld [tilespmem:s28+$0x8200];
	v30 =	vsub.f32 v26, v57  }
0x102: {  	v26 =	vld [tilespmem:s28+$0xB200];
	v11 =	vadd.f32 v18, v11;
	v18 =	vmul.f32 v17, v29;
	v14 =	vmul.f32 v14, v56  }
0x103: {  	v28 =	vsub.f32 v60, v61;
	v29 =	vld [tilespmem:s28+$0xF200];
	v32 =	vmul.f32 v30, v30;
	v30 =	vsub.f32 $1.500000000e+00, v63  }
0x104: {  	s29 =	simm.s32 $0x80;
	s7 =	simm.s32 $0x10;
	v33 =	vmul.f32 v18, v17;
	v18 =	vld [tilespmem:s28+$0xC200];
	v34 =	vmul.f32 v14, v34;
	v14 =	vadd.f32 v46, v62  }
.LBB2_5:
0x105: {  	s0 =	sand.u32 $0xFFFFFC00, s29  }
0x106: {  	s8 =	sand.u32 $0x70, s7;
	s16 =	sand.u32 $0xC00, s29;
	v24 =	vmul.f32 v24, v24;
	v33 =	vsub.f32 $1.500000000e+00, v33;
	v35 =	vld [tilespmem:s28+$0x9080];
	v20 =	vsub.f32 v20, v25;
	s23 =	smov.u32 s7  }
0x107: {  	s2 =	sadd.s32 $0x10, s7;
	v22 =	vmul.f32 v22, v22;
	s15 =	sadd.s32 s0, s23;
	v25 =	vmul.f32 v31, v15;
	v34 =	vadd.f32 v34, v34;
	v36 =	vld [tilespmem:s28+$0xA200];
	s28 =	sor.u32 s8, s16  }
0x108: {  	p1 =	sne.s32 s7, $0x1F0;
	v21 =	vmul.f32 v21, v21;
	v26 =	vsub.f32 v26, v29;
	s0 =	sor.u32 $0x180, s15;
	v15 =	vld [tilespmem:s28+$0xE100];
	v33 =	vmul.f32 v33, v17  }
0x109: {  	v22 =	vadd.f32 v24, v22;
	v29 =	vld [tilespmem:s28+$0xD080];
	vm0 =	veq.f32 v18, $1.000000000e+00;
	v24 =	vmul.f32 v25, v31  }
0x10a: {  	s8 =	sor.u32 s23, s29;
	v21 =	vadd.f32 v32, v21;
	v20 =	vmul.f32 v20, v20;
	v17 =	vld [tilespmem:s28+$0xA100];
	v7 =	vmul.f32 v33, v7  }
0x10b: {  	s23 =	sor.u32 $0x380, s8;
	v33 =	vmul.f32 v28, v28;
	v25 =	vld [tilespmem:s28+$0xE080];
	v24 =	vsub.f32 $1.500000000e+00, v24;
	v32 =	vsub.f32 v35, v2  }
0x10c: {  	v21 =	vadd.f32 v21, v22;
	v22 =	vmul.f32 v30, v12;
	v12 =	vsub.f32 v23, v27;
	v28 =	vld [tilespmem:s28+$0xA080]  }
0x10d: {  	v26 =	vmul.f32 v26, v26;
	v20 =	vadd.f32 v33, v20;
	v23 =	vld [tilespmem:s28+$0xE000];
	v24 =	vmul.f32 v24, v31  }
0x10e: {  	v18 =	vsub.f32 v19, v18;
	v7 =	vadd.f32 v7, v7;
	v19 =	vmul.f32 v12, v12;
	v27 =	vld [tilespmem:s28+$0xA000];
	v2 =	vmovc v29  }
0x10f: {  	s16 =	sor.u32 $0x1380, s8;
	v9 =	vmul.f32 v22, v9;
	v3 =	vsub.f32 v36, v3;
	v12 =	vld [tilespmem:s28+$0xD100];
	v10 =	vmul.f32 v24, v10  }
0x110: {  	v6 =	vsub.f32 v6, v34;
	v19 =	vadd.f32 v19, v26;
	v24 =	vmul.f32 v32, v32;
	v22 =	vld [tilespmem:s28+$0xD300]  }
0x111: {  	v18 =	vmul.f32 v18, v18;
	v3 =	vmul.f32 v3, v3;
	v26 =	vld [tilespmem:s28+$0x9300];
	v10 =	vadd.f32 v10, v10  }
0x112: {  	v9 =	vadd.f32 v9, v9;
	v4 =	vsub.f32 v4, v7;
	v29 =	vld [tilespmem:s28+$0xE280]  }
0x113: {  	s7 =	sor.u32 $0x1180, s15;
	v8 =	vadd.f32 v8, v3;
	v7 =	vld [tilespmem:s28+$0xA280];
	v10 =	vsub.f32 v16, v10  }
0x114: {  	v5 =	vsub.f32 v5, v9;
	v9 =	vadd.f32 v24, v18;
	v16 =	vld [tilespmem:s7+$0x8000]  }
0x115: {  	v8 =	vadd.f32 v8, v13;
	v3 =	vld [tilespmem:s28+$0xE200];
	v6 =	vadd.f32 v6, v10  }
0x116: {  	v4 =	vadd.f32 v4, v5;
	v5 =	vadd.f32 v19, v20;
	v13 =	vld [tilespmem:s16+$0xC000]  }
0x117: {  	v8 =	vadd.f32 v11, v8;
	v10 =	vld [tilespmem:s28+$0xD280]  }
0x118: {  	v4 =	vadd.f32 v4, v6;
	v11 =	vld [tilespmem:s28+$0x9280];
	v18 =	vsub.f32 v7, v29  }
0x119: {  	v7 =	vadd.f32 v8, v14;
	v6 =	vld [tilespmem:s28+$0xD200]  }
0x11a: {  	v19 =	vsel vm0, $0x3F800000, v0;
	v4 =	vadd.f32 v4, v21;
	v8 =	vld [tilespmem:s28+$0x9200]  }
0x11b: {  	v5 =	vadd.f32 v5, v7;
	v20 =	vld [tilespmem:s28+$0xD000]  }
0x11c: {  	v4 =	vmul.f32 $5.000000000e+00, v4;
	v7 =	vld [tilespmem:s28+$0x9000]  }
0x11d: {  	s8 =	sor.u32 $0x2380, s8;
	v9 =	vmul.f32 $5.000000000e-01, v9;
	v14 =	vld [tilespmem:s28+$0xC100]  }
0x11e: {  	v4 =	vadd.f32 v5, v4;
	v21 =	vld [tilespmem:s28+$0xA300]  }
0x11f: {  	v5 =	vld [tilespmem:s0+$0xC000];
	v24 =	vsub.f32 v8, v6;
	v8 =	vsub.f32 v11, v10  }
0x120: {  	v6 =	vsub.f32 v26, v22;
	v11 =	vadd.f32 v4, v9;
	v10 =	vld [tilespmem:s0+$0x8000]  }
0x121: {  	v22 =	vld [tilespmem:s23+$0xC000];
	v4 =	vadd.f32 v20, v7;
	v7 =	vmul.f32 v20, v7  }
0x122: {  	v23 =	vsub.f32 v27, v23;
	v26 =	vmul.f32 v6, v6;
	v6 =	vmul.f32 v11, v19;
	v20 =	vld [tilespmem:s23+$0x8000]  }
0x123: {  	s15 =	sor.u32 $0x2180, s15;
	v7 =	vmax.f32 v7, $9.999999960e-13;
	v11 =	vld [tilespmem:s8+$0xC000]  }
0x124: {  	v9 =	vadd.f32 v6, v9;
	v19 =	vshrl.u32 v7, $0x1;
	v27 =	vmul.f32 $5.000000000e-01, v7;
	v29 =	vld [tilespmem:s8+$0x8000]  }
0x125: {  	v6 =	vadd.f32 v5, v10;
	v5 =	vmul.f32 v5, v10;
	v10 =	vmul.f32 v23, v23;
	v23 =	vld [tilespmem:s15+$0xC000]  }
0x126: {  	v25 =	vsub.f32 v28, v25;
	v30 =	vsub.s32 $0x5F3759DF, v19;
	v1 =	vadd.f32 v9, v1;
	v28 =	vld [tilespmem:s15+$0x8000]  }
0x127: {  	v31 =	vld [tilespmem:s28+$0x8100];
	v19 =	vmax.f32 v5, $9.999999960e-13;
	v5 =	vadd.f32 v22, v20;
	v9 =	vmul.f32 v22, v20  }
0x128: {  	v32 =	vmul.f32 v8, v8;
	v8 =	vsub.f32 v17, v15;
	v20 =	vshrl.u32 v19, $0x1;
	v22 =	vld [tilespmem:s16+$0x8000]  }
0x129: {  	v17 =	vsub.s32 $0x5F3759DF, v20;
	v20 =	vmul.f32 $5.000000000e-01, v19;
	v9 =	vmax.f32 v9, $9.999999960e-13;
	v33 =	vld [tilespmem:s7+$0xC000]  }
0x12a: {  	v36 =	vmul.f32 v8, v8;
	v34 =	vmul.f32 v30, v27;
	v15 =	vshrl.u32 v9, $0x1;
	v35 =	vld [tilespmem:s28+$0x9100]  }
0x12b: {  	v38 =	vmul.f32 $5.000000000e-01, v9;
	v37 =	vsub.s32 $0x5F3759DF, v15;
	v15 =	vmul.f32 v25, v25;
	v25 =	vld [tilespmem:s28+$0xE300]  }
0x12c: {  	v8 =	vmul.f32 v18, v18;
	v23 =	vsub.f32 v28, v23;
	v39 =	vmul.f32 v14, v31;
	v18 =	vld [tilespmem:s28+$0xB000]  }
0x12d: {  	v34 =	vmul.f32 v30, v34;
	v28 =	vmul.f32 v37, v38;
	v40 =	vld [tilespmem:s28+$0xF000];
	v41 =	vadd.f32 v15, v10  }
0x12e: {  	v13 =	vsub.f32 v22, v13;
	v10 =	vmax.f32 v39, $9.999999960e-13;
	v39 =	vmul.f32 v24, v24;
	v22 =	vld [tilespmem:s28+$0xB080]  }
0x12f: {  	v15 =	vmul.f32 v17, v20;
	v42 =	vld [tilespmem:s28+$0x8000];
	v24 =	vshrl.u32 v10, $0x1;
	v12 =	vsub.f32 v35, v12  }
0x130: {  	v28 =	vmul.f32 v37, v28;
	v13 =	vmul.f32 v13, v13;
	v21 =	vsub.f32 v21, v25;
	v25 =	vld [tilespmem:s28+$0xF080]  }
0x131: {  	v11 =	vsub.f32 v29, v11;
	v43 =	vmul.f32 v17, v15;
	v35 =	vld [tilespmem:s28+$0xC000];
	v44 =	vmul.f32 v12, v12  }
0x132: {  	v15 =	vmul.f32 $5.000000000e-01, v10;
	v13 =	vadd.f32 v13, v26;
	v29 =	vld [tilespmem:s28+$0x8080];
	v12 =	vsub.f32 v18, v40  }
0x133: {  	v11 =	vmul.f32 v11, v11;
	v40 =	vsub.s32 $0x5F3759DF, v24;
	v21 =	vmul.f32 v21, v21;
	v18 =	vld [tilespmem:s28+$0xC080]  }
0x134: {  	v16 =	vsub.f32 v16, v33;
	v24 =	vsub.f32 $1.500000000e+00, v43;
	v26 =	vld [tilespmem:s28+$0x8280];
	v33 =	vmul.f32 v12, v12  }
0x135: {  	v45 =	vmul.f32 v40, v15;
	v12 =	vsub.f32 $1.500000000e+00, v28;
	v43 =	vld [tilespmem:s28+$0xC280];
	v22 =	vsub.f32 v22, v25  }
0x136: {  	v46 =	vmul.f32 v17, v24;
	v17 =	vsub.f32 $1.500000000e+00, v34;
	v11 =	vadd.f32 v11, v21;
	v28 =	vld [tilespmem:s28+$0x8300]  }
0x137: {  	v12 =	vmul.f32 v37, v12;
	v37 =	vadd.f32 v41, v13;
	v34 =	vld [tilespmem:s28+$0xC300];
	v21 =	vmul.f32 v22, v22  }
0x138: {  	v13 =	vmul.f32 v40, v45;
	v24 =	vsub.f32 v29, v18;
	v18 =	vmul.f32 v46, v20;
	v20 =	vld [tilespmem:s28+$0xB100]  }
0x139: {  	v16 =	vmul.f32 v16, v16;
	v22 =	vsub.f32 v42, v35;
	v25 =	vld [tilespmem:s28+$0xF100];
	v29 =	vadd.f32 v21, v33  }
0x13a: {  	v17 =	vmul.f32 v30, v17;
	v21 =	vsub.f32 v26, v43;
	v18 =	vmul.f32 v18, v46;
	v35 =	vld [tilespmem:s0+$0xB000]  }
0x13b: {  	v16 =	vadd.f32 v16, v44;
	v30 =	vmul.f32 v23, v23;
	v23 =	vadd.f32 v32, v39;
	v41 =	vld [tilespmem:s0+$0xF000]  }
0x13c: {  	v32 =	vmul.f32 v12, v38;
	v11 =	vadd.f32 v29, v11;
	v28 =	vsub.f32 v28, v34;
	v26 =	vld [tilespmem:s28+$0xB200]  }
.Ltmp3:
0x13d: {  	v27 =	vmul.f32 v17, v27;
	v38 =	vadd.f32 v23, v16;
	v18 =	vsub.f32 $1.500000000e+00, v18;
	v29 =	vld [tilespmem:s28+$0xF200];
	(pc) =	sbr.rel @p1 .LBB2_5-.Ltmp3, $4  }
0x13e: {  	v39 =	vmul.f32 v32, v12;
	v34 =	vsub.f32 $1.500000000e+00, v13;
	v13 =	vadd.f32 v30, v36;
	v23 =	vld [tilespmem:s28+$0xB280]  }
0x13f: {  	v16 =	vadd.f32 v14, v31;
	v33 =	vmul.f32 v27, v17;
	v14 =	vmul.f32 v18, v46;
	v27 =	vld [tilespmem:s28+$0xF280]  }
0x140: {  	v30 =	vsub.f32 $1.500000000e+00, v39;
	v32 =	vmul.f32 v28, v28;
	v18 =	vld [tilespmem:s28+$0xC200];
	v28 =	vsub.f32 v35, v41  }
0x141: {  	s29 =	sadd.s32 $0x80, s29;
	s7 =	smov.u32 s2;
	v31 =	vmul.f32 v40, v34;
	v34 =	vmul.f32 v14, v19;
	v14 =	vadd.f32 v37, v38;
	v19 =	vld [tilespmem:s28+$0x8200]  }
0x142: {  	_ = 	snop  }
0x143: {  	v15 =	vmul.f32 v31, v15  }
0x144: {  	v24 =	vmul.f32 v24, v24;
	v22 =	vmul.f32 v22, v22  }
0x145: {  	v33 =	vsub.f32 $1.500000000e+00, v33;
	v21 =	vmul.f32 v21, v21;
	v15 =	vmul.f32 v15, v31  }
0x146: {  	v36 =	vld [tilespmem:s28+$0xA200];
	v20 =	vsub.f32 v20, v25;
	v51 =	vsub.f32 v26, v29;
	v12 =	vmul.f32 v30, v12  }
0x147: {  	v55 =	vmul.f32 v28, v28;
	v50 =	vadd.f32 v34, v34;
	v15 =	vsub.f32 $1.500000000e+00, v15  }
0x148: {  	v17 =	vmul.f32 v33, v17;
	v22 =	vadd.f32 v24, v22;
	v21 =	vadd.f32 v32, v21  }
0x149: {  	v53 =	vsub.f32 v23, v27;
	v9 =	vmul.f32 v12, v9;
	v15 =	vmul.f32 v15, v31  }
0x14a: {  	v54 =	vmul.f32 v20, v20;
	v6 =	vsub.f32 v6, v50;
	v7 =	vmul.f32 v17, v7  }
0x14b: {  	v52 =	vadd.f32 v21, v22;
	v3 =	vsub.f32 v36, v3;
	v10 =	vmul.f32 v15, v10  }
0x14c: {  	v9 =	vadd.f32 v9, v9;
	v7 =	vadd.f32 v7, v7  }
0x14d: {  	v35 =	vld [tilespmem:s28+$0x9080];
	v58 =	vadd.f32 v55, v54;
	v3 =	vmul.f32 v3, v3;
	v10 =	vadd.f32 v10, v10  }
0x14e: {  	v5 =	vsub.f32 v5, v9;
	v4 =	vsub.f32 v4, v7  }
0x14f: {  	v57 =	vmul.f32 v51, v51;
	v3 =	vadd.f32 v8, v3;
	v56 =	vsub.f32 v16, v10  }
0x150: {  	v59 =	vmul.f32 v53, v53;
	v60 =	vsub.f32 v19, v18;
	v4 =	vadd.f32 v4, v5  }
0x151: {  	v3 =	vadd.f32 v3, v13;
	v6 =	vadd.f32 v6, v56  }
0x152: {  	v2 =	vsub.f32 v35, v2;
	v61 =	vadd.f32 v59, v57  }
0x153: {  	v3 =	vadd.f32 v11, v3;
	v4 =	vadd.f32 v4, v6  }
0x154: {  	v2 =	vmul.f32 v2, v2;
	v62 =	vadd.f32 v61, v58  }
0x155: {  	v5 =	vmul.f32 v60, v60;
	v3 =	vadd.f32 v3, v14;
	v4 =	vadd.f32 v4, v52;
	_ =	sdelay $0x1  }
0x156: {  	v2 =	vadd.f32 v2, v5;
	v3 =	vadd.f32 v62, v3;
	v4 =	vmul.f32 $5.000000000e+00, v4;
	_ =	sdelay $0x1  }
0x157: {  	v2 =	vmul.f32 $5.000000000e-01, v2;
	v3 =	vadd.f32 v3, v4;
	_ =	sdelay $0x1  }
0x158: {  	s26 =	sadd.s32 $0x1, s26;
	vm0 =	veq.f32 v18, $1.000000000e+00;
	v3 =	vadd.f32 v3, v2  }
0x159: {  	p1 =	sne.s32 s26, $0x3;
	v63 =	vsel vm0, $0x3F800000, v0  }
.Ltmp4:
0x15a: {  	v3 =	vmul.f32 v3, v63;
	(pc) =	sbr.rel @p1 .LBB2_2-.Ltmp4, $3  }
0x15b: {  	_ = 	snop  }
0x15c: {  	v2 =	vadd.f32 v3, v2;
	_ =	sdelay $0x1  }
0x15d: {  	v1 =	vadd.f32 v2, v1  }
.Ltmp5:
0x15e: {  	(pc) =	sbr.rel @p0 .LBB2_11-.Ltmp5, $1  }
0x15f: {  	_ =	sdelay $0x3  }
0x160: {  	_ =	swait.ge [sflag:s21], $0x3000  }
0x161: {  	[sflag:s21] =	ssyncset.done $0x0  }
0x162: {  	[sflag:s21] =	ssyncadd.s32 $0xFFFFD000  }
0x163: {  	_ =	swait.ge [sflag:s21], $0x1000  }
0x164: {  	[sflag:s21] =	ssyncset.done $0x0  }
0x165: {  	[sflag:s21] =	ssyncadd.s32 $0xFFFFF000  }
0x166: {  	_ =	swait.ge [sflag:s21], $0x3000  }
0x167: {  	[sflag:s21] =	ssyncset.done $0x0  }
0x168: {  	[sflag:s21] =	ssyncadd.s32 $0xFFFFD000  }
0x169: {  	s0 =	simm.s32 $0x0;
	_ =	swait.ge [sflag:s21], $0x1000  }
0x16a: {  	s2 =	sand.u32 $0x70, s0;
	s7 =	sand.u32 $0xC00, s0;
	[sflag:s21] =	ssyncset.done $0x0  }
0x16b: {  	s26 =	sor.u32 s2, s7;
	[sflag:s21] =	ssyncadd.s32 $0xFFFFF000  }
0x16c: {  	v8 =	vld [tilespmem:s26+$0x6100]  }
0x16d: {  	v9 =	vld [tilespmem:s26+$0x2100]  }
0x16e: {  	v5 =	vld [tilespmem:s26+$0x6080]  }
0x16f: {  	v10 =	vld [tilespmem:s26+$0x2080]  }
0x170: {  	v6 =	vld [tilespmem:s26+$0x6000]  }
0x171: {  	v11 =	vld [tilespmem:s26+$0x2000]  }
0x172: {  	v12 =	vld [tilespmem:s26+$0x5100]  }
0x173: {  	v4 =	vld [tilespmem:s26+$0x5300]  }
0x174: {  	s29 =	sand.u32 $0xFFFFFC00, s0;
	v7 =	vld [tilespmem:s26+$0x1300]  }
0x175: {  	s2 =	sadd.s32 $0x0, s29;
	v13 =	vld [tilespmem:s26+$0x6280]  }
0x176: {  	s8 =	sor.u32 s0, s0;
	s30 =	sor.u32 $0x1180, s2;
	v14 =	vld [tilespmem:s26+$0x2280]  }
0x177: {  	s15 =	sor.u32 $0x1380, s8;
	v16 =	vld [tilespmem:s30+$0x0]  }
0x178: {  	v15 =	vld [tilespmem:s15+$0x4000]  }
0x179: {  	v17 =	vld [tilespmem:s26+$0x5280]  }
0x17a: {  	v18 =	vld [tilespmem:s26+$0x1280]  }
0x17b: {  	v19 =	vld [tilespmem:s26+$0x5200]  }
0x17c: {  	v20 =	vld [tilespmem:s26+$0x1200]  }
0x17d: {  	v21 =	vld [tilespmem:s26+$0x5000]  }
0x17e: {  	v22 =	vld [tilespmem:s26+$0x1000]  }
0x17f: {  	v27 =	vld [tilespmem:s26+$0x4100]  }
0x180: {  	s31 =	sor.u32 $0x180, s2;
	v23 =	vld [tilespmem:s26+$0x2300]  }
0x181: {  	v24 =	vld [tilespmem:s31+$0x4000]  }
0x182: {  	v25 =	vld [tilespmem:s31+$0x0]  }
0x183: {  	v30 =	vld [tilespmem:s26+$0x100]  }
0x184: {  	v35 =	vld [tilespmem:s26+$0x1100]  }
0x185: {  	s16 =	sor.u32 $0x380, s8;
	v38 =	vld [tilespmem:s26+$0x6300];
	v13 =	vsub.f32 v14, v13;
	v19 =	vsub.f32 v20, v19  }
0x186: {  	v28 =	vld [tilespmem:s16+$0x0];
	v20 =	vsub.f32 v7, v4;
	v17 =	vsub.f32 v18, v17  }
0x187: {  	v48 =	vld [tilespmem:s26+$0x7000];
	v26 =	vmul.f32 v21, v22;
	v4 =	vadd.f32 v21, v22;
	v11 =	vsub.f32 v11, v6  }
0x188: {  	v49 =	vld [tilespmem:s26+$0x0];
	v6 =	vadd.f32 v24, v25;
	v24 =	vmul.f32 v24, v25;
	v10 =	vsub.f32 v10, v5  }
0x189: {  	v43 =	vld [tilespmem:s26+$0x4000];
	v8 =	vsub.f32 v9, v8;
	v39 =	vmul.f32 v27, v30;
	v12 =	vsub.f32 v35, v12  }
0x18a: {  	v56 =	vld [tilespmem:s26+$0x300];
	v23 =	vsub.f32 v23, v38;
	v20 =	vmul.f32 v20, v20;
	v11 =	vmul.f32 v11, v11  }
0x18b: {  	s8 =	sor.u32 $0x2380, s8;
	v14 =	vld [tilespmem:s16+$0x4000];
	v7 =	vmax.f32 v26, $9.999999960e-13;
	v36 =	vmul.f32 v8, v8;
	v10 =	vmul.f32 v10, v10  }
0x18c: {  	v18 =	vld [tilespmem:s8+$0x4000];
	v34 =	vmax.f32 v24, $9.999999960e-13;
	v8 =	vmul.f32 v13, v13;
	v19 =	vmul.f32 v19, v19  }
0x18d: {  	v22 =	vld [tilespmem:s8+$0x0];
	v44 =	vmul.f32 v12, v12;
	v23 =	vmul.f32 v23, v23;
	v21 =	vshrl.u32 v7, $0x1  }
0x18e: {  	v13 =	vld [tilespmem:s26+$0x3000];
	v29 =	vmul.f32 $5.000000000e-01, v7;
	v24 =	vshrl.u32 v34, $0x1;
	v31 =	vmul.f32 $5.000000000e-01, v34  }
0x18f: {  	s2 =	sor.u32 $0x2180, s2;
	v46 =	vld [tilespmem:s26+$0x4300];
	v26 =	vsub.s32 $0x5F3759DF, v21;
	v24 =	vsub.s32 $0x5F3759DF, v24;
	v11 =	vadd.f32 v10, v11  }
0x190: {  	v25 =	vld [tilespmem:s2+$0x4000];
	v10 =	vmax.f32 v39, $9.999999960e-13;
	v5 =	vadd.f32 v14, v28;
	v14 =	vmul.f32 v14, v28  }
0x191: {  	v21 =	vld [tilespmem:s2+$0x0];
	v28 =	vmul.f32 v17, v17;
	v41 =	vshrl.u32 v10, $0x1;
	v42 =	vmul.f32 v24, v31  }
0x192: {  	v17 =	vld [tilespmem:s15+$0x0];
	v33 =	vmul.f32 v26, v29;
	v12 =	vsub.f32 v22, v18;
	v52 =	vsub.s32 $0x5F3759DF, v41  }
0x193: {  	v18 =	vld [tilespmem:s26+$0x80];
	v9 =	vmax.f32 v14, $9.999999960e-13;
	v42 =	vmul.f32 v24, v42;
	v13 =	vsub.f32 v13, v48  }
0x194: {  	v22 =	vld [tilespmem:s26+$0x4080];
	v12 =	vmul.f32 v12, v12;
	v19 =	vadd.f32 v28, v19;
	v32 =	vshrl.u32 v9, $0x1  }
0x195: {  	v14 =	vld [tilespmem:s30+$0x4000];
	v28 =	vsub.f32 v56, v46;
	v37 =	vmul.f32 $5.000000000e-01, v9;
	v32 =	vsub.s32 $0x5F3759DF, v32  }
0x196: {  	v51 =	vld [tilespmem:s26+$0x7080];
	v40 =	vsub.f32 v21, v25;
	v25 =	vmul.f32 v26, v33;
	v54 =	vsub.f32 $1.500000000e+00, v42  }
0x197: {  	v13 =	vmul.f32 v13, v13;
	v21 =	vmul.f32 v32, v37;
	v15 =	vsub.f32 v17, v15;
	v17 =	vld [tilespmem:s26+$0x3080]  }
0x198: {  	v2 =	vld [tilespmem:s26+$0x5080];
	v23 =	vadd.f32 v12, v23;
	v41 =	vmul.f32 v24, v54;
	v45 =	vsub.f32 $1.500000000e+00, v25  }
0x199: {  	v53 =	vld [tilespmem:s26+$0x280];
	v24 =	vsub.f32 v18, v22;
	v21 =	vmul.f32 v32, v21;
	v50 =	vmul.f32 v15, v15  }
0x19a: {  	v22 =	vsub.f32 v49, v43;
	v15 =	vmul.f32 $5.000000000e-01, v10;
	v14 =	vsub.f32 v16, v14;
	v16 =	vld [tilespmem:s26+$0x4280]  }
0x19b: {  	v3 =	vld [tilespmem:s26+$0x6200];
	v57 =	vmul.f32 v40, v40;
	v20 =	vadd.f32 v50, v20;
	v21 =	vsub.f32 $1.500000000e+00, v21  }
0x19c: {  	v58 =	vld [tilespmem:s31+$0x7000];
	v55 =	vmul.f32 v52, v15;
	v14 =	vmul.f32 v14, v14;
	v17 =	vsub.f32 v17, v51  }
0x19d: {  	v25 =	vld [tilespmem:s26+$0x7100];
	v12 =	vmul.f32 v32, v21;
	v47 =	vadd.f32 v11, v20;
	v11 =	vmul.f32 v41, v31  }
0x19e: {  	v18 =	vmul.f32 v52, v55;
	v20 =	vld [tilespmem:s26+$0x3100];
	v14 =	vadd.f32 v14, v44;
	v32 =	vmul.f32 v28, v28  }
0x19f: {  	v31 =	vld [tilespmem:s31+$0x3000];
	v17 =	vmul.f32 v17, v17;
	v21 =	vsub.f32 v53, v16;
	v16 =	vmul.f32 v11, v41  }
0x1a0: {  	v59 =	vmul.f32 v12, v37;
	v14 =	vadd.f32 v19, v14;
	v19 =	vsub.f32 $1.500000000e+00, v18;
	v18 =	vld [tilespmem:s26+$0x4200]  }
0x1a1: {  	v13 =	vadd.f32 v17, v13;
	v17 =	vmul.f32 v26, v45;
	v26 =	vld [tilespmem:s26+$0x3200];
	v60 =	vsub.f32 $1.500000000e+00, v16  }
0x1a2: {  	v62 =	vmul.f32 v59, v12;
	v16 =	vadd.f32 v27, v30;
	v27 =	vld [tilespmem:s26+$0x7280];
	v14 =	vadd.f32 v47, v14  }
0x1a3: {  	v11 =	vadd.f32 v13, v23;
	v61 =	vmul.f32 v17, v29;
	v29 =	vld [tilespmem:s26+$0x7200];
	v63 =	vmul.f32 v60, v41  }
0x1a4: {  	v23 =	vld [tilespmem:s26+$0x3280];
	v13 =	vadd.f32 v57, v36;
	v28 =	vsub.f32 v31, v58;
	v31 =	vmul.f32 v52, v19  }
0x1a5: {  	s28 =	simm.s32 $0x80;
	s7 =	simm.s32 $0x10;
	v19 =	vld [tilespmem:s26+$0x200];
	v30 =	vsub.f32 $1.500000000e+00, v62;
	v33 =	vmul.f32 v61, v17;
	v34 =	vmul.f32 v63, v34  }
.LBB2_9:
0x1a6: {  	s0 =	sand.u32 $0xFFFFFC00, s28  }
0x1a7: {  	s8 =	sand.u32 $0x70, s7;
	s16 =	sand.u32 $0xC00, s28;
	v24 =	vmul.f32 v24, v24;
	v33 =	vsub.f32 $1.500000000e+00, v33;
	v35 =	vld [tilespmem:s26+$0x1080];
	v20 =	vsub.f32 v20, v25;
	s23 =	smov.u32 s7  }
0x1a8: {  	s2 =	sadd.s32 $0x10, s7;
	v22 =	vmul.f32 v22, v22;
	s15 =	sadd.s32 s0, s23;
	v25 =	vmul.f32 v31, v15;
	v34 =	vadd.f32 v34, v34;
	v36 =	vld [tilespmem:s26+$0x2200];
	s26 =	sor.u32 s8, s16  }
0x1a9: {  	p1 =	sne.s32 s7, $0x1F0;
	v21 =	vmul.f32 v21, v21;
	v26 =	vsub.f32 v26, v29;
	s0 =	sor.u32 $0x180, s15;
	v15 =	vld [tilespmem:s26+$0x6100];
	v33 =	vmul.f32 v33, v17  }
0x1aa: {  	v22 =	vadd.f32 v24, v22;
	v29 =	vld [tilespmem:s26+$0x5080];
	vm0 =	veq.f32 v18, $1.000000000e+00;
	v24 =	vmul.f32 v25, v31  }
0x1ab: {  	s8 =	sor.u32 s23, s28;
	v21 =	vadd.f32 v32, v21;
	v20 =	vmul.f32 v20, v20;
	v17 =	vld [tilespmem:s26+$0x2100];
	v7 =	vmul.f32 v33, v7  }
0x1ac: {  	s23 =	sor.u32 $0x380, s8;
	v33 =	vmul.f32 v28, v28;
	v25 =	vld [tilespmem:s26+$0x6080];
	v24 =	vsub.f32 $1.500000000e+00, v24;
	v32 =	vsub.f32 v35, v2  }
0x1ad: {  	v21 =	vadd.f32 v21, v22;
	v22 =	vmul.f32 v30, v12;
	v12 =	vsub.f32 v23, v27;
	v28 =	vld [tilespmem:s26+$0x2080]  }
0x1ae: {  	v26 =	vmul.f32 v26, v26;
	v20 =	vadd.f32 v33, v20;
	v23 =	vld [tilespmem:s26+$0x6000];
	v24 =	vmul.f32 v24, v31  }
0x1af: {  	v18 =	vsub.f32 v19, v18;
	v7 =	vadd.f32 v7, v7;
	v19 =	vmul.f32 v12, v12;
	v27 =	vld [tilespmem:s26+$0x2000];
	v2 =	vmovc v29  }
0x1b0: {  	s16 =	sor.u32 $0x1380, s8;
	v9 =	vmul.f32 v22, v9;
	v3 =	vsub.f32 v36, v3;
	v12 =	vld [tilespmem:s26+$0x5100];
	v10 =	vmul.f32 v24, v10  }
0x1b1: {  	v6 =	vsub.f32 v6, v34;
	v19 =	vadd.f32 v19, v26;
	v24 =	vmul.f32 v32, v32;
	v22 =	vld [tilespmem:s26+$0x5300]  }
0x1b2: {  	v18 =	vmul.f32 v18, v18;
	v3 =	vmul.f32 v3, v3;
	v26 =	vld [tilespmem:s26+$0x1300];
	v10 =	vadd.f32 v10, v10  }
0x1b3: {  	v9 =	vadd.f32 v9, v9;
	v4 =	vsub.f32 v4, v7;
	v29 =	vld [tilespmem:s26+$0x6280]  }
0x1b4: {  	s7 =	sor.u32 $0x1180, s15;
	v8 =	vadd.f32 v8, v3;
	v7 =	vld [tilespmem:s26+$0x2280];
	v10 =	vsub.f32 v16, v10  }
0x1b5: {  	v5 =	vsub.f32 v5, v9;
	v9 =	vadd.f32 v24, v18;
	v16 =	vld [tilespmem:s7+$0x0]  }
0x1b6: {  	v8 =	vadd.f32 v8, v13;
	v3 =	vld [tilespmem:s26+$0x6200];
	v6 =	vadd.f32 v6, v10  }
0x1b7: {  	v4 =	vadd.f32 v4, v5;
	v5 =	vadd.f32 v19, v20;
	v13 =	vld [tilespmem:s16+$0x4000]  }
0x1b8: {  	v8 =	vadd.f32 v11, v8;
	v10 =	vld [tilespmem:s26+$0x5280]  }
0x1b9: {  	v4 =	vadd.f32 v4, v6;
	v11 =	vld [tilespmem:s26+$0x1280];
	v18 =	vsub.f32 v7, v29  }
0x1ba: {  	v7 =	vadd.f32 v8, v14;
	v6 =	vld [tilespmem:s26+$0x5200]  }
0x1bb: {  	v19 =	vsel vm0, $0x3F800000, v0;
	v4 =	vadd.f32 v4, v21;
	v8 =	vld [tilespmem:s26+$0x1200]  }
0x1bc: {  	v5 =	vadd.f32 v5, v7;
	v20 =	vld [tilespmem:s26+$0x5000]  }
0x1bd: {  	v4 =	vmul.f32 $5.000000000e+00, v4;
	v7 =	vld [tilespmem:s26+$0x1000]  }
0x1be: {  	s8 =	sor.u32 $0x2380, s8;
	v9 =	vmul.f32 $5.000000000e-01, v9;
	v14 =	vld [tilespmem:s26+$0x4100]  }
0x1bf: {  	v4 =	vadd.f32 v5, v4;
	v21 =	vld [tilespmem:s26+$0x2300]  }
0x1c0: {  	v5 =	vld [tilespmem:s0+$0x4000];
	v24 =	vsub.f32 v8, v6;
	v8 =	vsub.f32 v11, v10  }
0x1c1: {  	v6 =	vsub.f32 v26, v22;
	v11 =	vadd.f32 v4, v9;
	v10 =	vld [tilespmem:s0+$0x0]  }
0x1c2: {  	v22 =	vld [tilespmem:s23+$0x4000];
	v4 =	vadd.f32 v20, v7;
	v7 =	vmul.f32 v20, v7  }
0x1c3: {  	v23 =	vsub.f32 v27, v23;
	v26 =	vmul.f32 v6, v6;
	v6 =	vmul.f32 v11, v19;
	v20 =	vld [tilespmem:s23+$0x0]  }
0x1c4: {  	s15 =	sor.u32 $0x2180, s15;
	v7 =	vmax.f32 v7, $9.999999960e-13;
	v11 =	vld [tilespmem:s8+$0x4000]  }
0x1c5: {  	v9 =	vadd.f32 v6, v9;
	v19 =	vshrl.u32 v7, $0x1;
	v27 =	vmul.f32 $5.000000000e-01, v7;
	v29 =	vld [tilespmem:s8+$0x0]  }
0x1c6: {  	v6 =	vadd.f32 v5, v10;
	v5 =	vmul.f32 v5, v10;
	v10 =	vmul.f32 v23, v23;
	v23 =	vld [tilespmem:s15+$0x4000]  }
0x1c7: {  	v25 =	vsub.f32 v28, v25;
	v30 =	vsub.s32 $0x5F3759DF, v19;
	v1 =	vadd.f32 v9, v1;
	v28 =	vld [tilespmem:s15+$0x0]  }
0x1c8: {  	v31 =	vld [tilespmem:s26+$0x100];
	v19 =	vmax.f32 v5, $9.999999960e-13;
	v5 =	vadd.f32 v22, v20;
	v9 =	vmul.f32 v22, v20  }
0x1c9: {  	v32 =	vmul.f32 v8, v8;
	v8 =	vsub.f32 v17, v15;
	v20 =	vshrl.u32 v19, $0x1;
	v22 =	vld [tilespmem:s16+$0x0]  }
0x1ca: {  	v17 =	vsub.s32 $0x5F3759DF, v20;
	v20 =	vmul.f32 $5.000000000e-01, v19;
	v9 =	vmax.f32 v9, $9.999999960e-13;
	v33 =	vld [tilespmem:s7+$0x4000]  }
0x1cb: {  	v36 =	vmul.f32 v8, v8;
	v34 =	vmul.f32 v30, v27;
	v15 =	vshrl.u32 v9, $0x1;
	v35 =	vld [tilespmem:s26+$0x1100]  }
0x1cc: {  	v38 =	vmul.f32 $5.000000000e-01, v9;
	v37 =	vsub.s32 $0x5F3759DF, v15;
	v15 =	vmul.f32 v25, v25;
	v25 =	vld [tilespmem:s26+$0x6300]  }
0x1cd: {  	v8 =	vmul.f32 v18, v18;
	v23 =	vsub.f32 v28, v23;
	v39 =	vmul.f32 v14, v31;
	v18 =	vld [tilespmem:s26+$0x3000]  }
0x1ce: {  	v34 =	vmul.f32 v30, v34;
	v28 =	vmul.f32 v37, v38;
	v40 =	vld [tilespmem:s26+$0x7000];
	v41 =	vadd.f32 v15, v10  }
0x1cf: {  	v13 =	vsub.f32 v22, v13;
	v10 =	vmax.f32 v39, $9.999999960e-13;
	v39 =	vmul.f32 v24, v24;
	v22 =	vld [tilespmem:s26+$0x3080]  }
0x1d0: {  	v15 =	vmul.f32 v17, v20;
	v42 =	vld [tilespmem:s26+$0x0];
	v24 =	vshrl.u32 v10, $0x1;
	v12 =	vsub.f32 v35, v12  }
0x1d1: {  	v28 =	vmul.f32 v37, v28;
	v13 =	vmul.f32 v13, v13;
	v21 =	vsub.f32 v21, v25;
	v25 =	vld [tilespmem:s26+$0x7080]  }
0x1d2: {  	v11 =	vsub.f32 v29, v11;
	v43 =	vmul.f32 v17, v15;
	v35 =	vld [tilespmem:s26+$0x4000];
	v44 =	vmul.f32 v12, v12  }
0x1d3: {  	v15 =	vmul.f32 $5.000000000e-01, v10;
	v13 =	vadd.f32 v13, v26;
	v29 =	vld [tilespmem:s26+$0x80];
	v12 =	vsub.f32 v18, v40  }
0x1d4: {  	v11 =	vmul.f32 v11, v11;
	v40 =	vsub.s32 $0x5F3759DF, v24;
	v21 =	vmul.f32 v21, v21;
	v18 =	vld [tilespmem:s26+$0x4080]  }
0x1d5: {  	v16 =	vsub.f32 v16, v33;
	v24 =	vsub.f32 $1.500000000e+00, v43;
	v26 =	vld [tilespmem:s26+$0x280];
	v33 =	vmul.f32 v12, v12  }
0x1d6: {  	v45 =	vmul.f32 v40, v15;
	v12 =	vsub.f32 $1.500000000e+00, v28;
	v43 =	vld [tilespmem:s26+$0x4280];
	v22 =	vsub.f32 v22, v25  }
0x1d7: {  	v46 =	vmul.f32 v17, v24;
	v17 =	vsub.f32 $1.500000000e+00, v34;
	v11 =	vadd.f32 v11, v21;
	v28 =	vld [tilespmem:s26+$0x300]  }
0x1d8: {  	v12 =	vmul.f32 v37, v12;
	v37 =	vadd.f32 v41, v13;
	v34 =	vld [tilespmem:s26+$0x4300];
	v21 =	vmul.f32 v22, v22  }
0x1d9: {  	v13 =	vmul.f32 v40, v45;
	v24 =	vsub.f32 v29, v18;
	v18 =	vmul.f32 v46, v20;
	v20 =	vld [tilespmem:s26+$0x3100]  }
0x1da: {  	v16 =	vmul.f32 v16, v16;
	v22 =	vsub.f32 v42, v35;
	v25 =	vld [tilespmem:s26+$0x7100];
	v29 =	vadd.f32 v21, v33  }
0x1db: {  	v17 =	vmul.f32 v30, v17;
	v21 =	vsub.f32 v26, v43;
	v18 =	vmul.f32 v18, v46;
	v35 =	vld [tilespmem:s0+$0x3000]  }
0x1dc: {  	v16 =	vadd.f32 v16, v44;
	v30 =	vmul.f32 v23, v23;
	v23 =	vadd.f32 v32, v39;
	v41 =	vld [tilespmem:s0+$0x7000]  }
0x1dd: {  	v32 =	vmul.f32 v12, v38;
	v11 =	vadd.f32 v29, v11;
	v28 =	vsub.f32 v28, v34;
	v26 =	vld [tilespmem:s26+$0x3200]  }
.Ltmp6:
0x1de: {  	v27 =	vmul.f32 v17, v27;
	v38 =	vadd.f32 v23, v16;
	v18 =	vsub.f32 $1.500000000e+00, v18;
	v29 =	vld [tilespmem:s26+$0x7200];
	(pc) =	sbr.rel @p1 .LBB2_9-.Ltmp6, $4  }
0x1df: {  	v39 =	vmul.f32 v32, v12;
	v34 =	vsub.f32 $1.500000000e+00, v13;
	v13 =	vadd.f32 v30, v36;
	v23 =	vld [tilespmem:s26+$0x3280]  }
0x1e0: {  	v16 =	vadd.f32 v14, v31;
	v33 =	vmul.f32 v27, v17;
	v14 =	vmul.f32 v18, v46;
	v27 =	vld [tilespmem:s26+$0x7280]  }
0x1e1: {  	v30 =	vsub.f32 $1.500000000e+00, v39;
	v32 =	vmul.f32 v28, v28;
	v18 =	vld [tilespmem:s26+$0x4200];
	v28 =	vsub.f32 v35, v41  }
0x1e2: {  	s28 =	sadd.s32 $0x80, s28;
	s7 =	smov.u32 s2;
	v31 =	vmul.f32 v40, v34;
	v34 =	vmul.f32 v14, v19;
	v14 =	vadd.f32 v37, v38;
	v19 =	vld [tilespmem:s26+$0x200]  }
0x1e3: {  	_ = 	snop  }
0x1e4: {  	v15 =	vmul.f32 v31, v15  }
0x1e5: {  	v24 =	vmul.f32 v24, v24;
	v22 =	vmul.f32 v22, v22  }
0x1e6: {  	v33 =	vsub.f32 $1.500000000e+00, v33;
	v21 =	vmul.f32 v21, v21;
	v15 =	vmul.f32 v15, v31  }
0x1e7: {  	v36 =	vld [tilespmem:s26+$0x2200];
	v20 =	vsub.f32 v20, v25;
	v51 =	vsub.f32 v26, v29;
	v12 =	vmul.f32 v30, v12  }
0x1e8: {  	v55 =	vmul.f32 v28, v28;
	v50 =	vadd.f32 v34, v34;
	v15 =	vsub.f32 $1.500000000e+00, v15  }
0x1e9: {  	v17 =	vmul.f32 v33, v17;
	v22 =	vadd.f32 v24, v22;
	v21 =	vadd.f32 v32, v21  }
0x1ea: {  	v53 =	vsub.f32 v23, v27;
	v9 =	vmul.f32 v12, v9;
	v15 =	vmul.f32 v15, v31  }
0x1eb: {  	v54 =	vmul.f32 v20, v20;
	v6 =	vsub.f32 v6, v50;
	v7 =	vmul.f32 v17, v7  }
0x1ec: {  	v52 =	vadd.f32 v21, v22;
	v3 =	vsub.f32 v36, v3;
	v10 =	vmul.f32 v15, v10  }
0x1ed: {  	v9 =	vadd.f32 v9, v9;
	v7 =	vadd.f32 v7, v7  }
0x1ee: {  	v35 =	vld [tilespmem:s26+$0x1080];
	v58 =	vadd.f32 v55, v54;
	v3 =	vmul.f32 v3, v3;
	v10 =	vadd.f32 v10, v10  }
0x1ef: {  	v5 =	vsub.f32 v5, v9;
	v4 =	vsub.f32 v4, v7  }
0x1f0: {  	v57 =	vmul.f32 v51, v51;
	v3 =	vadd.f32 v8, v3;
	v56 =	vsub.f32 v16, v10  }
0x1f1: {  	v59 =	vmul.f32 v53, v53;
	v60 =	vsub.f32 v19, v18;
	v4 =	vadd.f32 v4, v5  }
0x1f2: {  	v3 =	vadd.f32 v3, v13;
	v6 =	vadd.f32 v6, v56  }
0x1f3: {  	v2 =	vsub.f32 v35, v2;
	v61 =	vadd.f32 v59, v57  }
0x1f4: {  	v3 =	vadd.f32 v11, v3;
	v4 =	vadd.f32 v4, v6  }
0x1f5: {  	v2 =	vmul.f32 v2, v2;
	v62 =	vadd.f32 v61, v58  }
0x1f6: {  	v5 =	vmul.f32 v60, v60;
	v3 =	vadd.f32 v3, v14;
	v4 =	vadd.f32 v4, v52;
	_ =	sdelay $0x1  }
0x1f7: {  	v2 =	vadd.f32 v2, v5;
	v3 =	vadd.f32 v62, v3;
	v4 =	vmul.f32 $5.000000000e+00, v4;
	_ =	sdelay $0x1  }
0x1f8: {  	v2 =	vmul.f32 $5.000000000e-01, v2;
	v3 =	vadd.f32 v3, v4;
	_ =	sdelay $0x1  }
0x1f9: {  	vm0 =	veq.f32 v18, $1.000000000e+00;
	v3 =	vadd.f32 v3, v2  }
0x1fa: {  	v63 =	vsel vm0, $0x3F800000, v0  }
.Ltmp7:
0x1fb: {  	v3 =	vmul.f32 v3, v63;
	(pc) =	sbr.rel .LBB2_11-.Ltmp7, $3  }
0x1fc: {  	_ = 	snop  }
0x1fd: {  	v2 =	vadd.f32 v3, v2;
	_ =	sdelay $0x1  }
0x1fe: {  	v1 =	vadd.f32 v2, v1  }
.LBB2_12:
0x1ff: {  	_ =	sfence.sel $0x180000  }
0x200: {  	[bflag:$0x0] =	sbarrier.arrive $0xFFFF  }
0x201: {  	_ =	strace $0x90000047  }
0x202: {  	s0 =	stileid.u32;
	[bflag:$0x2] =	sbarrier.arrive $0xFFFF  }
0x203: {  	p0 =	sne.s32 s0, $0x0;
	s0 =	rddreg [dreg:$0x3]  }
0x204: {  	s0 =	sadd.s32 @!p0 $0x100000, s0  }
0x205: {  	[sflag:s0] =	ssyncadd.tile.s32 @!p0 $0x1;
	_ =	shalt  }
.Lfunc_end2:
_tile_overlayer_lowered:
.L_overlay_start_2:
0x206: {  	(tag) =	ssettag $0x2  }
0x207: {  	s0 =	rddreg [dreg:$0x0];
	s2 =	stileid.u32  }
0x208: {  	s1 =	rddreg [dreg:$0x1];
	p0 =	sne.s32 s2, $0x0  }
0x209: {  	s3 =	rddreg [dreg:$0x2];
	[bflag:$0x3] =	sbarrier.arrive $0xFFFF;
	s2 =	simm.s32 @!p0 $0x1C03  }
0x20a: {  	[timem:s3], [sflag:s2] =	dma.local @!p0 [hbm:s0], s1  }
0x20b: {  	s0 =	simm.s32 @!p0 $0x3  }
0x20c: {  	_ =	swait.ge @!p0 [sflag:s0], s1  }
0x20d: {  	s1 =	ssub.s32 @!p0 $0x0, s1;
	[sflag:s0] =	ssyncset.done @!p0 $0x0  }
0x20e: {  	[sflag:s0] =	ssyncadd.s32 @!p0 s1  }
0x20f: {  	[bflag:$0x3] =	sbarrier.arrive $0xFFFF  }
0x210: {  	_ =	shalt  }

</sc_bundles>
